<compile_context>
chip_gen: v7x
topology: tpu7x:2x2x1
jax: 0.10.2.dev20260603
libtpu: 0.0.44.dev20260713+nightly
codegen_flags: <defaults>
</compile_context>

<pallas_src>
import functools

import jax
import jax.numpy as jnp
from jax import lax
from jax.experimental import pallas as pl
from jax.experimental.pallas import tpu as pltpu
from jax.experimental.pallas import tpu_sc as plsc

_R2 = 0.01
_N = 10000
_NP = 10240
_NW = 32
_RPW = _NP // _NW
_CAP = 14336
_EB = 64
_NBLK = _CAP // _EB
_EB4 = 512
_NBLK4 = _CAP // _EB4
_HIGH = jax.lax.Precision.HIGHEST


def _dot(a, b):
    return jax.lax.dot_general(a, b, (((1,), (0,)), ((), ())),
                               preferred_element_type=jnp.float32,
                               precision=_HIGH)



def _k1_body(x_ref, f_ref, y_ref, w0x_ref, w0f_ref, b0_ref, w0y_ref,
             a_ref, c_ref):
    a_ref[...] = (_dot(x_ref[...], w0x_ref[...]) +
                  _dot(f_ref[...], w0f_ref[...]) + b0_ref[...])
    c_ref[...] = _dot(y_ref[...], w0y_ref[...])



def _k2_body(nsb, y_ref, xt_ref, mask_ref, deg_ref, deg_acc):
    sb = pl.program_id(1)
    y = y_ref[...]
    d2 = jnp.zeros((y.shape[0], xt_ref.shape[1]), jnp.float32)
    for c in range(3):
        dx = y[:, c:c + 1] - xt_ref[c:c + 1, :]
        d2 = d2 + dx * dx
    m = (d2 <= _R2)
    mask_ref[...] = m.astype(jnp.int32)
    degs = jnp.sum(m.astype(jnp.float32), axis=1, keepdims=True)
    degs = jnp.broadcast_to(degs, (y.shape[0], 128))

    @pl.when(sb == 0)
    def _i():
        deg_acc[...] = degs

    @pl.when(sb > 0)
    def _a():
        deg_acc[...] += degs

    @pl.when(sb == nsb - 1)
    def _f():
        deg_ref[...] = deg_acc[...]



def _k3_body(mask_h, a_h, f_h, hbuf_h, fbuf_h, edst_h,
             tbuf, tbuf2, esrc_v, edst_v, arows, frows, arows2, frows2,
             sem, sem2, sem3, sem4, sem5, sem6):
    wid = lax.axis_index("s") * 2 + lax.axis_index("c")
    row0 = wid * _RPW
    lanes = lax.broadcasted_iota(jnp.int32, (16,), 0)
    zero16 = jnp.zeros((16,), jnp.int32)

    def fill(i, _):
        esrc_v[pl.ds(i * 16, 16)] = zero16 + _N
        edst_v[pl.ds(i * 16, 16)] = zero16 + row0
        return 0
    lax.fori_loop(0, _CAP // 16, fill, 0, unroll=4)

    n_tiles = (_RPW // 8) * 8

    def mfire(t, buf, s):
        rt = t // 8
        cb = t % 8
        pltpu.async_copy(
            mask_h.at[pl.ds(row0 + rt * 8, 8), pl.ds(cb * 1280, 1280)],
            buf, s)

    def mdrain(buf, s):
        pltpu.make_async_copy(
            mask_h.at[pl.ds(0, 8), pl.ds(0, 1280)], buf, s).wait()

    def process(t, buf, off):
        rt = t // 8
        cb = t % 8

        def rowin(r8, off):
            j = row0 + rt * 8 + r8

            def grp(g, off):
                w0 = buf[r8, pl.ds(g * 64, 16)]
                w1 = buf[r8, pl.ds(g * 64 + 16, 16)]
                w2 = buf[r8, pl.ds(g * 64 + 32, 16)]
                w3 = buf[r8, pl.ds(g * 64 + 48, 16)]
                comb = w0 | w1 | w2 | w3
                anyhit = plsc.all_reduce_population_count(comb != 0)[0]

                def do(o):
                    for k, wk in enumerate((w0, w1, w2, w3)):
                        hit = wk != 0
                        idx = cb * 1280 + g * 64 + k * 16 + lanes
                        plsc.store_compressed(
                            esrc_v.at[pl.ds(o, 16)], idx, mask=hit)
                        plsc.store_compressed(
                            edst_v.at[pl.ds(o, 16)], zero16 + j, mask=hit)
                        pc = plsc.all_reduce_population_count(hit)[0]
                        o = jnp.minimum(o + pc, _CAP - 16)
                    return o

                return lax.cond(anyhit > 0, do, lambda o: o, off)

            return lax.fori_loop(0, 20, grp, off)

        return lax.fori_loop(0, 8, rowin, off)

    mfire(0, tbuf, sem5)

    def mpair(t2, off):
        t = t2 * 2
        mfire(t + 1, tbuf2, sem6)
        mdrain(tbuf, sem5)
        off = process(t, tbuf, off)
        mfire(t + 2, tbuf, sem5)
        mdrain(tbuf2, sem6)
        return process(t + 1, tbuf2, off)

    off = lax.fori_loop(0, n_tiles // 2 - 1, mpair, jnp.int32(0))
    t = n_tiles - 2
    mfire(t + 1, tbuf2, sem6)
    mdrain(tbuf, sem5)
    off = process(t, tbuf, off)
    mdrain(tbuf2, sem6)
    off = process(t + 1, tbuf2, off)
    pltpu.sync_copy(edst_v, edst_h.at[pl.ds(wid * _CAP, _CAP)])

    def fire(b, ar, fr, sa, sf):
        idxs = esrc_v.at[pl.ds(b * _EB, _EB)]
        pltpu.async_copy(a_h.at[idxs], ar, sa)
        pltpu.async_copy(f_h.at[idxs], fr, sf)

    def drain(b, ar, fr, sa, sf):
        pltpu.make_async_copy(a_h.at[pl.ds(0, _EB)], ar, sa).wait()
        pltpu.make_async_copy(f_h.at[pl.ds(0, _EB)], fr, sf).wait()
        base = wid * _CAP + b * _EB
        pltpu.sync_copy(ar, hbuf_h.at[pl.ds(base, _EB)])
        pltpu.sync_copy(fr, fbuf_h.at[pl.ds(base, _EB)])

    fire(0, arows, frows, sem, sem2)

    def gpair(t2, _):
        b = t2 * 2
        fire(b + 1, arows2, frows2, sem3, sem4)
        drain(b, arows, frows, sem, sem2)
        fire(b + 2, arows, frows, sem, sem2)
        drain(b + 1, arows2, frows2, sem3, sem4)
        return 0
    lax.fori_loop(0, _NBLK // 2 - 1, gpair, 0)
    b = _NBLK - 2
    fire(b + 1, arows2, frows2, sem3, sem4)
    drain(b, arows, frows, sem, sem2)
    drain(b + 1, arows2, frows2, sem3, sem4)



def _k4_body(h_ref, f_ref, dst_ref, c_ref, deg_ref, w1_ref, b1_ref,
             w2_ref, b2_ref, out_ref, acc):
    b = pl.program_id(1)
    w = pl.program_id(0)
    f32 = jnp.float32
    dstv = dst_ref[...].reshape(1, _EB4) - w * _RPW
    rows = lax.broadcasted_iota(jnp.int32, (_RPW, 1), 0)
    onehot = (rows == dstv).astype(f32)

    cexp = jax.lax.dot_general(onehot, c_ref[...], (((0,), (0,)), ((), ())),
                               preferred_element_type=f32)
    dot_h = functools.partial(jax.lax.dot_general,
                              dimension_numbers=(((1,), (0,)), ((), ())),
                              preferred_element_type=f32,
                              precision=_HIGH)
    h = jax.nn.gelu(h_ref[...] + cexp)
    h = jax.nn.gelu(dot_h(h, w1_ref[...]) + b1_ref[...])
    h2 = (dot_h(h, w2_ref[...]) + b2_ref[...]) * f_ref[...]
    contrib = jax.lax.dot_general(onehot, h2, (((1,), (0,)), ((), ())),
                                  preferred_element_type=f32)

    @pl.when(b == 0)
    def _i():
        acc[...] = contrib

    @pl.when(b > 0)
    def _a():
        acc[...] += contrib

    @pl.when(b == _NBLK4 - 1)
    def _f():
        out_ref[...] = acc[...] / jnp.maximum(deg_ref[...], 1.0)



def kernel(source, query, fun, W0, b0, W1, b1, W2, b2):
    x = source[0]
    y = query[0]
    f_ch = fun.shape[1]
    pad_n = _NP - _N
    xp = jnp.concatenate(
        [x, jnp.full((pad_n, 3), 999.0, jnp.float32)], axis=0)
    yp = jnp.concatenate(
        [y, jnp.full((pad_n, 3), 999.0, jnp.float32)], axis=0)
    funp = jnp.concatenate(
        [fun, jnp.zeros((pad_n, f_ch), jnp.float32)], axis=0)
    xt8 = jnp.concatenate([xp.T, jnp.zeros((5, _NP), jnp.float32)], axis=0)
    w0y, w0x, w0f = W0[0:3], W0[3:6], W0[6:]

    nb1 = _NP // 1024
    full = lambda a: pl.BlockSpec(a.shape, lambda *_: (0,) * a.ndim)
    a_mat, c_mat = pl.pallas_call(
        _k1_body,
        grid=(nb1,),
        in_specs=[
            pl.BlockSpec((1024, 3), lambda i: (i, 0)),
            pl.BlockSpec((1024, f_ch), lambda i: (i, 0)),
            pl.BlockSpec((1024, 3), lambda i: (i, 0)),
            full(w0x), full(w0f), full(b0), full(w0y),
        ],
        out_specs=[
            pl.BlockSpec((1024, 256), lambda i: (i, 0)),
            pl.BlockSpec((1024, 256), lambda i: (i, 0)),
        ],
        out_shape=[
            jax.ShapeDtypeStruct((_NP, 256), jnp.float32),
            jax.ShapeDtypeStruct((_NP, 256), jnp.float32),
        ],
    )(xp, funp, yp, w0x, w0f, b0, w0y)

    nsb = 5
    sbw = _NP // nsb
    mask, deg2d = pl.pallas_call(
        functools.partial(_k2_body, nsb),
        grid=(_NW, nsb),
        in_specs=[
            pl.BlockSpec((_RPW, 3), lambda qb, sb: (qb, 0)),
            pl.BlockSpec((8, sbw), lambda qb, sb: (0, sb)),
        ],
        out_specs=[
            pl.BlockSpec((_RPW, sbw), lambda qb, sb: (qb, sb)),
            pl.BlockSpec((_RPW, 128), lambda qb, sb: (qb, 0)),
        ],
        out_shape=[
            jax.ShapeDtypeStruct((_NP, _NP), jnp.int32),
            jax.ShapeDtypeStruct((_NP, 128), jnp.float32),
        ],
        scratch_shapes=[pltpu.VMEM((_RPW, 128), jnp.float32)],
    )(yp, xt8)

    mesh = plsc.VectorSubcoreMesh(core_axis_name="c", subcore_axis_name="s")
    k3 = pl.kernel(
        _k3_body,
        mesh=mesh,
        out_type=[
            jax.ShapeDtypeStruct((_NW * _CAP, 256), jnp.float32),
            jax.ShapeDtypeStruct((_NW * _CAP, f_ch), jnp.float32),
            jax.ShapeDtypeStruct((_NW * _CAP,), jnp.int32),
        ],
        scratch_types=[
            pltpu.VMEM((8, 1280), jnp.int32),
            pltpu.VMEM((8, 1280), jnp.int32),
            pltpu.VMEM((_CAP,), jnp.int32),
            pltpu.VMEM((_CAP,), jnp.int32),
            pltpu.VMEM((_EB, 256), jnp.float32),
            pltpu.VMEM((_EB, f_ch), jnp.float32),
            pltpu.VMEM((_EB, 256), jnp.float32),
            pltpu.VMEM((_EB, f_ch), jnp.float32),
            pltpu.SemaphoreType.DMA,
            pltpu.SemaphoreType.DMA,
            pltpu.SemaphoreType.DMA,
            pltpu.SemaphoreType.DMA,
            pltpu.SemaphoreType.DMA,
            pltpu.SemaphoreType.DMA,
        ],
        compiler_params=pltpu.CompilerParams(needs_layout_passes=False),
    )
    hbuf, fbuf, edst = k3(mask, a_mat, funp)
    edst3 = edst.reshape(_NW * _NBLK4, 1, _EB4)

    outp = pl.pallas_call(
        _k4_body,
        grid=(_NW, _NBLK4),
        in_specs=[
            pl.BlockSpec((_EB4, 256), lambda w, b: (w * _NBLK4 + b, 0)),
            pl.BlockSpec((_EB4, f_ch), lambda w, b: (w * _NBLK4 + b, 0)),
            pl.BlockSpec((1, 1, _EB4), lambda w, b: (w * _NBLK4 + b, 0, 0)),
            pl.BlockSpec((_RPW, 256), lambda w, b: (w, 0)),
            pl.BlockSpec((_RPW, 128), lambda w, b: (w, 0)),
            full(W1), full(b1), full(W2), full(b2),
        ],
        out_specs=pl.BlockSpec((_RPW, f_ch), lambda w, b: (w, 0)),
        out_shape=jax.ShapeDtypeStruct((_NP, f_ch), jnp.float32),
        scratch_shapes=[pltpu.VMEM((_RPW, f_ch), jnp.float32)],
    )(hbuf, fbuf, edst3, c_mat, deg2d, W1, b1, W2, b2)
    return outp[:_N]

# --- scband reference (transcript-rebuilt; emitter-appended) ---
"""Pipeline reference for scband-supernode-pooling-58171037057050 (READ-ONLY COPY).

The authoritative reference and input builder live on the scoring server;
editing this copy changes nothing except your own understanding.
"""

import jax, jax.numpy as jnp
import numpy as np

RADIUS = 0.1
F_CH = 128
HID = 128
COORD = 3
N_SRC = 10000
N_QRY = 10000


def build_edges(x, y, radius):
    # radius neighbor search: edge (src i in x) -> (dst j in y) if |y_j - x_i| <= radius
    xs = np.asarray(x, dtype=np.float32)
    ys = np.asarray(y, dtype=np.float32)
    src_list, dst_list = [], []
    chunk = 512
    r2 = radius * radius
    for start in range(0, ys.shape[0], chunk):
        yc = ys[start:start + chunk]
        d2 = ((yc[:, None, :] - xs[None, :, :]) ** 2).sum(-1)
        dst, src = np.nonzero(d2 <= r2)
        src_list.append(src.astype(np.int64))
        dst_list.append((dst + start).astype(np.int64))
    return np.concatenate(src_list), np.concatenate(dst_list)


def setup_inputs(seed: int = 0) -> dict:
    key = jax.random.key(seed)
    k1, k2, k3, k4, k5, k6 = [jax.random.fold_in(key, i) for i in range(6)]
    source = jax.random.uniform(k1, (1, N_SRC, COORD), dtype=jnp.float32)
    query = jax.random.uniform(k2, (1, N_QRY, COORD), dtype=jnp.float32)
    fun = jax.random.normal(k3, (N_SRC, F_CH), dtype=jnp.float32)
    # kernel MLP (nonlinear transform): input = [y_j, x_i, f(x_i)] -> 2H -> H -> out_channels
    d_in = 2 * COORD + F_CH
    dims = [d_in, 2 * HID, HID, HID]
    params = {}
    for li in range(3):
        kw = jax.random.fold_in(key, 100 + li)
        kb = jax.random.fold_in(key, 200 + li)
        scale = 1.0 / np.sqrt(dims[li])
        params[f"W{li}"] = jax.random.uniform(kw, (dims[li], dims[li + 1]), dtype=jnp.float32, minval=-scale, maxval=scale)
        params[f"b{li}"] = jax.random.uniform(kb, (dims[li + 1],), dtype=jnp.float32, minval=-scale, maxval=scale)
    out = {"source": source, "query": query, "fun": fun}
    out.update(params)
    return out


def reference(source, query, fun, W0, b0, W1, b1, W2, b2):
    x = source[0]  # [N_src, coord_dim]
    y = query[0]   # [N_qry, coord_dim]
    n_src = x.shape[0]
    n_qry = y.shape[0]
    coord = x.shape[1]
    f_ch = fun.shape[1]
    chunk = 50
    n_chunks = n_qry // chunk
    r2 = RADIUS * RADIUS
    xi = jnp.broadcast_to(x[None, :, :], (chunk, n_src, coord)).reshape(chunk * n_src, coord)
    fi = jnp.broadcast_to(fun[None, :, :], (chunk, n_src, f_ch)).reshape(chunk * n_src, f_ch)
    dst_local = jnp.repeat(jnp.arange(chunk), n_src)
    y_chunks = y.reshape(n_chunks, chunk, coord)

    def body(carry, yc):
        d2 = ((yc[:, None, :] - x[None, :, :]) ** 2).sum(-1)  # [chunk, n_src]
        mask = (d2 <= r2).reshape(chunk * n_src)
        yj = jnp.broadcast_to(yc[:, None, :], (chunk, n_src, coord)).reshape(chunk * n_src, coord)
        h = jnp.concatenate([yj, xi, fi], axis=-1)
        h = jax.nn.gelu(h @ W0 + b0)
        h = jax.nn.gelu(h @ W1 + b1)
        h = h @ W2 + b2
        # nonlinear transform: kernel output multiplied by f(x_i)
        h = h * fi
        mask_f = mask.astype(jnp.float32)
        h = h * mask_f[:, None]
        num_c = jax.ops.segment_sum(h, dst_local, num_segments=chunk)
        deg_c = jax.ops.segment_sum(mask_f, dst_local, num_segments=chunk)
        out_c = num_c / jnp.maximum(deg_c, 1.0)[:, None]
        return carry, out_c

    _, outs = jax.lax.scan(body, 0, y_chunks)
    return outs.reshape(n_qry, outs.shape[-1])

if __name__ == "__main__":
    import jax
    _d = setup_inputs()
    print(jax.jit(kernel)(*tuple(_d.values())))

</pallas_src>

<mosaic_0001>
#map = affine_map<(d0, d1) -> (0, 0)>
#map1 = affine_map<(d0, d1) -> (0)>
module attributes {stable_mosaic.version = 14 : i64} {
  func.func @_k3_body(%arg0: i32, %arg1: i32, %arg2: memref<10240x10240xi32, #tpu.memory_space<hbm>>, %arg3: memref<10240x256xf32, #tpu.memory_space<hbm>>, %arg4: memref<10240x128xf32, #tpu.memory_space<hbm>>, %arg5: memref<458752x256xf32, #tpu.memory_space<hbm>>, %arg6: memref<458752x128xf32, #tpu.memory_space<hbm>>, %arg7: memref<458752xi32, #tpu.memory_space<hbm>>, %arg8: memref<8x1280xi32, #tpu.memory_space<vmem>>, %arg9: memref<8x1280xi32, #tpu.memory_space<vmem>>, %arg10: memref<14336xi32, #tpu.memory_space<vmem>>, %arg11: memref<14336xi32, #tpu.memory_space<vmem>>, %arg12: memref<64x256xf32, #tpu.memory_space<vmem>>, %arg13: memref<64x128xf32, #tpu.memory_space<vmem>>, %arg14: memref<64x256xf32, #tpu.memory_space<vmem>>, %arg15: memref<64x128xf32, #tpu.memory_space<vmem>>, %arg16: memref<!tpu.dma_semaphore, #tpu.memory_space<semaphore_mem>>, %arg17: memref<!tpu.dma_semaphore, #tpu.memory_space<semaphore_mem>>, %arg18: memref<!tpu.dma_semaphore, #tpu.memory_space<semaphore_mem>>, %arg19: memref<!tpu.dma_semaphore, #tpu.memory_space<semaphore_mem>>, %arg20: memref<!tpu.dma_semaphore, #tpu.memory_space<semaphore_mem>>, %arg21: memref<!tpu.dma_semaphore, #tpu.memory_space<semaphore_mem>>) attributes {dimension_semantics = [#tpu.dimension_semantics<core_parallel>, #tpu.dimension_semantics<subcore_parallel>], iteration_bounds = array<i64: 2, 16>, scalar_prefetch = 0 : i64, scratch_operands = 14 : i64, tpu.core_type = #tpu.core_type<sc_vector_subcore>, window_params = [{transform_indices = #map}, {transform_indices = #map}, {transform_indices = #map}, {transform_indices = #map}, {transform_indices = #map}, {transform_indices = #map1}]} {
    %mul3A = arith.constant 2 : i32
    %mul3A_0 = arith.muli %arg1, %mul3A : i32
    %add3A = arith.addi %mul3A_0, %arg0 : i32
    %mul3A_1 = arith.constant 320 : i32
    %mul3A_2 = arith.muli %add3A, %mul3A_1 : i32
    %iota3A = tpu.iota {dimensions = array<i32: 0>} : vector<16xi32>
    %broadcast_in_dim3A = arith.constant 0 : i32
    %broadcast_in_dim3A_3 = vector.broadcast %broadcast_in_dim3A : i32 to vector<16xi32>
    %scan3A = arith.constant 0 : i32
    %scan3A_4 = arith.constant 0 : i32
    %scan3A_5 = arith.constant 896 : i32
    %scan3A_6 = arith.addi %scan3A_4, %scan3A_5 : i32
    %scan3A_7 = arith.constant 4 : i32
    %scan3A_8 = scf.for %scan3A_112 = %scan3A_4 to %scan3A_6 step %scan3A_7 iter_args(%scan3A_113 = %scan3A) -> (i32)  : i32 {
      %add3A_114 = arith.constant 10000 : i32
      %add3A_115 = vector.broadcast %add3A_114 : i32 to vector<16xi32>
      %add3A_116 = arith.addi %broadcast_in_dim3A_3, %add3A_115 : vector<16xi32>
      %mul3A_117 = arith.constant 16 : i32
      %mul3A_118 = arith.muli %scan3A_112, %mul3A_117 : i32
      %swap3A = arith.index_cast %mul3A_118 : i32 to index
      %swap3A_119 = tpu.vector_load %arg10[%swap3A] {strides = array<i32>} : memref<14336xi32, #tpu.memory_space<vmem>>, vector<16xi32>,
      tpu.vector_store %arg10[%swap3A], %add3A_116 {strides = array<i32>} : memref<14336xi32, #tpu.memory_space<vmem>>, vector<16xi32>,
      %add3A_120 = vector.broadcast %mul3A_2 : i32 to vector<16xi32>
      %add3A_121 = arith.addi %broadcast_in_dim3A_3, %add3A_120 : vector<16xi32>
      %mul3A_122 = arith.constant 16 : i32
      %mul3A_123 = arith.muli %scan3A_112, %mul3A_122 : i32
      %swap3A_124 = arith.index_cast %mul3A_123 : i32 to index
      %swap3A_125 = tpu.vector_load %arg11[%swap3A_124] {strides = array<i32>} : memref<14336xi32, #tpu.memory_space<vmem>>, vector<16xi32>,
      tpu.vector_store %arg11[%swap3A_124], %add3A_121 {strides = array<i32>} : memref<14336xi32, #tpu.memory_space<vmem>>, vector<16xi32>,
      %scan3A_126 = arith.constant 0 : i32
      %scan3A_127 = arith.constant 1 : i32
      %scan3A_128 = arith.addi %scan3A_112, %scan3A_127 : i32
      %add3A_129 = arith.constant 10000 : i32
      %add3A_130 = vector.broadcast %add3A_129 : i32 to vector<16xi32>
      %add3A_131 = arith.addi %broadcast_in_dim3A_3, %add3A_130 : vector<16xi32>
      %mul3A_132 = arith.constant 16 : i32
      %mul3A_133 = arith.muli %scan3A_128, %mul3A_132 : i32
      %swap3A_134 = arith.index_cast %mul3A_133 : i32 to index
      %swap3A_135 = tpu.vector_load %arg10[%swap3A_134] {strides = array<i32>} : memref<14336xi32, #tpu.memory_space<vmem>>, vector<16xi32>,
      tpu.vector_store %arg10[%swap3A_134], %add3A_131 {strides = array<i32>} : memref<14336xi32, #tpu.memory_space<vmem>>, vector<16xi32>,
      %add3A_136 = vector.broadcast %mul3A_2 : i32 to vector<16xi32>
      %add3A_137 = arith.addi %broadcast_in_dim3A_3, %add3A_136 : vector<16xi32>
      %mul3A_138 = arith.constant 16 : i32
      %mul3A_139 = arith.muli %scan3A_128, %mul3A_138 : i32
      %swap3A_140 = arith.index_cast %mul3A_139 : i32 to index
      %swap3A_141 = tpu.vector_load %arg11[%swap3A_140] {strides = array<i32>} : memref<14336xi32, #tpu.memory_space<vmem>>, vector<16xi32>,
      tpu.vector_store %arg11[%swap3A_140], %add3A_137 {strides = array<i32>} : memref<14336xi32, #tpu.memory_space<vmem>>, vector<16xi32>,
      %scan3A_142 = arith.constant 0 : i32
      %scan3A_143 = arith.constant 2 : i32
      %scan3A_144 = arith.addi %scan3A_112, %scan3A_143 : i32
      %add3A_145 = arith.constant 10000 : i32
      %add3A_146 = vector.broadcast %add3A_145 : i32 to vector<16xi32>
      %add3A_147 = arith.addi %broadcast_in_dim3A_3, %add3A_146 : vector<16xi32>
      %mul3A_148 = arith.constant 16 : i32
      %mul3A_149 = arith.muli %scan3A_144, %mul3A_148 : i32
      %swap3A_150 = arith.index_cast %mul3A_149 : i32 to index
      %swap3A_151 = tpu.vector_load %arg10[%swap3A_150] {strides = array<i32>} : memref<14336xi32, #tpu.memory_space<vmem>>, vector<16xi32>,
      tpu.vector_store %arg10[%swap3A_150], %add3A_147 {strides = array<i32>} : memref<14336xi32, #tpu.memory_space<vmem>>, vector<16xi32>,
      %add3A_152 = vector.broadcast %mul3A_2 : i32 to vector<16xi32>
      %add3A_153 = arith.addi %broadcast_in_dim3A_3, %add3A_152 : vector<16xi32>
      %mul3A_154 = arith.constant 16 : i32
      %mul3A_155 = arith.muli %scan3A_144, %mul3A_154 : i32
      %swap3A_156 = arith.index_cast %mul3A_155 : i32 to index
      %swap3A_157 = tpu.vector_load %arg11[%swap3A_156] {strides = array<i32>} : memref<14336xi32, #tpu.memory_space<vmem>>, vector<16xi32>,
      tpu.vector_store %arg11[%swap3A_156], %add3A_153 {strides = array<i32>} : memref<14336xi32, #tpu.memory_space<vmem>>, vector<16xi32>,
      %scan3A_158 = arith.constant 0 : i32
      %scan3A_159 = arith.constant 3 : i32
      %scan3A_160 = arith.addi %scan3A_112, %scan3A_159 : i32
      %add3A_161 = arith.constant 10000 : i32
      %add3A_162 = vector.broadcast %add3A_161 : i32 to vector<16xi32>
      %add3A_163 = arith.addi %broadcast_in_dim3A_3, %add3A_162 : vector<16xi32>
      %mul3A_164 = arith.constant 16 : i32
      %mul3A_165 = arith.muli %scan3A_160, %mul3A_164 : i32
      %swap3A_166 = arith.index_cast %mul3A_165 : i32 to index
      %swap3A_167 = tpu.vector_load %arg10[%swap3A_166] {strides = array<i32>} : memref<14336xi32, #tpu.memory_space<vmem>>, vector<16xi32>,
      tpu.vector_store %arg10[%swap3A_166], %add3A_163 {strides = array<i32>} : memref<14336xi32, #tpu.memory_space<vmem>>, vector<16xi32>,
      %add3A_168 = vector.broadcast %mul3A_2 : i32 to vector<16xi32>
      %add3A_169 = arith.addi %broadcast_in_dim3A_3, %add3A_168 : vector<16xi32>
      %mul3A_170 = arith.constant 16 : i32
      %mul3A_171 = arith.muli %scan3A_160, %mul3A_170 : i32
      %swap3A_172 = arith.index_cast %mul3A_171 : i32 to index
      %swap3A_173 = tpu.vector_load %arg11[%swap3A_172] {strides = array<i32>} : memref<14336xi32, #tpu.memory_space<vmem>>, vector<16xi32>,
      tpu.vector_store %arg11[%swap3A_172], %add3A_169 {strides = array<i32>} : memref<14336xi32, #tpu.memory_space<vmem>>, vector<16xi32>,
      %scan3A_174 = arith.constant 0 : i32
      scf.yield %scan3A_174 : i32
    }
    %scan3A_9 = arith.constant 896 : i32
    %add3A_10 = arith.constant 0 : i32
    %add3A_11 = arith.addi %mul3A_2, %add3A_10 : i32
    %dma_start3A = arith.constant 0 : i32
    %dma_start3A_12 = tpu.memref_slice %arg2[%add3A_11, %dma_start3A] : memref<10240x10240xi32, #tpu.memory_space<hbm>> -> memref<8x1280xi32, #tpu.memory_space<hbm>>
    %dma_start3A_13 = arith.constant 0 : i32
    %dma_start3A_14 = tpu.memref_slice %arg2[%add3A_11, %dma_start3A_13] : memref<10240x10240xi32, #tpu.memory_space<hbm>> -> memref<8x1280xi32, #tpu.memory_space<hbm>>
    tpu.enqueue_dma source(%dma_start3A_14 : memref<8x1280xi32, #tpu.memory_space<hbm>>) target(%arg8 : memref<8x1280xi32, #tpu.memory_space<vmem>>) target_semaphore(%arg20 : memref<!tpu.dma_semaphore, #tpu.memory_space<semaphore_mem>>)
    %scan3A_15 = arith.constant 0 : i32
    %scan3A_16 = arith.constant 0 : i32
    %scan3A_17 = arith.constant 159 : i32
    %scan3A_18 = arith.addi %scan3A_16, %scan3A_17 : i32
    %scan3A_19 = arith.constant 1 : i32
    %scan3A_20 = scf.for %scan3A_112 = %scan3A_16 to %scan3A_18 step %scan3A_19 iter_args(%scan3A_113 = %scan3A_15) -> (i32)  : i32 {
      %mul3A_114 = arith.constant 2 : i32
      %mul3A_115 = arith.muli %scan3A_112, %mul3A_114 : i32
      %add3A_116 = arith.constant 1 : i32
      %add3A_117 = arith.addi %mul3A_115, %add3A_116 : i32
      %jit3A = arith.constant 8 : i32
      %div3A = arith.divsi %add3A_117, %jit3A : i32
      %sign3A = arith.constant 0 : i32
      %sign3A_118 = arith.cmpi sgt, %add3A_117, %sign3A : i32
      %sign3A_119 = arith.extui %sign3A_118 : i1 to i32
      %sign3A_120 = arith.constant 0 : i32
      %sign3A_121 = arith.cmpi slt, %add3A_117, %sign3A_120 : i32
      %sign3A_122 = arith.extui %sign3A_121 : i1 to i32
      %sign3A_123 = arith.subi %sign3A_119, %sign3A_122 : i32
      %sign3A_124 = arith.constant 0 : i32
      %sign3A_125 = arith.cmpi sgt, %jit3A, %sign3A_124 : i32
      %sign3A_126 = arith.extui %sign3A_125 : i1 to i32
      %sign3A_127 = arith.constant 0 : i32
      %sign3A_128 = arith.cmpi slt, %jit3A, %sign3A_127 : i32
      %sign3A_129 = arith.extui %sign3A_128 : i1 to i32
      %sign3A_130 = arith.subi %sign3A_126, %sign3A_129 : i32
      %ne3A = arith.cmpi ne, %sign3A_123, %sign3A_130 : i32
      %rem3A = arith.remsi %add3A_117, %jit3A : i32
      %ne3A_131 = arith.constant 0 : i32
      %ne3A_132 = arith.cmpi ne, %rem3A, %ne3A_131 : i32
      %and3A = arith.andi %ne3A, %ne3A_132 : i1
      %sub3A = arith.constant 1 : i32
      %sub3A_133 = arith.subi %div3A, %sub3A : i32
      %select_n3A = arith.select %and3A, %sub3A_133, %div3A : i32
      %jit3A_134 = arith.constant 8 : i32
      %eq3A = arith.constant 0 : i32
      %eq3A_135 = arith.cmpi eq, %jit3A_134, %eq3A : i32
      %jit3A_136 = arith.constant 1 : i32
      %select_n3A_137 = arith.select %eq3A_135, %jit3A_136, %jit3A_134 : i32
      %rem3A_138 = arith.remsi %add3A_117, %select_n3A_137 : i32
      %ne3A_139 = arith.constant 0 : i32
      %ne3A_140 = arith.cmpi ne, %rem3A_138, %ne3A_139 : i32
      %lt3A = arith.constant 0 : i32
      %lt3A_141 = arith.cmpi slt, %rem3A_138, %lt3A : i32
      %lt3A_142 = arith.constant 0 : i32
      %lt3A_143 = arith.cmpi slt, %select_n3A_137, %lt3A_142 : i32
      %ne3A_144 = arith.xori %lt3A_141, %lt3A_143 : i1
      %and3A_145 = arith.andi %ne3A_144, %ne3A_140 : i1
      %add3A_146 = arith.addi %rem3A_138, %select_n3A_137 : i32
      %select_n3A_147 = arith.select %and3A_145, %add3A_146, %rem3A_138 : i32
      %mul3A_148 = arith.constant 8 : i32
      %mul3A_149 = arith.muli %select_n3A, %mul3A_148 : i32
      %add3A_150 = arith.addi %mul3A_2, %mul3A_149 : i32
      %mul3A_151 = arith.constant 1280 : i32
      %mul3A_152 = arith.muli %select_n3A_147, %mul3A_151 : i32
      %dma_start3A_153 = tpu.memref_slice %arg2[%add3A_150, %mul3A_152] : memref<10240x10240xi32, #tpu.memory_space<hbm>> -> memref<8x1280xi32, #tpu.memory_space<hbm>>
      %dma_start3A_154 = tpu.memref_slice %arg2[%add3A_150, %mul3A_152] : memref<10240x10240xi32, #tpu.memory_space<hbm>> -> memref<8x1280xi32, #tpu.memory_space<hbm>>
      tpu.enqueue_dma source(%dma_start3A_154 : memref<8x1280xi32, #tpu.memory_space<hbm>>) target(%arg9 : memref<8x1280xi32, #tpu.memory_space<vmem>>) target_semaphore(%arg21 : memref<!tpu.dma_semaphore, #tpu.memory_space<semaphore_mem>>)
      %dma_wait3A_155 = arith.constant 0 : i32
      %dma_wait3A_156 = arith.constant 0 : i32
      %dma_wait3A_157 = tpu.memref_slice %arg2[%dma_wait3A_155, %dma_wait3A_156] : memref<10240x10240xi32, #tpu.memory_space<hbm>> -> memref<8x1280xi32, #tpu.memory_space<hbm>>
      %dma_wait3A_158 = arith.constant 0 : i32
      %dma_wait3A_159 = arith.constant 0 : i32
      %dma_wait3A_160 = tpu.memref_slice %arg2[%dma_wait3A_158, %dma_wait3A_159] : memref<10240x10240xi32, #tpu.memory_space<hbm>> -> memref<8x1280xi32, #tpu.memory_space<hbm>>
      tpu.wait_dma2 semaphore(%arg20 : memref<!tpu.dma_semaphore, #tpu.memory_space<semaphore_mem>>) src(%dma_wait3A_160 : memref<8x1280xi32, #tpu.memory_space<hbm>>) dst(%arg8 : memref<8x1280xi32, #tpu.memory_space<vmem>>)
      %jit3A_161 = arith.constant 8 : i32
      %div3A_162 = arith.divsi %mul3A_115, %jit3A_161 : i32
      %sign3A_163 = arith.constant 0 : i32
      %sign3A_164 = arith.cmpi sgt, %mul3A_115, %sign3A_163 : i32
      %sign3A_165 = arith.extui %sign3A_164 : i1 to i32
      %sign3A_166 = arith.constant 0 : i32
      %sign3A_167 = arith.cmpi slt, %mul3A_115, %sign3A_166 : i32
      %sign3A_168 = arith.extui %sign3A_167 : i1 to i32
      %sign3A_169 = arith.subi %sign3A_165, %sign3A_168 : i32
      %sign3A_170 = arith.constant 0 : i32
      %sign3A_171 = arith.cmpi sgt, %jit3A_161, %sign3A_170 : i32
      %sign3A_172 = arith.extui %sign3A_171 : i1 to i32
      %sign3A_173 = arith.constant 0 : i32
      %sign3A_174 = arith.cmpi slt, %jit3A_161, %sign3A_173 : i32
      %sign3A_175 = arith.extui %sign3A_174 : i1 to i32
      %sign3A_176 = arith.subi %sign3A_172, %sign3A_175 : i32
      %ne3A_177 = arith.cmpi ne, %sign3A_169, %sign3A_176 : i32
      %rem3A_178 = arith.remsi %mul3A_115, %jit3A_161 : i32
      %ne3A_179 = arith.constant 0 : i32
      %ne3A_180 = arith.cmpi ne, %rem3A_178, %ne3A_179 : i32
      %and3A_181 = arith.andi %ne3A_177, %ne3A_180 : i1
      %sub3A_182 = arith.constant 1 : i32
      %sub3A_183 = arith.subi %div3A_162, %sub3A_182 : i32
      %select_n3A_184 = arith.select %and3A_181, %sub3A_183, %div3A_162 : i32
      %jit3A_185 = arith.constant 8 : i32
      %eq3A_186 = arith.constant 0 : i32
      %eq3A_187 = arith.cmpi eq, %jit3A_185, %eq3A_186 : i32
      %jit3A_188 = arith.constant 1 : i32
      %select_n3A_189 = arith.select %eq3A_187, %jit3A_188, %jit3A_185 : i32
      %rem3A_190 = arith.remsi %mul3A_115, %select_n3A_189 : i32
      %ne3A_191 = arith.constant 0 : i32
      %ne3A_192 = arith.cmpi ne, %rem3A_190, %ne3A_191 : i32
      %lt3A_193 = arith.constant 0 : i32
      %lt3A_194 = arith.cmpi slt, %rem3A_190, %lt3A_193 : i32
      %lt3A_195 = arith.constant 0 : i32
      %lt3A_196 = arith.cmpi slt, %select_n3A_189, %lt3A_195 : i32
      %ne3A_197 = arith.xori %lt3A_194, %lt3A_196 : i1
      %and3A_198 = arith.andi %ne3A_197, %ne3A_192 : i1
      %add3A_199 = arith.addi %rem3A_190, %select_n3A_189 : i32
      %select_n3A_200 = arith.select %and3A_198, %add3A_199, %rem3A_190 : i32
      %scan3A_201 = arith.constant 0 : i32
      %scan3A_202 = arith.constant 8 : i32
      %scan3A_203 = arith.addi %scan3A_201, %scan3A_202 : i32
      %scan3A_204 = arith.constant 1 : i32
      %scan3A_205 = scf.for %scan3A_310 = %scan3A_201 to %scan3A_203 step %scan3A_204 iter_args(%scan3A_311 = %scan3A_113) -> (i32)  : i32 {
        %mul3A_312 = arith.constant 8 : i32
        %mul3A_313 = arith.muli %select_n3A_184, %mul3A_312 : i32
        %add3A_314 = arith.addi %mul3A_2, %mul3A_313 : i32
        %add3A_315 = arith.addi %add3A_314, %scan3A_310 : i32
        %scan3A_316 = arith.constant 0 : i32
        %scan3A_317 = arith.constant 20 : i32
        %scan3A_318 = arith.addi %scan3A_316, %scan3A_317 : i32
        %scan3A_319 = arith.constant 1 : i32
        %scan3A_320 = scf.for %scan3A_322 = %scan3A_316 to %scan3A_318 step %scan3A_319 iter_args(%scan3A_323 = %scan3A_311) -> (i32)  : i32 {
          %mul3A_324 = arith.constant 64 : i32
          %mul3A_325 = arith.muli %scan3A_322, %mul3A_324 : i32
          %get3A = arith.index_cast %scan3A_310 : i32 to index
          %get3A_326 = arith.index_cast %mul3A_325 : i32 to index
          %get3A_327 = tpu.vector_load %arg8[%get3A, %get3A_326] {strides = array<i32>} : memref<8x1280xi32, #tpu.memory_space<vmem>>, vector<16xi32>,
          %mul3A_328 = arith.constant 64 : i32
          %mul3A_329 = arith.muli %scan3A_322, %mul3A_328 : i32
          %add3A_330 = arith.constant 16 : i32
          %add3A_331 = arith.addi %mul3A_329, %add3A_330 : i32
          %get3A_332 = arith.index_cast %scan3A_310 : i32 to index
          %get3A_333 = arith.index_cast %add3A_331 : i32 to index
          %get3A_334 = tpu.vector_load %arg8[%get3A_332, %get3A_333] {strides = array<i32>} : memref<8x1280xi32, #tpu.memory_space<vmem>>, vector<16xi32>,
          %mul3A_335 = arith.constant 64 : i32
          %mul3A_336 = arith.muli %scan3A_322, %mul3A_335 : i32
          %add3A_337 = arith.constant 32 : i32
          %add3A_338 = arith.addi %mul3A_336, %add3A_337 : i32
          %get3A_339 = arith.index_cast %scan3A_310 : i32 to index
          %get3A_340 = arith.index_cast %add3A_338 : i32 to index
          %get3A_341 = tpu.vector_load %arg8[%get3A_339, %get3A_340] {strides = array<i32>} : memref<8x1280xi32, #tpu.memory_space<vmem>>, vector<16xi32>,
          %mul3A_342 = arith.constant 64 : i32
          %mul3A_343 = arith.muli %scan3A_322, %mul3A_342 : i32
          %add3A_344 = arith.constant 48 : i32
          %add3A_345 = arith.addi %mul3A_343, %add3A_344 : i32
          %get3A_346 = arith.index_cast %scan3A_310 : i32 to index
          %get3A_347 = arith.index_cast %add3A_345 : i32 to index
          %get3A_348 = tpu.vector_load %arg8[%get3A_346, %get3A_347] {strides = array<i32>} : memref<8x1280xi32, #tpu.memory_space<vmem>>, vector<16xi32>,
          %or3A = arith.ori %get3A_327, %get3A_334 : vector<16xi32>
          %or3A_349 = arith.ori %or3A, %get3A_341 : vector<16xi32>
          %or3A_350 = arith.ori %or3A_349, %get3A_348 : vector<16xi32>
          %ne3A_351 = arith.constant 0 : i32
          %ne3A_352 = vector.broadcast %ne3A_351 : i32 to vector<16xi32>
          %ne3A_353 = arith.cmpi ne, %or3A_350, %ne3A_352 : vector<16xi32>
          %all_reduce_population_count3A = tpu.all_reduce %ne3A_353 {dim = 0 : i64, kind = #tpu.reduction_kind<sum>} : vector<16xi1> -> vector<16xi32>
          %slice3A = vector.extract_strided_slice %all_reduce_population_count3A {offsets = [0], sizes = [1], strides = [1]} : vector<16xi32> to vector<1xi32>
          %squeeze3A = vector.extract %slice3A[0] : i32 from vector<1xi32>
          %gt3A = arith.constant 0 : i32
          %gt3A_354 = arith.cmpi sgt, %squeeze3A, %gt3A : i32
          %convert_element_type3A = arith.extui %gt3A_354 : i1 to i32
          %cond3A = arith.constant 0 : i32
          %cond3A_355 = arith.cmpi ne, %convert_element_type3A, %cond3A : i32
          %cond3A_356 = scf.if %cond3A_355 -> (i32) {
            %ne3A_357 = arith.constant 0 : i32
            %ne3A_358 = vector.broadcast %ne3A_357 : i32 to vector<16xi32>
            %ne3A_359 = arith.cmpi ne, %get3A_327, %ne3A_358 : vector<16xi32>
            %mul3A_360 = arith.constant 1280 : i32
            %mul3A_361 = arith.muli %select_n3A_200, %mul3A_360 : i32
            %mul3A_362 = arith.constant 64 : i32
            %mul3A_363 = arith.muli %scan3A_322, %mul3A_362 : i32
            %add3A_364 = arith.addi %mul3A_361, %mul3A_363 : i32
            %add3A_365 = arith.constant 0 : i32
            %add3A_366 = arith.addi %add3A_364, %add3A_365 : i32
            %add3A_367 = vector.broadcast %add3A_366 : i32 to vector<16xi32>
            %add3A_368 = arith.addi %add3A_367, %iota3A : vector<16xi32>
            %swap3A = arith.index_cast %scan3A_323 : i32 to index
            %swap3A_369 = tpu.vector_load %arg10[%swap3A] masked %ne3A_359 {strides = array<i32>} : memref<14336xi32, #tpu.memory_space<vmem>>, vector<16xi32>, vector<16xi1>
            tpu.vector_store %arg10[%swap3A], %add3A_368 masked %ne3A_359 {strides = array<i32>} : memref<14336xi32, #tpu.memory_space<vmem>>, vector<16xi32>, vector<16xi1>
            %add3A_370 = vector.broadcast %add3A_315 : i32 to vector<16xi32>
            %add3A_371 = arith.addi %broadcast_in_dim3A_3, %add3A_370 : vector<16xi32>
            %swap3A_372 = arith.index_cast %scan3A_323 : i32 to index
            %swap3A_373 = tpu.vector_load %arg11[%swap3A_372] masked %ne3A_359 {strides = array<i32>} : memref<14336xi32, #tpu.memory_space<vmem>>, vector<16xi32>, vector<16xi1>
            tpu.vector_store %arg11[%swap3A_372], %add3A_371 masked %ne3A_359 {strides = array<i32>} : memref<14336xi32, #tpu.memory_space<vmem>>, vector<16xi32>, vector<16xi1>
            %all_reduce_population_count3A_374 = tpu.all_reduce %ne3A_359 {dim = 0 : i64, kind = #tpu.reduction_kind<sum>} : vector<16xi1> -> vector<16xi32>
            %slice3A_375 = vector.extract_strided_slice %all_reduce_population_count3A_374 {offsets = [0], sizes = [1], strides = [1]} : vector<16xi32> to vector<1xi32>
            %squeeze3A_376 = vector.extract %slice3A_375[0] : i32 from vector<1xi32>
            %add3A_377 = arith.addi %scan3A_323, %squeeze3A_376 : i32
            %min3A = arith.constant 14320 : i32
            %min3A_378 = arith.minsi %add3A_377, %min3A : i32
            %ne3A_379 = arith.constant 0 : i32
            %ne3A_380 = vector.broadcast %ne3A_379 : i32 to vector<16xi32>
            %ne3A_381 = arith.cmpi ne, %get3A_334, %ne3A_380 : vector<16xi32>
            %mul3A_382 = arith.constant 1280 : i32
            %mul3A_383 = arith.muli %select_n3A_200, %mul3A_382 : i32
            %mul3A_384 = arith.constant 64 : i32
            %mul3A_385 = arith.muli %scan3A_322, %mul3A_384 : i32
            %add3A_386 = arith.addi %mul3A_383, %mul3A_385 : i32
            %add3A_387 = arith.constant 16 : i32
            %add3A_388 = arith.addi %add3A_386, %add3A_387 : i32
            %add3A_389 = vector.broadcast %add3A_388 : i32 to vector<16xi32>
            %add3A_390 = arith.addi %add3A_389, %iota3A : vector<16xi32>
            %swap3A_391 = arith.index_cast %min3A_378 : i32 to index
            %swap3A_392 = tpu.vector_load %arg10[%swap3A_391] masked %ne3A_381 {strides = array<i32>} : memref<14336xi32, #tpu.memory_space<vmem>>, vector<16xi32>, vector<16xi1>
            tpu.vector_store %arg10[%swap3A_391], %add3A_390 masked %ne3A_381 {strides = array<i32>} : memref<14336xi32, #tpu.memory_space<vmem>>, vector<16xi32>, vector<16xi1>
            %add3A_393 = vector.broadcast %add3A_315 : i32 to vector<16xi32>
            %add3A_394 = arith.addi %broadcast_in_dim3A_3, %add3A_393 : vector<16xi32>
            %swap3A_395 = arith.index_cast %min3A_378 : i32 to index
            %swap3A_396 = tpu.vector_load %arg11[%swap3A_395] masked %ne3A_381 {strides = array<i32>} : memref<14336xi32, #tpu.memory_space<vmem>>, vector<16xi32>, vector<16xi1>
            tpu.vector_store %arg11[%swap3A_395], %add3A_394 masked %ne3A_381 {strides = array<i32>} : memref<14336xi32, #tpu.memory_space<vmem>>, vector<16xi32>, vector<16xi1>
            %all_reduce_population_count3A_397 = tpu.all_reduce %ne3A_381 {dim = 0 : i64, kind = #tpu.reduction_kind<sum>} : vector<16xi1> -> vector<16xi32>
            %slice3A_398 = vector.extract_strided_slice %all_reduce_population_count3A_397 {offsets = [0], sizes = [1], strides = [1]} : vector<16xi32> to vector<1xi32>
            %squeeze3A_399 = vector.extract %slice3A_398[0] : i32 from vector<1xi32>
            %add3A_400 = arith.addi %min3A_378, %squeeze3A_399 : i32
            %min3A_401 = arith.constant 14320 : i32
            %min3A_402 = arith.minsi %add3A_400, %min3A_401 : i32
            %ne3A_403 = arith.constant 0 : i32
            %ne3A_404 = vector.broadcast %ne3A_403 : i32 to vector<16xi32>
            %ne3A_405 = arith.cmpi ne, %get3A_341, %ne3A_404 : vector<16xi32>
            %mul3A_406 = arith.constant 1280 : i32
            %mul3A_407 = arith.muli %select_n3A_200, %mul3A_406 : i32
            %mul3A_408 = arith.constant 64 : i32
            %mul3A_409 = arith.muli %scan3A_322, %mul3A_408 : i32
            %add3A_410 = arith.addi %mul3A_407, %mul3A_409 : i32
            %add3A_411 = arith.constant 32 : i32
            %add3A_412 = arith.addi %add3A_410, %add3A_411 : i32
            %add3A_413 = vector.broadcast %add3A_412 : i32 to vector<16xi32>
            %add3A_414 = arith.addi %add3A_413, %iota3A : vector<16xi32>
            %swap3A_415 = arith.index_cast %min3A_402 : i32 to index
            %swap3A_416 = tpu.vector_load %arg10[%swap3A_415] masked %ne3A_405 {strides = array<i32>} : memref<14336xi32, #tpu.memory_space<vmem>>, vector<16xi32>, vector<16xi1>
            tpu.vector_store %arg10[%swap3A_415], %add3A_414 masked %ne3A_405 {strides = array<i32>} : memref<14336xi32, #tpu.memory_space<vmem>>, vector<16xi32>, vector<16xi1>
            %add3A_417 = vector.broadcast %add3A_315 : i32 to vector<16xi32>
            %add3A_418 = arith.addi %broadcast_in_dim3A_3, %add3A_417 : vector<16xi32>
            %swap3A_419 = arith.index_cast %min3A_402 : i32 to index
            %swap3A_420 = tpu.vector_load %arg11[%swap3A_419] masked %ne3A_405 {strides = array<i32>} : memref<14336xi32, #tpu.memory_space<vmem>>, vector<16xi32>, vector<16xi1>
            tpu.vector_store %arg11[%swap3A_419], %add3A_418 masked %ne3A_405 {strides = array<i32>} : memref<14336xi32, #tpu.memory_space<vmem>>, vector<16xi32>, vector<16xi1>
            %all_reduce_population_count3A_421 = tpu.all_reduce %ne3A_405 {dim = 0 : i64, kind = #tpu.reduction_kind<sum>} : vector<16xi1> -> vector<16xi32>
            %slice3A_422 = vector.extract_strided_slice %all_reduce_population_count3A_421 {offsets = [0], sizes = [1], strides = [1]} : vector<16xi32> to vector<1xi32>
            %squeeze3A_423 = vector.extract %slice3A_422[0] : i32 from vector<1xi32>
            %add3A_424 = arith.addi %min3A_402, %squeeze3A_423 : i32
            %min3A_425 = arith.constant 14320 : i32
            %min3A_426 = arith.minsi %add3A_424, %min3A_425 : i32
            %ne3A_427 = arith.constant 0 : i32
            %ne3A_428 = vector.broadcast %ne3A_427 : i32 to vector<16xi32>
            %ne3A_429 = arith.cmpi ne, %get3A_348, %ne3A_428 : vector<16xi32>
            %mul3A_430 = arith.constant 1280 : i32
            %mul3A_431 = arith.muli %select_n3A_200, %mul3A_430 : i32
            %mul3A_432 = arith.constant 64 : i32
            %mul3A_433 = arith.muli %scan3A_322, %mul3A_432 : i32
            %add3A_434 = arith.addi %mul3A_431, %mul3A_433 : i32
            %add3A_435 = arith.constant 48 : i32
            %add3A_436 = arith.addi %add3A_434, %add3A_435 : i32
            %add3A_437 = vector.broadcast %add3A_436 : i32 to vector<16xi32>
            %add3A_438 = arith.addi %add3A_437, %iota3A : vector<16xi32>
            %swap3A_439 = arith.index_cast %min3A_426 : i32 to index
            %swap3A_440 = tpu.vector_load %arg10[%swap3A_439] masked %ne3A_429 {strides = array<i32>} : memref<14336xi32, #tpu.memory_space<vmem>>, vector<16xi32>, vector<16xi1>
            tpu.vector_store %arg10[%swap3A_439], %add3A_438 masked %ne3A_429 {strides = array<i32>} : memref<14336xi32, #tpu.memory_space<vmem>>, vector<16xi32>, vector<16xi1>
            %add3A_441 = vector.broadcast %add3A_315 : i32 to vector<16xi32>
            %add3A_442 = arith.addi %broadcast_in_dim3A_3, %add3A_441 : vector<16xi32>
            %swap3A_443 = arith.index_cast %min3A_426 : i32 to index
            %swap3A_444 = tpu.vector_load %arg11[%swap3A_443] masked %ne3A_429 {strides = array<i32>} : memref<14336xi32, #tpu.memory_space<vmem>>, vector<16xi32>, vector<16xi1>
            tpu.vector_store %arg11[%swap3A_443], %add3A_442 masked %ne3A_429 {strides = array<i32>} : memref<14336xi32, #tpu.memory_space<vmem>>, vector<16xi32>, vector<16xi1>
            %all_reduce_population_count3A_445 = tpu.all_reduce %ne3A_429 {dim = 0 : i64, kind = #tpu.reduction_kind<sum>} : vector<16xi1> -> vector<16xi32>
            %slice3A_446 = vector.extract_strided_slice %all_reduce_population_count3A_445 {offsets = [0], sizes = [1], strides = [1]} : vector<16xi32> to vector<1xi32>
            %squeeze3A_447 = vector.extract %slice3A_446[0] : i32 from vector<1xi32>
            %add3A_448 = arith.addi %min3A_426, %squeeze3A_447 : i32
            %min3A_449 = arith.constant 14320 : i32
            %min3A_450 = arith.minsi %add3A_448, %min3A_449 : i32
            scf.yield %min3A_450 : i32
          } else {
            scf.yield %scan3A_323 : i32
          }
          scf.yield %cond3A_356 : i32
        }
        %scan3A_321 = arith.constant 20 : i32
        scf.yield %scan3A_320 : i32
      }
      %scan3A_206 = arith.constant 8 : i32
      %add3A_207 = arith.constant 2 : i32
      %add3A_208 = arith.addi %mul3A_115, %add3A_207 : i32
      %jit3A_209 = arith.constant 8 : i32
      %div3A_210 = arith.divsi %add3A_208, %jit3A_209 : i32
      %sign3A_211 = arith.constant 0 : i32
      %sign3A_212 = arith.cmpi sgt, %add3A_208, %sign3A_211 : i32
      %sign3A_213 = arith.extui %sign3A_212 : i1 to i32
      %sign3A_214 = arith.constant 0 : i32
      %sign3A_215 = arith.cmpi slt, %add3A_208, %sign3A_214 : i32
      %sign3A_216 = arith.extui %sign3A_215 : i1 to i32
      %sign3A_217 = arith.subi %sign3A_213, %sign3A_216 : i32
      %sign3A_218 = arith.constant 0 : i32
      %sign3A_219 = arith.cmpi sgt, %jit3A_209, %sign3A_218 : i32
      %sign3A_220 = arith.extui %sign3A_219 : i1 to i32
      %sign3A_221 = arith.constant 0 : i32
      %sign3A_222 = arith.cmpi slt, %jit3A_209, %sign3A_221 : i32
      %sign3A_223 = arith.extui %sign3A_222 : i1 to i32
      %sign3A_224 = arith.subi %sign3A_220, %sign3A_223 : i32
      %ne3A_225 = arith.cmpi ne, %sign3A_217, %sign3A_224 : i32
      %rem3A_226 = arith.remsi %add3A_208, %jit3A_209 : i32
      %ne3A_227 = arith.constant 0 : i32
      %ne3A_228 = arith.cmpi ne, %rem3A_226, %ne3A_227 : i32
      %and3A_229 = arith.andi %ne3A_225, %ne3A_228 : i1
      %sub3A_230 = arith.constant 1 : i32
      %sub3A_231 = arith.subi %div3A_210, %sub3A_230 : i32
      %select_n3A_232 = arith.select %and3A_229, %sub3A_231, %div3A_210 : i32
      %jit3A_233 = arith.constant 8 : i32
      %eq3A_234 = arith.constant 0 : i32
      %eq3A_235 = arith.cmpi eq, %jit3A_233, %eq3A_234 : i32
      %jit3A_236 = arith.constant 1 : i32
      %select_n3A_237 = arith.select %eq3A_235, %jit3A_236, %jit3A_233 : i32
      %rem3A_238 = arith.remsi %add3A_208, %select_n3A_237 : i32
      %ne3A_239 = arith.constant 0 : i32
      %ne3A_240 = arith.cmpi ne, %rem3A_238, %ne3A_239 : i32
      %lt3A_241 = arith.constant 0 : i32
      %lt3A_242 = arith.cmpi slt, %rem3A_238, %lt3A_241 : i32
      %lt3A_243 = arith.constant 0 : i32
      %lt3A_244 = arith.cmpi slt, %select_n3A_237, %lt3A_243 : i32
      %ne3A_245 = arith.xori %lt3A_242, %lt3A_244 : i1
      %and3A_246 = arith.andi %ne3A_245, %ne3A_240 : i1
      %add3A_247 = arith.addi %rem3A_238, %select_n3A_237 : i32
      %select_n3A_248 = arith.select %and3A_246, %add3A_247, %rem3A_238 : i32
      %mul3A_249 = arith.constant 8 : i32
      %mul3A_250 = arith.muli %select_n3A_232, %mul3A_249 : i32
      %add3A_251 = arith.addi %mul3A_2, %mul3A_250 : i32
      %mul3A_252 = arith.constant 1280 : i32
      %mul3A_253 = arith.muli %select_n3A_248, %mul3A_252 : i32
      %dma_start3A_254 = tpu.memref_slice %arg2[%add3A_251, %mul3A_253] : memref<10240x10240xi32, #tpu.memory_space<hbm>> -> memref<8x1280xi32, #tpu.memory_space<hbm>>
      %dma_start3A_255 = tpu.memref_slice %arg2[%add3A_251, %mul3A_253] : memref<10240x10240xi32, #tpu.memory_space<hbm>> -> memref<8x1280xi32, #tpu.memory_space<hbm>>
      tpu.enqueue_dma source(%dma_start3A_255 : memref<8x1280xi32, #tpu.memory_space<hbm>>) target(%arg8 : memref<8x1280xi32, #tpu.memory_space<vmem>>) target_semaphore(%arg20 : memref<!tpu.dma_semaphore, #tpu.memory_space<semaphore_mem>>)
      %dma_wait3A_256 = arith.constant 0 : i32
      %dma_wait3A_257 = arith.constant 0 : i32
      %dma_wait3A_258 = tpu.memref_slice %arg2[%dma_wait3A_256, %dma_wait3A_257] : memref<10240x10240xi32, #tpu.memory_space<hbm>> -> memref<8x1280xi32, #tpu.memory_space<hbm>>
      %dma_wait3A_259 = arith.constant 0 : i32
      %dma_wait3A_260 = arith.constant 0 : i32
      %dma_wait3A_261 = tpu.memref_slice %arg2[%dma_wait3A_259, %dma_wait3A_260] : memref<10240x10240xi32, #tpu.memory_space<hbm>> -> memref<8x1280xi32, #tpu.memory_space<hbm>>
      tpu.wait_dma2 semaphore(%arg21 : memref<!tpu.dma_semaphore, #tpu.memory_space<semaphore_mem>>) src(%dma_wait3A_261 : memref<8x1280xi32, #tpu.memory_space<hbm>>) dst(%arg9 : memref<8x1280xi32, #tpu.memory_space<vmem>>)
      %add3A_262 = arith.constant 1 : i32
      %add3A_263 = arith.addi %mul3A_115, %add3A_262 : i32
      %jit3A_264 = arith.constant 8 : i32
      %div3A_265 = arith.divsi %add3A_263, %jit3A_264 : i32
      %sign3A_266 = arith.constant 0 : i32
      %sign3A_267 = arith.cmpi sgt, %add3A_263, %sign3A_266 : i32
      %sign3A_268 = arith.extui %sign3A_267 : i1 to i32
      %sign3A_269 = arith.constant 0 : i32
      %sign3A_270 = arith.cmpi slt, %add3A_263, %sign3A_269 : i32
      %sign3A_271 = arith.extui %sign3A_270 : i1 to i32
      %sign3A_272 = arith.subi %sign3A_268, %sign3A_271 : i32
      %sign3A_273 = arith.constant 0 : i32
      %sign3A_274 = arith.cmpi sgt, %jit3A_264, %sign3A_273 : i32
      %sign3A_275 = arith.extui %sign3A_274 : i1 to i32
      %sign3A_276 = arith.constant 0 : i32
      %sign3A_277 = arith.cmpi slt, %jit3A_264, %sign3A_276 : i32
      %sign3A_278 = arith.extui %sign3A_277 : i1 to i32
      %sign3A_279 = arith.subi %sign3A_275, %sign3A_278 : i32
      %ne3A_280 = arith.cmpi ne, %sign3A_272, %sign3A_279 : i32
      %rem3A_281 = arith.remsi %add3A_263, %jit3A_264 : i32
      %ne3A_282 = arith.constant 0 : i32
      %ne3A_283 = arith.cmpi ne, %rem3A_281, %ne3A_282 : i32
      %and3A_284 = arith.andi %ne3A_280, %ne3A_283 : i1
      %sub3A_285 = arith.constant 1 : i32
      %sub3A_286 = arith.subi %div3A_265, %sub3A_285 : i32
      %select_n3A_287 = arith.select %and3A_284, %sub3A_286, %div3A_265 : i32
      %jit3A_288 = arith.constant 8 : i32
      %eq3A_289 = arith.constant 0 : i32
      %eq3A_290 = arith.cmpi eq, %jit3A_288, %eq3A_289 : i32
      %jit3A_291 = arith.constant 1 : i32
      %select_n3A_292 = arith.select %eq3A_290, %jit3A_291, %jit3A_288 : i32
      %rem3A_293 = arith.remsi %add3A_263, %select_n3A_292 : i32
      %ne3A_294 = arith.constant 0 : i32
      %ne3A_295 = arith.cmpi ne, %rem3A_293, %ne3A_294 : i32
      %lt3A_296 = arith.constant 0 : i32
      %lt3A_297 = arith.cmpi slt, %rem3A_293, %lt3A_296 : i32
      %lt3A_298 = arith.constant 0 : i32
      %lt3A_299 = arith.cmpi slt, %select_n3A_292, %lt3A_298 : i32
      %ne3A_300 = arith.xori %lt3A_297, %lt3A_299 : i1
      %and3A_301 = arith.andi %ne3A_300, %ne3A_295 : i1
      %add3A_302 = arith.addi %rem3A_293, %select_n3A_292 : i32
      %select_n3A_303 = arith.select %and3A_301, %add3A_302, %rem3A_293 : i32
      %scan3A_304 = arith.constant 0 : i32
      %scan3A_305 = arith.constant 8 : i32
      %scan3A_306 = arith.addi %scan3A_304, %scan3A_305 : i32
      %scan3A_307 = arith.constant 1 : i32
      %scan3A_308 = scf.for %scan3A_310 = %scan3A_304 to %scan3A_306 step %scan3A_307 iter_args(%scan3A_311 = %scan3A_205) -> (i32)  : i32 {
        %mul3A_312 = arith.constant 8 : i32
        %mul3A_313 = arith.muli %select_n3A_287, %mul3A_312 : i32
        %add3A_314 = arith.addi %mul3A_2, %mul3A_313 : i32
        %add3A_315 = arith.addi %add3A_314, %scan3A_310 : i32
        %scan3A_316 = arith.constant 0 : i32
        %scan3A_317 = arith.constant 20 : i32
        %scan3A_318 = arith.addi %scan3A_316, %scan3A_317 : i32
        %scan3A_319 = arith.constant 1 : i32
        %scan3A_320 = scf.for %scan3A_322 = %scan3A_316 to %scan3A_318 step %scan3A_319 iter_args(%scan3A_323 = %scan3A_311) -> (i32)  : i32 {
          %mul3A_324 = arith.constant 64 : i32
          %mul3A_325 = arith.muli %scan3A_322, %mul3A_324 : i32
          %get3A = arith.index_cast %scan3A_310 : i32 to index
          %get3A_326 = arith.index_cast %mul3A_325 : i32 to index
          %get3A_327 = tpu.vector_load %arg9[%get3A, %get3A_326] {strides = array<i32>} : memref<8x1280xi32, #tpu.memory_space<vmem>>, vector<16xi32>,
          %mul3A_328 = arith.constant 64 : i32
          %mul3A_329 = arith.muli %scan3A_322, %mul3A_328 : i32
          %add3A_330 = arith.constant 16 : i32
          %add3A_331 = arith.addi %mul3A_329, %add3A_330 : i32
          %get3A_332 = arith.index_cast %scan3A_310 : i32 to index
          %get3A_333 = arith.index_cast %add3A_331 : i32 to index
          %get3A_334 = tpu.vector_load %arg9[%get3A_332, %get3A_333] {strides = array<i32>} : memref<8x1280xi32, #tpu.memory_space<vmem>>, vector<16xi32>,
          %mul3A_335 = arith.constant 64 : i32
          %mul3A_336 = arith.muli %scan3A_322, %mul3A_335 : i32
          %add3A_337 = arith.constant 32 : i32
          %add3A_338 = arith.addi %mul3A_336, %add3A_337 : i32
          %get3A_339 = arith.index_cast %scan3A_310 : i32 to index
          %get3A_340 = arith.index_cast %add3A_338 : i32 to index
          %get3A_341 = tpu.vector_load %arg9[%get3A_339, %get3A_340] {strides = array<i32>} : memref<8x1280xi32, #tpu.memory_space<vmem>>, vector<16xi32>,
          %mul3A_342 = arith.constant 64 : i32
          %mul3A_343 = arith.muli %scan3A_322, %mul3A_342 : i32
          %add3A_344 = arith.constant 48 : i32
          %add3A_345 = arith.addi %mul3A_343, %add3A_344 : i32
          %get3A_346 = arith.index_cast %scan3A_310 : i32 to index
          %get3A_347 = arith.index_cast %add3A_345 : i32 to index
          %get3A_348 = tpu.vector_load %arg9[%get3A_346, %get3A_347] {strides = array<i32>} : memref<8x1280xi32, #tpu.memory_space<vmem>>, vector<16xi32>,
          %or3A = arith.ori %get3A_327, %get3A_334 : vector<16xi32>
          %or3A_349 = arith.ori %or3A, %get3A_341 : vector<16xi32>
          %or3A_350 = arith.ori %or3A_349, %get3A_348 : vector<16xi32>
          %ne3A_351 = arith.constant 0 : i32
          %ne3A_352 = vector.broadcast %ne3A_351 : i32 to vector<16xi32>
          %ne3A_353 = arith.cmpi ne, %or3A_350, %ne3A_352 : vector<16xi32>
          %all_reduce_population_count3A = tpu.all_reduce %ne3A_353 {dim = 0 : i64, kind = #tpu.reduction_kind<sum>} : vector<16xi1> -> vector<16xi32>
          %slice3A = vector.extract_strided_slice %all_reduce_population_count3A {offsets = [0], sizes = [1], strides = [1]} : vector<16xi32> to vector<1xi32>
          %squeeze3A = vector.extract %slice3A[0] : i32 from vector<1xi32>
          %gt3A = arith.constant 0 : i32
          %gt3A_354 = arith.cmpi sgt, %squeeze3A, %gt3A : i32
          %convert_element_type3A = arith.extui %gt3A_354 : i1 to i32
          %cond3A = arith.constant 0 : i32
          %cond3A_355 = arith.cmpi ne, %convert_element_type3A, %cond3A : i32
          %cond3A_356 = scf.if %cond3A_355 -> (i32) {
            %ne3A_357 = arith.constant 0 : i32
            %ne3A_358 = vector.broadcast %ne3A_357 : i32 to vector<16xi32>
            %ne3A_359 = arith.cmpi ne, %get3A_327, %ne3A_358 : vector<16xi32>
            %mul3A_360 = arith.constant 1280 : i32
            %mul3A_361 = arith.muli %select_n3A_303, %mul3A_360 : i32
            %mul3A_362 = arith.constant 64 : i32
            %mul3A_363 = arith.muli %scan3A_322, %mul3A_362 : i32
            %add3A_364 = arith.addi %mul3A_361, %mul3A_363 : i32
            %add3A_365 = arith.constant 0 : i32
            %add3A_366 = arith.addi %add3A_364, %add3A_365 : i32
            %add3A_367 = vector.broadcast %add3A_366 : i32 to vector<16xi32>
            %add3A_368 = arith.addi %add3A_367, %iota3A : vector<16xi32>
            %swap3A = arith.index_cast %scan3A_323 : i32 to index
            %swap3A_369 = tpu.vector_load %arg10[%swap3A] masked %ne3A_359 {strides = array<i32>} : memref<14336xi32, #tpu.memory_space<vmem>>, vector<16xi32>, vector<16xi1>
            tpu.vector_store %arg10[%swap3A], %add3A_368 masked %ne3A_359 {strides = array<i32>} : memref<14336xi32, #tpu.memory_space<vmem>>, vector<16xi32>, vector<16xi1>
            %add3A_370 = vector.broadcast %add3A_315 : i32 to vector<16xi32>
            %add3A_371 = arith.addi %broadcast_in_dim3A_3, %add3A_370 : vector<16xi32>
            %swap3A_372 = arith.index_cast %scan3A_323 : i32 to index
            %swap3A_373 = tpu.vector_load %arg11[%swap3A_372] masked %ne3A_359 {strides = array<i32>} : memref<14336xi32, #tpu.memory_space<vmem>>, vector<16xi32>, vector<16xi1>
            tpu.vector_store %arg11[%swap3A_372], %add3A_371 masked %ne3A_359 {strides = array<i32>} : memref<14336xi32, #tpu.memory_space<vmem>>, vector<16xi32>, vector<16xi1>
            %all_reduce_population_count3A_374 = tpu.all_reduce %ne3A_359 {dim = 0 : i64, kind = #tpu.reduction_kind<sum>} : vector<16xi1> -> vector<16xi32>
            %slice3A_375 = vector.extract_strided_slice %all_reduce_population_count3A_374 {offsets = [0], sizes = [1], strides = [1]} : vector<16xi32> to vector<1xi32>
            %squeeze3A_376 = vector.extract %slice3A_375[0] : i32 from vector<1xi32>
            %add3A_377 = arith.addi %scan3A_323, %squeeze3A_376 : i32
            %min3A = arith.constant 14320 : i32
            %min3A_378 = arith.minsi %add3A_377, %min3A : i32
            %ne3A_379 = arith.constant 0 : i32
            %ne3A_380 = vector.broadcast %ne3A_379 : i32 to vector<16xi32>
            %ne3A_381 = arith.cmpi ne, %get3A_334, %ne3A_380 : vector<16xi32>
            %mul3A_382 = arith.constant 1280 : i32
            %mul3A_383 = arith.muli %select_n3A_303, %mul3A_382 : i32
            %mul3A_384 = arith.constant 64 : i32
            %mul3A_385 = arith.muli %scan3A_322, %mul3A_384 : i32
            %add3A_386 = arith.addi %mul3A_383, %mul3A_385 : i32
            %add3A_387 = arith.constant 16 : i32
            %add3A_388 = arith.addi %add3A_386, %add3A_387 : i32
            %add3A_389 = vector.broadcast %add3A_388 : i32 to vector<16xi32>
            %add3A_390 = arith.addi %add3A_389, %iota3A : vector<16xi32>
            %swap3A_391 = arith.index_cast %min3A_378 : i32 to index
            %swap3A_392 = tpu.vector_load %arg10[%swap3A_391] masked %ne3A_381 {strides = array<i32>} : memref<14336xi32, #tpu.memory_space<vmem>>, vector<16xi32>, vector<16xi1>
            tpu.vector_store %arg10[%swap3A_391], %add3A_390 masked %ne3A_381 {strides = array<i32>} : memref<14336xi32, #tpu.memory_space<vmem>>, vector<16xi32>, vector<16xi1>
            %add3A_393 = vector.broadcast %add3A_315 : i32 to vector<16xi32>
            %add3A_394 = arith.addi %broadcast_in_dim3A_3, %add3A_393 : vector<16xi32>
            %swap3A_395 = arith.index_cast %min3A_378 : i32 to index
            %swap3A_396 = tpu.vector_load %arg11[%swap3A_395] masked %ne3A_381 {strides = array<i32>} : memref<14336xi32, #tpu.memory_space<vmem>>, vector<16xi32>, vector<16xi1>
            tpu.vector_store %arg11[%swap3A_395], %add3A_394 masked %ne3A_381 {strides = array<i32>} : memref<14336xi32, #tpu.memory_space<vmem>>, vector<16xi32>, vector<16xi1>
            %all_reduce_population_count3A_397 = tpu.all_reduce %ne3A_381 {dim = 0 : i64, kind = #tpu.reduction_kind<sum>} : vector<16xi1> -> vector<16xi32>
            %slice3A_398 = vector.extract_strided_slice %all_reduce_population_count3A_397 {offsets = [0], sizes = [1], strides = [1]} : vector<16xi32> to vector<1xi32>
            %squeeze3A_399 = vector.extract %slice3A_398[0] : i32 from vector<1xi32>
            %add3A_400 = arith.addi %min3A_378, %squeeze3A_399 : i32
            %min3A_401 = arith.constant 14320 : i32
            %min3A_402 = arith.minsi %add3A_400, %min3A_401 : i32
            %ne3A_403 = arith.constant 0 : i32
            %ne3A_404 = vector.broadcast %ne3A_403 : i32 to vector<16xi32>
            %ne3A_405 = arith.cmpi ne, %get3A_341, %ne3A_404 : vector<16xi32>
            %mul3A_406 = arith.constant 1280 : i32
            %mul3A_407 = arith.muli %select_n3A_303, %mul3A_406 : i32
            %mul3A_408 = arith.constant 64 : i32
            %mul3A_409 = arith.muli %scan3A_322, %mul3A_408 : i32
            %add3A_410 = arith.addi %mul3A_407, %mul3A_409 : i32
            %add3A_411 = arith.constant 32 : i32
            %add3A_412 = arith.addi %add3A_410, %add3A_411 : i32
            %add3A_413 = vector.broadcast %add3A_412 : i32 to vector<16xi32>
            %add3A_414 = arith.addi %add3A_413, %iota3A : vector<16xi32>
            %swap3A_415 = arith.index_cast %min3A_402 : i32 to index
            %swap3A_416 = tpu.vector_load %arg10[%swap3A_415] masked %ne3A_405 {strides = array<i32>} : memref<14336xi32, #tpu.memory_space<vmem>>, vector<16xi32>, vector<16xi1>
            tpu.vector_store %arg10[%swap3A_415], %add3A_414 masked %ne3A_405 {strides = array<i32>} : memref<14336xi32, #tpu.memory_space<vmem>>, vector<16xi32>, vector<16xi1>
            %add3A_417 = vector.broadcast %add3A_315 : i32 to vector<16xi32>
            %add3A_418 = arith.addi %broadcast_in_dim3A_3, %add3A_417 : vector<16xi32>
            %swap3A_419 = arith.index_cast %min3A_402 : i32 to index
            %swap3A_420 = tpu.vector_load %arg11[%swap3A_419] masked %ne3A_405 {strides = array<i32>} : memref<14336xi32, #tpu.memory_space<vmem>>, vector<16xi32>, vector<16xi1>
            tpu.vector_store %arg11[%swap3A_419], %add3A_418 masked %ne3A_405 {strides = array<i32>} : memref<14336xi32, #tpu.memory_space<vmem>>, vector<16xi32>, vector<16xi1>
            %all_reduce_population_count3A_421 = tpu.all_reduce %ne3A_405 {dim = 0 : i64, kind = #tpu.reduction_kind<sum>} : vector<16xi1> -> vector<16xi32>
            %slice3A_422 = vector.extract_strided_slice %all_reduce_population_count3A_421 {offsets = [0], sizes = [1], strides = [1]} : vector<16xi32> to vector<1xi32>
            %squeeze3A_423 = vector.extract %slice3A_422[0] : i32 from vector<1xi32>
            %add3A_424 = arith.addi %min3A_402, %squeeze3A_423 : i32
            %min3A_425 = arith.constant 14320 : i32
            %min3A_426 = arith.minsi %add3A_424, %min3A_425 : i32
            %ne3A_427 = arith.constant 0 : i32
            %ne3A_428 = vector.broadcast %ne3A_427 : i32 to vector<16xi32>
            %ne3A_429 = arith.cmpi ne, %get3A_348, %ne3A_428 : vector<16xi32>
            %mul3A_430 = arith.constant 1280 : i32
            %mul3A_431 = arith.muli %select_n3A_303, %mul3A_430 : i32
            %mul3A_432 = arith.constant 64 : i32
            %mul3A_433 = arith.muli %scan3A_322, %mul3A_432 : i32
            %add3A_434 = arith.addi %mul3A_431, %mul3A_433 : i32
            %add3A_435 = arith.constant 48 : i32
            %add3A_436 = arith.addi %add3A_434, %add3A_435 : i32
            %add3A_437 = vector.broadcast %add3A_436 : i32 to vector<16xi32>
            %add3A_438 = arith.addi %add3A_437, %iota3A : vector<16xi32>
            %swap3A_439 = arith.index_cast %min3A_426 : i32 to index
            %swap3A_440 = tpu.vector_load %arg10[%swap3A_439] masked %ne3A_429 {strides = array<i32>} : memref<14336xi32, #tpu.memory_space<vmem>>, vector<16xi32>, vector<16xi1>
            tpu.vector_store %arg10[%swap3A_439], %add3A_438 masked %ne3A_429 {strides = array<i32>} : memref<14336xi32, #tpu.memory_space<vmem>>, vector<16xi32>, vector<16xi1>
            %add3A_441 = vector.broadcast %add3A_315 : i32 to vector<16xi32>
            %add3A_442 = arith.addi %broadcast_in_dim3A_3, %add3A_441 : vector<16xi32>
            %swap3A_443 = arith.index_cast %min3A_426 : i32 to index
            %swap3A_444 = tpu.vector_load %arg11[%swap3A_443] masked %ne3A_429 {strides = array<i32>} : memref<14336xi32, #tpu.memory_space<vmem>>, vector<16xi32>, vector<16xi1>
            tpu.vector_store %arg11[%swap3A_443], %add3A_442 masked %ne3A_429 {strides = array<i32>} : memref<14336xi32, #tpu.memory_space<vmem>>, vector<16xi32>, vector<16xi1>
            %all_reduce_population_count3A_445 = tpu.all_reduce %ne3A_429 {dim = 0 : i64, kind = #tpu.reduction_kind<sum>} : vector<16xi1> -> vector<16xi32>
            %slice3A_446 = vector.extract_strided_slice %all_reduce_population_count3A_445 {offsets = [0], sizes = [1], strides = [1]} : vector<16xi32> to vector<1xi32>
            %squeeze3A_447 = vector.extract %slice3A_446[0] : i32 from vector<1xi32>
            %add3A_448 = arith.addi %min3A_426, %squeeze3A_447 : i32
            %min3A_449 = arith.constant 14320 : i32
            %min3A_450 = arith.minsi %add3A_448, %min3A_449 : i32
            scf.yield %min3A_450 : i32
          } else {
            scf.yield %scan3A_323 : i32
          }
          scf.yield %cond3A_356 : i32
        }
        %scan3A_321 = arith.constant 20 : i32
        scf.yield %scan3A_320 : i32
      }
      %scan3A_309 = arith.constant 8 : i32
      scf.yield %scan3A_308 : i32
    }
    %scan3A_21 = arith.constant 159 : i32
    %add3A_22 = arith.constant 312 : i32
    %add3A_23 = arith.addi %mul3A_2, %add3A_22 : i32
    %dma_start3A_24 = arith.constant 8960 : i32
    %dma_start3A_25 = tpu.memref_slice %arg2[%add3A_23, %dma_start3A_24] : memref<10240x10240xi32, #tpu.memory_space<hbm>> -> memref<8x1280xi32, #tpu.memory_space<hbm>>
    %dma_start3A_26 = arith.constant 8960 : i32
    %dma_start3A_27 = tpu.memref_slice %arg2[%add3A_23, %dma_start3A_26] : memref<10240x10240xi32, #tpu.memory_space<hbm>> -> memref<8x1280xi32, #tpu.memory_space<hbm>>
    tpu.enqueue_dma source(%dma_start3A_27 : memref<8x1280xi32, #tpu.memory_space<hbm>>) target(%arg9 : memref<8x1280xi32, #tpu.memory_space<vmem>>) target_semaphore(%arg21 : memref<!tpu.dma_semaphore, #tpu.memory_space<semaphore_mem>>)
    %dma_wait3A = arith.constant 0 : i32
    %dma_wait3A_28 = arith.constant 0 : i32
    %dma_wait3A_29 = tpu.memref_slice %arg2[%dma_wait3A, %dma_wait3A_28] : memref<10240x10240xi32, #tpu.memory_space<hbm>> -> memref<8x1280xi32, #tpu.memory_space<hbm>>
    %dma_wait3A_30 = arith.constant 0 : i32
    %dma_wait3A_31 = arith.constant 0 : i32
    %dma_wait3A_32 = tpu.memref_slice %arg2[%dma_wait3A_30, %dma_wait3A_31] : memref<10240x10240xi32, #tpu.memory_space<hbm>> -> memref<8x1280xi32, #tpu.memory_space<hbm>>
    tpu.wait_dma2 semaphore(%arg20 : memref<!tpu.dma_semaphore, #tpu.memory_space<semaphore_mem>>) src(%dma_wait3A_32 : memref<8x1280xi32, #tpu.memory_space<hbm>>) dst(%arg8 : memref<8x1280xi32, #tpu.memory_space<vmem>>)
    %scan3A_33 = arith.constant 0 : i32
    %scan3A_34 = arith.constant 8 : i32
    %scan3A_35 = arith.addi %scan3A_33, %scan3A_34 : i32
    %scan3A_36 = arith.constant 1 : i32
    %scan3A_37 = scf.for %scan3A_112 = %scan3A_33 to %scan3A_35 step %scan3A_36 iter_args(%scan3A_113 = %scan3A_20) -> (i32)  : i32 {
      %add3A_114 = arith.constant 312 : i32
      %add3A_115 = arith.addi %mul3A_2, %add3A_114 : i32
      %add3A_116 = arith.addi %add3A_115, %scan3A_112 : i32
      %scan3A_117 = arith.constant 0 : i32
      %scan3A_118 = arith.constant 20 : i32
      %scan3A_119 = arith.addi %scan3A_117, %scan3A_118 : i32
      %scan3A_120 = arith.constant 1 : i32
      %scan3A_121 = scf.for %scan3A_123 = %scan3A_117 to %scan3A_119 step %scan3A_120 iter_args(%scan3A_124 = %scan3A_113) -> (i32)  : i32 {
        %mul3A_125 = arith.constant 64 : i32
        %mul3A_126 = arith.muli %scan3A_123, %mul3A_125 : i32
        %get3A = arith.index_cast %scan3A_112 : i32 to index
        %get3A_127 = arith.index_cast %mul3A_126 : i32 to index
        %get3A_128 = tpu.vector_load %arg8[%get3A, %get3A_127] {strides = array<i32>} : memref<8x1280xi32, #tpu.memory_space<vmem>>, vector<16xi32>,
        %mul3A_129 = arith.constant 64 : i32
        %mul3A_130 = arith.muli %scan3A_123, %mul3A_129 : i32
        %add3A_131 = arith.constant 16 : i32
        %add3A_132 = arith.addi %mul3A_130, %add3A_131 : i32
        %get3A_133 = arith.index_cast %scan3A_112 : i32 to index
        %get3A_134 = arith.index_cast %add3A_132 : i32 to index
        %get3A_135 = tpu.vector_load %arg8[%get3A_133, %get3A_134] {strides = array<i32>} : memref<8x1280xi32, #tpu.memory_space<vmem>>, vector<16xi32>,
        %mul3A_136 = arith.constant 64 : i32
        %mul3A_137 = arith.muli %scan3A_123, %mul3A_136 : i32
        %add3A_138 = arith.constant 32 : i32
        %add3A_139 = arith.addi %mul3A_137, %add3A_138 : i32
        %get3A_140 = arith.index_cast %scan3A_112 : i32 to index
        %get3A_141 = arith.index_cast %add3A_139 : i32 to index
        %get3A_142 = tpu.vector_load %arg8[%get3A_140, %get3A_141] {strides = array<i32>} : memref<8x1280xi32, #tpu.memory_space<vmem>>, vector<16xi32>,
        %mul3A_143 = arith.constant 64 : i32
        %mul3A_144 = arith.muli %scan3A_123, %mul3A_143 : i32
        %add3A_145 = arith.constant 48 : i32
        %add3A_146 = arith.addi %mul3A_144, %add3A_145 : i32
        %get3A_147 = arith.index_cast %scan3A_112 : i32 to index
        %get3A_148 = arith.index_cast %add3A_146 : i32 to index
        %get3A_149 = tpu.vector_load %arg8[%get3A_147, %get3A_148] {strides = array<i32>} : memref<8x1280xi32, #tpu.memory_space<vmem>>, vector<16xi32>,
        %or3A = arith.ori %get3A_128, %get3A_135 : vector<16xi32>
        %or3A_150 = arith.ori %or3A, %get3A_142 : vector<16xi32>
        %or3A_151 = arith.ori %or3A_150, %get3A_149 : vector<16xi32>
        %ne3A = arith.constant 0 : i32
        %ne3A_152 = vector.broadcast %ne3A : i32 to vector<16xi32>
        %ne3A_153 = arith.cmpi ne, %or3A_151, %ne3A_152 : vector<16xi32>
        %all_reduce_population_count3A = tpu.all_reduce %ne3A_153 {dim = 0 : i64, kind = #tpu.reduction_kind<sum>} : vector<16xi1> -> vector<16xi32>
        %slice3A = vector.extract_strided_slice %all_reduce_population_count3A {offsets = [0], sizes = [1], strides = [1]} : vector<16xi32> to vector<1xi32>
        %squeeze3A = vector.extract %slice3A[0] : i32 from vector<1xi32>
        %gt3A = arith.constant 0 : i32
        %gt3A_154 = arith.cmpi sgt, %squeeze3A, %gt3A : i32
        %convert_element_type3A = arith.extui %gt3A_154 : i1 to i32
        %cond3A = arith.constant 0 : i32
        %cond3A_155 = arith.cmpi ne, %convert_element_type3A, %cond3A : i32
        %cond3A_156 = scf.if %cond3A_155 -> (i32) {
          %ne3A_157 = arith.constant 0 : i32
          %ne3A_158 = vector.broadcast %ne3A_157 : i32 to vector<16xi32>
          %ne3A_159 = arith.cmpi ne, %get3A_128, %ne3A_158 : vector<16xi32>
          %mul3A_160 = arith.constant 64 : i32
          %mul3A_161 = arith.muli %scan3A_123, %mul3A_160 : i32
          %add3A_162 = arith.constant 7680 : i32
          %add3A_163 = arith.addi %add3A_162, %mul3A_161 : i32
          %add3A_164 = arith.constant 0 : i32
          %add3A_165 = arith.addi %add3A_163, %add3A_164 : i32
          %add3A_166 = vector.broadcast %add3A_165 : i32 to vector<16xi32>
          %add3A_167 = arith.addi %add3A_166, %iota3A : vector<16xi32>
          %swap3A = arith.index_cast %scan3A_124 : i32 to index
          %swap3A_168 = tpu.vector_load %arg10[%swap3A] masked %ne3A_159 {strides = array<i32>} : memref<14336xi32, #tpu.memory_space<vmem>>, vector<16xi32>, vector<16xi1>
          tpu.vector_store %arg10[%swap3A], %add3A_167 masked %ne3A_159 {strides = array<i32>} : memref<14336xi32, #tpu.memory_space<vmem>>, vector<16xi32>, vector<16xi1>
          %add3A_169 = vector.broadcast %add3A_116 : i32 to vector<16xi32>
          %add3A_170 = arith.addi %broadcast_in_dim3A_3, %add3A_169 : vector<16xi32>
          %swap3A_171 = arith.index_cast %scan3A_124 : i32 to index
          %swap3A_172 = tpu.vector_load %arg11[%swap3A_171] masked %ne3A_159 {strides = array<i32>} : memref<14336xi32, #tpu.memory_space<vmem>>, vector<16xi32>, vector<16xi1>
          tpu.vector_store %arg11[%swap3A_171], %add3A_170 masked %ne3A_159 {strides = array<i32>} : memref<14336xi32, #tpu.memory_space<vmem>>, vector<16xi32>, vector<16xi1>
          %all_reduce_population_count3A_173 = tpu.all_reduce %ne3A_159 {dim = 0 : i64, kind = #tpu.reduction_kind<sum>} : vector<16xi1> -> vector<16xi32>
          %slice3A_174 = vector.extract_strided_slice %all_reduce_population_count3A_173 {offsets = [0], sizes = [1], strides = [1]} : vector<16xi32> to vector<1xi32>
          %squeeze3A_175 = vector.extract %slice3A_174[0] : i32 from vector<1xi32>
          %add3A_176 = arith.addi %scan3A_124, %squeeze3A_175 : i32
          %min3A = arith.constant 14320 : i32
          %min3A_177 = arith.minsi %add3A_176, %min3A : i32
          %ne3A_178 = arith.constant 0 : i32
          %ne3A_179 = vector.broadcast %ne3A_178 : i32 to vector<16xi32>
          %ne3A_180 = arith.cmpi ne, %get3A_135, %ne3A_179 : vector<16xi32>
          %mul3A_181 = arith.constant 64 : i32
          %mul3A_182 = arith.muli %scan3A_123, %mul3A_181 : i32
          %add3A_183 = arith.constant 7680 : i32
          %add3A_184 = arith.addi %add3A_183, %mul3A_182 : i32
          %add3A_185 = arith.constant 16 : i32
          %add3A_186 = arith.addi %add3A_184, %add3A_185 : i32
          %add3A_187 = vector.broadcast %add3A_186 : i32 to vector<16xi32>
          %add3A_188 = arith.addi %add3A_187, %iota3A : vector<16xi32>
          %swap3A_189 = arith.index_cast %min3A_177 : i32 to index
          %swap3A_190 = tpu.vector_load %arg10[%swap3A_189] masked %ne3A_180 {strides = array<i32>} : memref<14336xi32, #tpu.memory_space<vmem>>, vector<16xi32>, vector<16xi1>
          tpu.vector_store %arg10[%swap3A_189], %add3A_188 masked %ne3A_180 {strides = array<i32>} : memref<14336xi32, #tpu.memory_space<vmem>>, vector<16xi32>, vector<16xi1>
          %add3A_191 = vector.broadcast %add3A_116 : i32 to vector<16xi32>
          %add3A_192 = arith.addi %broadcast_in_dim3A_3, %add3A_191 : vector<16xi32>
          %swap3A_193 = arith.index_cast %min3A_177 : i32 to index
          %swap3A_194 = tpu.vector_load %arg11[%swap3A_193] masked %ne3A_180 {strides = array<i32>} : memref<14336xi32, #tpu.memory_space<vmem>>, vector<16xi32>, vector<16xi1>
          tpu.vector_store %arg11[%swap3A_193], %add3A_192 masked %ne3A_180 {strides = array<i32>} : memref<14336xi32, #tpu.memory_space<vmem>>, vector<16xi32>, vector<16xi1>
          %all_reduce_population_count3A_195 = tpu.all_reduce %ne3A_180 {dim = 0 : i64, kind = #tpu.reduction_kind<sum>} : vector<16xi1> -> vector<16xi32>
          %slice3A_196 = vector.extract_strided_slice %all_reduce_population_count3A_195 {offsets = [0], sizes = [1], strides = [1]} : vector<16xi32> to vector<1xi32>
          %squeeze3A_197 = vector.extract %slice3A_196[0] : i32 from vector<1xi32>
          %add3A_198 = arith.addi %min3A_177, %squeeze3A_197 : i32
          %min3A_199 = arith.constant 14320 : i32
          %min3A_200 = arith.minsi %add3A_198, %min3A_199 : i32
          %ne3A_201 = arith.constant 0 : i32
          %ne3A_202 = vector.broadcast %ne3A_201 : i32 to vector<16xi32>
          %ne3A_203 = arith.cmpi ne, %get3A_142, %ne3A_202 : vector<16xi32>
          %mul3A_204 = arith.constant 64 : i32
          %mul3A_205 = arith.muli %scan3A_123, %mul3A_204 : i32
          %add3A_206 = arith.constant 7680 : i32
          %add3A_207 = arith.addi %add3A_206, %mul3A_205 : i32
          %add3A_208 = arith.constant 32 : i32
          %add3A_209 = arith.addi %add3A_207, %add3A_208 : i32
          %add3A_210 = vector.broadcast %add3A_209 : i32 to vector<16xi32>
          %add3A_211 = arith.addi %add3A_210, %iota3A : vector<16xi32>
          %swap3A_212 = arith.index_cast %min3A_200 : i32 to index
          %swap3A_213 = tpu.vector_load %arg10[%swap3A_212] masked %ne3A_203 {strides = array<i32>} : memref<14336xi32, #tpu.memory_space<vmem>>, vector<16xi32>, vector<16xi1>
          tpu.vector_store %arg10[%swap3A_212], %add3A_211 masked %ne3A_203 {strides = array<i32>} : memref<14336xi32, #tpu.memory_space<vmem>>, vector<16xi32>, vector<16xi1>
          %add3A_214 = vector.broadcast %add3A_116 : i32 to vector<16xi32>
          %add3A_215 = arith.addi %broadcast_in_dim3A_3, %add3A_214 : vector<16xi32>
          %swap3A_216 = arith.index_cast %min3A_200 : i32 to index
          %swap3A_217 = tpu.vector_load %arg11[%swap3A_216] masked %ne3A_203 {strides = array<i32>} : memref<14336xi32, #tpu.memory_space<vmem>>, vector<16xi32>, vector<16xi1>
          tpu.vector_store %arg11[%swap3A_216], %add3A_215 masked %ne3A_203 {strides = array<i32>} : memref<14336xi32, #tpu.memory_space<vmem>>, vector<16xi32>, vector<16xi1>
          %all_reduce_population_count3A_218 = tpu.all_reduce %ne3A_203 {dim = 0 : i64, kind = #tpu.reduction_kind<sum>} : vector<16xi1> -> vector<16xi32>
          %slice3A_219 = vector.extract_strided_slice %all_reduce_population_count3A_218 {offsets = [0], sizes = [1], strides = [1]} : vector<16xi32> to vector<1xi32>
          %squeeze3A_220 = vector.extract %slice3A_219[0] : i32 from vector<1xi32>
          %add3A_221 = arith.addi %min3A_200, %squeeze3A_220 : i32
          %min3A_222 = arith.constant 14320 : i32
          %min3A_223 = arith.minsi %add3A_221, %min3A_222 : i32
          %ne3A_224 = arith.constant 0 : i32
          %ne3A_225 = vector.broadcast %ne3A_224 : i32 to vector<16xi32>
          %ne3A_226 = arith.cmpi ne, %get3A_149, %ne3A_225 : vector<16xi32>
          %mul3A_227 = arith.constant 64 : i32
          %mul3A_228 = arith.muli %scan3A_123, %mul3A_227 : i32
          %add3A_229 = arith.constant 7680 : i32
          %add3A_230 = arith.addi %add3A_229, %mul3A_228 : i32
          %add3A_231 = arith.constant 48 : i32
          %add3A_232 = arith.addi %add3A_230, %add3A_231 : i32
          %add3A_233 = vector.broadcast %add3A_232 : i32 to vector<16xi32>
          %add3A_234 = arith.addi %add3A_233, %iota3A : vector<16xi32>
          %swap3A_235 = arith.index_cast %min3A_223 : i32 to index
          %swap3A_236 = tpu.vector_load %arg10[%swap3A_235] masked %ne3A_226 {strides = array<i32>} : memref<14336xi32, #tpu.memory_space<vmem>>, vector<16xi32>, vector<16xi1>
          tpu.vector_store %arg10[%swap3A_235], %add3A_234 masked %ne3A_226 {strides = array<i32>} : memref<14336xi32, #tpu.memory_space<vmem>>, vector<16xi32>, vector<16xi1>
          %add3A_237 = vector.broadcast %add3A_116 : i32 to vector<16xi32>
          %add3A_238 = arith.addi %broadcast_in_dim3A_3, %add3A_237 : vector<16xi32>
          %swap3A_239 = arith.index_cast %min3A_223 : i32 to index
          %swap3A_240 = tpu.vector_load %arg11[%swap3A_239] masked %ne3A_226 {strides = array<i32>} : memref<14336xi32, #tpu.memory_space<vmem>>, vector<16xi32>, vector<16xi1>
          tpu.vector_store %arg11[%swap3A_239], %add3A_238 masked %ne3A_226 {strides = array<i32>} : memref<14336xi32, #tpu.memory_space<vmem>>, vector<16xi32>, vector<16xi1>
          %all_reduce_population_count3A_241 = tpu.all_reduce %ne3A_226 {dim = 0 : i64, kind = #tpu.reduction_kind<sum>} : vector<16xi1> -> vector<16xi32>
          %slice3A_242 = vector.extract_strided_slice %all_reduce_population_count3A_241 {offsets = [0], sizes = [1], strides = [1]} : vector<16xi32> to vector<1xi32>
          %squeeze3A_243 = vector.extract %slice3A_242[0] : i32 from vector<1xi32>
          %add3A_244 = arith.addi %min3A_223, %squeeze3A_243 : i32
          %min3A_245 = arith.constant 14320 : i32
          %min3A_246 = arith.minsi %add3A_244, %min3A_245 : i32
          scf.yield %min3A_246 : i32
        } else {
          scf.yield %scan3A_124 : i32
        }
        scf.yield %cond3A_156 : i32
      }
      %scan3A_122 = arith.constant 20 : i32
      scf.yield %scan3A_121 : i32
    }
    %scan3A_38 = arith.constant 8 : i32
    %dma_wait3A_39 = arith.constant 0 : i32
    %dma_wait3A_40 = arith.constant 0 : i32
    %dma_wait3A_41 = tpu.memref_slice %arg2[%dma_wait3A_39, %dma_wait3A_40] : memref<10240x10240xi32, #tpu.memory_space<hbm>> -> memref<8x1280xi32, #tpu.memory_space<hbm>>
    %dma_wait3A_42 = arith.constant 0 : i32
    %dma_wait3A_43 = arith.constant 0 : i32
    %dma_wait3A_44 = tpu.memref_slice %arg2[%dma_wait3A_42, %dma_wait3A_43] : memref<10240x10240xi32, #tpu.memory_space<hbm>> -> memref<8x1280xi32, #tpu.memory_space<hbm>>
    tpu.wait_dma2 semaphore(%arg21 : memref<!tpu.dma_semaphore, #tpu.memory_space<semaphore_mem>>) src(%dma_wait3A_44 : memref<8x1280xi32, #tpu.memory_space<hbm>>) dst(%arg9 : memref<8x1280xi32, #tpu.memory_space<vmem>>)
    %scan3A_45 = arith.constant 0 : i32
    %scan3A_46 = arith.constant 8 : i32
    %scan3A_47 = arith.addi %scan3A_45, %scan3A_46 : i32
    %scan3A_48 = arith.constant 1 : i32
    %scan3A_49 = scf.for %scan3A_112 = %scan3A_45 to %scan3A_47 step %scan3A_48 iter_args(%scan3A_113 = %scan3A_37) -> (i32)  : i32 {
      %add3A_114 = arith.constant 312 : i32
      %add3A_115 = arith.addi %mul3A_2, %add3A_114 : i32
      %add3A_116 = arith.addi %add3A_115, %scan3A_112 : i32
      %scan3A_117 = arith.constant 0 : i32
      %scan3A_118 = arith.constant 20 : i32
      %scan3A_119 = arith.addi %scan3A_117, %scan3A_118 : i32
      %scan3A_120 = arith.constant 1 : i32
      %scan3A_121 = scf.for %scan3A_123 = %scan3A_117 to %scan3A_119 step %scan3A_120 iter_args(%scan3A_124 = %scan3A_113) -> (i32)  : i32 {
        %mul3A_125 = arith.constant 64 : i32
        %mul3A_126 = arith.muli %scan3A_123, %mul3A_125 : i32
        %get3A = arith.index_cast %scan3A_112 : i32 to index
        %get3A_127 = arith.index_cast %mul3A_126 : i32 to index
        %get3A_128 = tpu.vector_load %arg9[%get3A, %get3A_127] {strides = array<i32>} : memref<8x1280xi32, #tpu.memory_space<vmem>>, vector<16xi32>,
        %mul3A_129 = arith.constant 64 : i32
        %mul3A_130 = arith.muli %scan3A_123, %mul3A_129 : i32
        %add3A_131 = arith.constant 16 : i32
        %add3A_132 = arith.addi %mul3A_130, %add3A_131 : i32
        %get3A_133 = arith.index_cast %scan3A_112 : i32 to index
        %get3A_134 = arith.index_cast %add3A_132 : i32 to index
        %get3A_135 = tpu.vector_load %arg9[%get3A_133, %get3A_134] {strides = array<i32>} : memref<8x1280xi32, #tpu.memory_space<vmem>>, vector<16xi32>,
        %mul3A_136 = arith.constant 64 : i32
        %mul3A_137 = arith.muli %scan3A_123, %mul3A_136 : i32
        %add3A_138 = arith.constant 32 : i32
        %add3A_139 = arith.addi %mul3A_137, %add3A_138 : i32
        %get3A_140 = arith.index_cast %scan3A_112 : i32 to index
        %get3A_141 = arith.index_cast %add3A_139 : i32 to index
        %get3A_142 = tpu.vector_load %arg9[%get3A_140, %get3A_141] {strides = array<i32>} : memref<8x1280xi32, #tpu.memory_space<vmem>>, vector<16xi32>,
        %mul3A_143 = arith.constant 64 : i32
        %mul3A_144 = arith.muli %scan3A_123, %mul3A_143 : i32
        %add3A_145 = arith.constant 48 : i32
        %add3A_146 = arith.addi %mul3A_144, %add3A_145 : i32
        %get3A_147 = arith.index_cast %scan3A_112 : i32 to index
        %get3A_148 = arith.index_cast %add3A_146 : i32 to index
        %get3A_149 = tpu.vector_load %arg9[%get3A_147, %get3A_148] {strides = array<i32>} : memref<8x1280xi32, #tpu.memory_space<vmem>>, vector<16xi32>,
        %or3A = arith.ori %get3A_128, %get3A_135 : vector<16xi32>
        %or3A_150 = arith.ori %or3A, %get3A_142 : vector<16xi32>
        %or3A_151 = arith.ori %or3A_150, %get3A_149 : vector<16xi32>
        %ne3A = arith.constant 0 : i32
        %ne3A_152 = vector.broadcast %ne3A : i32 to vector<16xi32>
        %ne3A_153 = arith.cmpi ne, %or3A_151, %ne3A_152 : vector<16xi32>
        %all_reduce_population_count3A = tpu.all_reduce %ne3A_153 {dim = 0 : i64, kind = #tpu.reduction_kind<sum>} : vector<16xi1> -> vector<16xi32>
        %slice3A = vector.extract_strided_slice %all_reduce_population_count3A {offsets = [0], sizes = [1], strides = [1]} : vector<16xi32> to vector<1xi32>
        %squeeze3A = vector.extract %slice3A[0] : i32 from vector<1xi32>
        %gt3A = arith.constant 0 : i32
        %gt3A_154 = arith.cmpi sgt, %squeeze3A, %gt3A : i32
        %convert_element_type3A = arith.extui %gt3A_154 : i1 to i32
        %cond3A = arith.constant 0 : i32
        %cond3A_155 = arith.cmpi ne, %convert_element_type3A, %cond3A : i32
        %cond3A_156 = scf.if %cond3A_155 -> (i32) {
          %ne3A_157 = arith.constant 0 : i32
          %ne3A_158 = vector.broadcast %ne3A_157 : i32 to vector<16xi32>
          %ne3A_159 = arith.cmpi ne, %get3A_128, %ne3A_158 : vector<16xi32>
          %mul3A_160 = arith.constant 64 : i32
          %mul3A_161 = arith.muli %scan3A_123, %mul3A_160 : i32
          %add3A_162 = arith.constant 8960 : i32
          %add3A_163 = arith.addi %add3A_162, %mul3A_161 : i32
          %add3A_164 = arith.constant 0 : i32
          %add3A_165 = arith.addi %add3A_163, %add3A_164 : i32
          %add3A_166 = vector.broadcast %add3A_165 : i32 to vector<16xi32>
          %add3A_167 = arith.addi %add3A_166, %iota3A : vector<16xi32>
          %swap3A = arith.index_cast %scan3A_124 : i32 to index
          %swap3A_168 = tpu.vector_load %arg10[%swap3A] masked %ne3A_159 {strides = array<i32>} : memref<14336xi32, #tpu.memory_space<vmem>>, vector<16xi32>, vector<16xi1>
          tpu.vector_store %arg10[%swap3A], %add3A_167 masked %ne3A_159 {strides = array<i32>} : memref<14336xi32, #tpu.memory_space<vmem>>, vector<16xi32>, vector<16xi1>
          %add3A_169 = vector.broadcast %add3A_116 : i32 to vector<16xi32>
          %add3A_170 = arith.addi %broadcast_in_dim3A_3, %add3A_169 : vector<16xi32>
          %swap3A_171 = arith.index_cast %scan3A_124 : i32 to index
          %swap3A_172 = tpu.vector_load %arg11[%swap3A_171] masked %ne3A_159 {strides = array<i32>} : memref<14336xi32, #tpu.memory_space<vmem>>, vector<16xi32>, vector<16xi1>
          tpu.vector_store %arg11[%swap3A_171], %add3A_170 masked %ne3A_159 {strides = array<i32>} : memref<14336xi32, #tpu.memory_space<vmem>>, vector<16xi32>, vector<16xi1>
          %all_reduce_population_count3A_173 = tpu.all_reduce %ne3A_159 {dim = 0 : i64, kind = #tpu.reduction_kind<sum>} : vector<16xi1> -> vector<16xi32>
          %slice3A_174 = vector.extract_strided_slice %all_reduce_population_count3A_173 {offsets = [0], sizes = [1], strides = [1]} : vector<16xi32> to vector<1xi32>
          %squeeze3A_175 = vector.extract %slice3A_174[0] : i32 from vector<1xi32>
          %add3A_176 = arith.addi %scan3A_124, %squeeze3A_175 : i32
          %min3A = arith.constant 14320 : i32
          %min3A_177 = arith.minsi %add3A_176, %min3A : i32
          %ne3A_178 = arith.constant 0 : i32
          %ne3A_179 = vector.broadcast %ne3A_178 : i32 to vector<16xi32>
          %ne3A_180 = arith.cmpi ne, %get3A_135, %ne3A_179 : vector<16xi32>
          %mul3A_181 = arith.constant 64 : i32
          %mul3A_182 = arith.muli %scan3A_123, %mul3A_181 : i32
          %add3A_183 = arith.constant 8960 : i32
          %add3A_184 = arith.addi %add3A_183, %mul3A_182 : i32
          %add3A_185 = arith.constant 16 : i32
          %add3A_186 = arith.addi %add3A_184, %add3A_185 : i32
          %add3A_187 = vector.broadcast %add3A_186 : i32 to vector<16xi32>
          %add3A_188 = arith.addi %add3A_187, %iota3A : vector<16xi32>
          %swap3A_189 = arith.index_cast %min3A_177 : i32 to index
          %swap3A_190 = tpu.vector_load %arg10[%swap3A_189] masked %ne3A_180 {strides = array<i32>} : memref<14336xi32, #tpu.memory_space<vmem>>, vector<16xi32>, vector<16xi1>
          tpu.vector_store %arg10[%swap3A_189], %add3A_188 masked %ne3A_180 {strides = array<i32>} : memref<14336xi32, #tpu.memory_space<vmem>>, vector<16xi32>, vector<16xi1>
          %add3A_191 = vector.broadcast %add3A_116 : i32 to vector<16xi32>
          %add3A_192 = arith.addi %broadcast_in_dim3A_3, %add3A_191 : vector<16xi32>
          %swap3A_193 = arith.index_cast %min3A_177 : i32 to index
          %swap3A_194 = tpu.vector_load %arg11[%swap3A_193] masked %ne3A_180 {strides = array<i32>} : memref<14336xi32, #tpu.memory_space<vmem>>, vector<16xi32>, vector<16xi1>
          tpu.vector_store %arg11[%swap3A_193], %add3A_192 masked %ne3A_180 {strides = array<i32>} : memref<14336xi32, #tpu.memory_space<vmem>>, vector<16xi32>, vector<16xi1>
          %all_reduce_population_count3A_195 = tpu.all_reduce %ne3A_180 {dim = 0 : i64, kind = #tpu.reduction_kind<sum>} : vector<16xi1> -> vector<16xi32>
          %slice3A_196 = vector.extract_strided_slice %all_reduce_population_count3A_195 {offsets = [0], sizes = [1], strides = [1]} : vector<16xi32> to vector<1xi32>
          %squeeze3A_197 = vector.extract %slice3A_196[0] : i32 from vector<1xi32>
          %add3A_198 = arith.addi %min3A_177, %squeeze3A_197 : i32
          %min3A_199 = arith.constant 14320 : i32
          %min3A_200 = arith.minsi %add3A_198, %min3A_199 : i32
          %ne3A_201 = arith.constant 0 : i32
          %ne3A_202 = vector.broadcast %ne3A_201 : i32 to vector<16xi32>
          %ne3A_203 = arith.cmpi ne, %get3A_142, %ne3A_202 : vector<16xi32>
          %mul3A_204 = arith.constant 64 : i32
          %mul3A_205 = arith.muli %scan3A_123, %mul3A_204 : i32
          %add3A_206 = arith.constant 8960 : i32
          %add3A_207 = arith.addi %add3A_206, %mul3A_205 : i32
          %add3A_208 = arith.constant 32 : i32
          %add3A_209 = arith.addi %add3A_207, %add3A_208 : i32
          %add3A_210 = vector.broadcast %add3A_209 : i32 to vector<16xi32>
          %add3A_211 = arith.addi %add3A_210, %iota3A : vector<16xi32>
          %swap3A_212 = arith.index_cast %min3A_200 : i32 to index
          %swap3A_213 = tpu.vector_load %arg10[%swap3A_212] masked %ne3A_203 {strides = array<i32>} : memref<14336xi32, #tpu.memory_space<vmem>>, vector<16xi32>, vector<16xi1>
          tpu.vector_store %arg10[%swap3A_212], %add3A_211 masked %ne3A_203 {strides = array<i32>} : memref<14336xi32, #tpu.memory_space<vmem>>, vector<16xi32>, vector<16xi1>
          %add3A_214 = vector.broadcast %add3A_116 : i32 to vector<16xi32>
          %add3A_215 = arith.addi %broadcast_in_dim3A_3, %add3A_214 : vector<16xi32>
          %swap3A_216 = arith.index_cast %min3A_200 : i32 to index
          %swap3A_217 = tpu.vector_load %arg11[%swap3A_216] masked %ne3A_203 {strides = array<i32>} : memref<14336xi32, #tpu.memory_space<vmem>>, vector<16xi32>, vector<16xi1>
          tpu.vector_store %arg11[%swap3A_216], %add3A_215 masked %ne3A_203 {strides = array<i32>} : memref<14336xi32, #tpu.memory_space<vmem>>, vector<16xi32>, vector<16xi1>
          %all_reduce_population_count3A_218 = tpu.all_reduce %ne3A_203 {dim = 0 : i64, kind = #tpu.reduction_kind<sum>} : vector<16xi1> -> vector<16xi32>
          %slice3A_219 = vector.extract_strided_slice %all_reduce_population_count3A_218 {offsets = [0], sizes = [1], strides = [1]} : vector<16xi32> to vector<1xi32>
          %squeeze3A_220 = vector.extract %slice3A_219[0] : i32 from vector<1xi32>
          %add3A_221 = arith.addi %min3A_200, %squeeze3A_220 : i32
          %min3A_222 = arith.constant 14320 : i32
          %min3A_223 = arith.minsi %add3A_221, %min3A_222 : i32
          %ne3A_224 = arith.constant 0 : i32
          %ne3A_225 = vector.broadcast %ne3A_224 : i32 to vector<16xi32>
          %ne3A_226 = arith.cmpi ne, %get3A_149, %ne3A_225 : vector<16xi32>
          %mul3A_227 = arith.constant 64 : i32
          %mul3A_228 = arith.muli %scan3A_123, %mul3A_227 : i32
          %add3A_229 = arith.constant 8960 : i32
          %add3A_230 = arith.addi %add3A_229, %mul3A_228 : i32
          %add3A_231 = arith.constant 48 : i32
          %add3A_232 = arith.addi %add3A_230, %add3A_231 : i32
          %add3A_233 = vector.broadcast %add3A_232 : i32 to vector<16xi32>
          %add3A_234 = arith.addi %add3A_233, %iota3A : vector<16xi32>
          %swap3A_235 = arith.index_cast %min3A_223 : i32 to index
          %swap3A_236 = tpu.vector_load %arg10[%swap3A_235] masked %ne3A_226 {strides = array<i32>} : memref<14336xi32, #tpu.memory_space<vmem>>, vector<16xi32>, vector<16xi1>
          tpu.vector_store %arg10[%swap3A_235], %add3A_234 masked %ne3A_226 {strides = array<i32>} : memref<14336xi32, #tpu.memory_space<vmem>>, vector<16xi32>, vector<16xi1>
          %add3A_237 = vector.broadcast %add3A_116 : i32 to vector<16xi32>
          %add3A_238 = arith.addi %broadcast_in_dim3A_3, %add3A_237 : vector<16xi32>
          %swap3A_239 = arith.index_cast %min3A_223 : i32 to index
          %swap3A_240 = tpu.vector_load %arg11[%swap3A_239] masked %ne3A_226 {strides = array<i32>} : memref<14336xi32, #tpu.memory_space<vmem>>, vector<16xi32>, vector<16xi1>
          tpu.vector_store %arg11[%swap3A_239], %add3A_238 masked %ne3A_226 {strides = array<i32>} : memref<14336xi32, #tpu.memory_space<vmem>>, vector<16xi32>, vector<16xi1>
          %all_reduce_population_count3A_241 = tpu.all_reduce %ne3A_226 {dim = 0 : i64, kind = #tpu.reduction_kind<sum>} : vector<16xi1> -> vector<16xi32>
          %slice3A_242 = vector.extract_strided_slice %all_reduce_population_count3A_241 {offsets = [0], sizes = [1], strides = [1]} : vector<16xi32> to vector<1xi32>
          %squeeze3A_243 = vector.extract %slice3A_242[0] : i32 from vector<1xi32>
          %add3A_244 = arith.addi %min3A_223, %squeeze3A_243 : i32
          %min3A_245 = arith.constant 14320 : i32
          %min3A_246 = arith.minsi %add3A_244, %min3A_245 : i32
          scf.yield %min3A_246 : i32
        } else {
          scf.yield %scan3A_124 : i32
        }
        scf.yield %cond3A_156 : i32
      }
      %scan3A_122 = arith.constant 20 : i32
      scf.yield %scan3A_121 : i32
    }
    %scan3A_50 = arith.constant 8 : i32
    %mul3A_51 = arith.constant 14336 : i32
    %mul3A_52 = arith.muli %add3A, %mul3A_51 : i32
    "tpu.region"() ({
      %run_scoped3A = tpu.sem_alloc : memref<!tpu.dma_semaphore, #tpu.memory_space<semaphore_mem>>
      %dma_start3A_112 = tpu.memref_slice %arg7[%mul3A_52] : memref<458752xi32, #tpu.memory_space<hbm>> -> memref<14336xi32, #tpu.memory_space<hbm>>
      %dma_start3A_113 = tpu.memref_slice %arg7[%mul3A_52] : memref<458752xi32, #tpu.memory_space<hbm>> -> memref<14336xi32, #tpu.memory_space<hbm>>
      tpu.enqueue_dma source(%arg11 : memref<14336xi32, #tpu.memory_space<vmem>>) target(%dma_start3A_113 : memref<14336xi32, #tpu.memory_space<hbm>>) target_semaphore(%run_scoped3A : memref<!tpu.dma_semaphore, #tpu.memory_space<semaphore_mem>>)
      %dma_wait3A_114 = tpu.memref_slice %arg7[%mul3A_52] : memref<458752xi32, #tpu.memory_space<hbm>> -> memref<14336xi32, #tpu.memory_space<hbm>>
      %dma_wait3A_115 = tpu.memref_slice %arg7[%mul3A_52] : memref<458752xi32, #tpu.memory_space<hbm>> -> memref<14336xi32, #tpu.memory_space<hbm>>
      tpu.wait_dma2 semaphore(%run_scoped3A : memref<!tpu.dma_semaphore, #tpu.memory_space<semaphore_mem>>) src(%arg11 : memref<14336xi32, #tpu.memory_space<vmem>>) dst(%dma_wait3A_115 : memref<14336xi32, #tpu.memory_space<hbm>>)
      tpu.yield
    }) : () -> ()
    %dma_start3A_53 = arith.constant 0 : i32
    %dma_start3A_54 = tpu.memref_slice %arg10[%dma_start3A_53] : memref<14336xi32, #tpu.memory_space<vmem>> -> memref<64xi32, #tpu.memory_space<vmem>>
    %dma_start3A_55 = arith.constant 0 : i32
    %dma_start3A_56 = arith.constant 0 : i32
    %dma_start3A_57 = tpu.memref_slice %arg3[%dma_start3A_55, %dma_start3A_56] : memref<10240x256xf32, #tpu.memory_space<hbm>> -> memref<10240x256xf32, #tpu.memory_space<hbm>>
    tpu.enqueue_indirect_dma source(%dma_start3A_57 : memref<10240x256xf32, #tpu.memory_space<hbm>>) target(%arg12 : memref<64x256xf32, #tpu.memory_space<vmem>>) offsets(%dma_start3A_54 : memref<64xi32, #tpu.memory_space<vmem>>) semaphore(%arg16 : memref<!tpu.dma_semaphore, #tpu.memory_space<semaphore_mem>>)
    %dma_start3A_58 = arith.constant 0 : i32
    %dma_start3A_59 = tpu.memref_slice %arg10[%dma_start3A_58] : memref<14336xi32, #tpu.memory_space<vmem>> -> memref<64xi32, #tpu.memory_space<vmem>>
    %dma_start3A_60 = arith.constant 0 : i32
    %dma_start3A_61 = arith.constant 0 : i32
    %dma_start3A_62 = tpu.memref_slice %arg4[%dma_start3A_60, %dma_start3A_61] : memref<10240x128xf32, #tpu.memory_space<hbm>> -> memref<10240x128xf32, #tpu.memory_space<hbm>>
    tpu.enqueue_indirect_dma source(%dma_start3A_62 : memref<10240x128xf32, #tpu.memory_space<hbm>>) target(%arg13 : memref<64x128xf32, #tpu.memory_space<vmem>>) offsets(%dma_start3A_59 : memref<64xi32, #tpu.memory_space<vmem>>) semaphore(%arg17 : memref<!tpu.dma_semaphore, #tpu.memory_space<semaphore_mem>>)
    %scan3A_63 = arith.constant 0 : i32
    %scan3A_64 = arith.constant 0 : i32
    %scan3A_65 = arith.constant 111 : i32
    %scan3A_66 = arith.addi %scan3A_64, %scan3A_65 : i32
    %scan3A_67 = arith.constant 1 : i32
    %scan3A_68 = scf.for %scan3A_112 = %scan3A_64 to %scan3A_66 step %scan3A_67 iter_args(%scan3A_113 = %scan3A_63) -> (i32)  : i32 {
      %mul3A_114 = arith.constant 2 : i32
      %mul3A_115 = arith.muli %scan3A_112, %mul3A_114 : i32
      %add3A_116 = arith.constant 1 : i32
      %add3A_117 = arith.addi %mul3A_115, %add3A_116 : i32
      %mul3A_118 = arith.constant 64 : i32
      %mul3A_119 = arith.muli %add3A_117, %mul3A_118 : i32
      %dma_start3A_120 = tpu.memref_slice %arg10[%mul3A_119] : memref<14336xi32, #tpu.memory_space<vmem>> -> memref<64xi32, #tpu.memory_space<vmem>>
      %dma_start3A_121 = arith.constant 0 : i32
      %dma_start3A_122 = arith.constant 0 : i32
      %dma_start3A_123 = tpu.memref_slice %arg3[%dma_start3A_121, %dma_start3A_122] : memref<10240x256xf32, #tpu.memory_space<hbm>> -> memref<10240x256xf32, #tpu.memory_space<hbm>>
      tpu.enqueue_indirect_dma source(%dma_start3A_123 : memref<10240x256xf32, #tpu.memory_space<hbm>>) target(%arg14 : memref<64x256xf32, #tpu.memory_space<vmem>>) offsets(%dma_start3A_120 : memref<64xi32, #tpu.memory_space<vmem>>) semaphore(%arg18 : memref<!tpu.dma_semaphore, #tpu.memory_space<semaphore_mem>>)
      %dma_start3A_124 = tpu.memref_slice %arg10[%mul3A_119] : memref<14336xi32, #tpu.memory_space<vmem>> -> memref<64xi32, #tpu.memory_space<vmem>>
      %dma_start3A_125 = arith.constant 0 : i32
      %dma_start3A_126 = arith.constant 0 : i32
      %dma_start3A_127 = tpu.memref_slice %arg4[%dma_start3A_125, %dma_start3A_126] : memref<10240x128xf32, #tpu.memory_space<hbm>> -> memref<10240x128xf32, #tpu.memory_space<hbm>>
      tpu.enqueue_indirect_dma source(%dma_start3A_127 : memref<10240x128xf32, #tpu.memory_space<hbm>>) target(%arg15 : memref<64x128xf32, #tpu.memory_space<vmem>>) offsets(%dma_start3A_124 : memref<64xi32, #tpu.memory_space<vmem>>) semaphore(%arg19 : memref<!tpu.dma_semaphore, #tpu.memory_space<semaphore_mem>>)
      %dma_wait3A_128 = arith.constant 0 : i32
      %dma_wait3A_129 = arith.constant 0 : i32
      %dma_wait3A_130 = tpu.memref_slice %arg3[%dma_wait3A_128, %dma_wait3A_129] : memref<10240x256xf32, #tpu.memory_space<hbm>> -> memref<64x256xf32, #tpu.memory_space<hbm>>
      %dma_wait3A_131 = arith.constant 0 : i32
      %dma_wait3A_132 = arith.constant 0 : i32
      %dma_wait3A_133 = tpu.memref_slice %arg3[%dma_wait3A_131, %dma_wait3A_132] : memref<10240x256xf32, #tpu.memory_space<hbm>> -> memref<64x256xf32, #tpu.memory_space<hbm>>
      tpu.wait_dma2 semaphore(%arg16 : memref<!tpu.dma_semaphore, #tpu.memory_space<semaphore_mem>>) src(%dma_wait3A_133 : memref<64x256xf32, #tpu.memory_space<hbm>>) dst(%arg12 : memref<64x256xf32, #tpu.memory_space<vmem>>)
      %dma_wait3A_134 = arith.constant 0 : i32
      %dma_wait3A_135 = arith.constant 0 : i32
      %dma_wait3A_136 = tpu.memref_slice %arg4[%dma_wait3A_134, %dma_wait3A_135] : memref<10240x128xf32, #tpu.memory_space<hbm>> -> memref<64x128xf32, #tpu.memory_space<hbm>>
      %dma_wait3A_137 = arith.constant 0 : i32
      %dma_wait3A_138 = arith.constant 0 : i32
      %dma_wait3A_139 = tpu.memref_slice %arg4[%dma_wait3A_137, %dma_wait3A_138] : memref<10240x128xf32, #tpu.memory_space<hbm>> -> memref<64x128xf32, #tpu.memory_space<hbm>>
      tpu.wait_dma2 semaphore(%arg17 : memref<!tpu.dma_semaphore, #tpu.memory_space<semaphore_mem>>) src(%dma_wait3A_139 : memref<64x128xf32, #tpu.memory_space<hbm>>) dst(%arg13 : memref<64x128xf32, #tpu.memory_space<vmem>>)
      %mul3A_140 = arith.constant 14336 : i32
      %mul3A_141 = arith.muli %add3A, %mul3A_140 : i32
      %mul3A_142 = arith.constant 64 : i32
      %mul3A_143 = arith.muli %mul3A_115, %mul3A_142 : i32
      %add3A_144 = arith.addi %mul3A_141, %mul3A_143 : i32
      "tpu.region"() ({
        %run_scoped3A = tpu.sem_alloc : memref<!tpu.dma_semaphore, #tpu.memory_space<semaphore_mem>>
        %dma_start3A_177 = arith.constant 0 : i32
        %dma_start3A_178 = tpu.memref_slice %arg5[%add3A_144, %dma_start3A_177] : memref<458752x256xf32, #tpu.memory_space<hbm>> -> memref<64x256xf32, #tpu.memory_space<hbm>>
        %dma_start3A_179 = arith.constant 0 : i32
        %dma_start3A_180 = tpu.memref_slice %arg5[%add3A_144, %dma_start3A_179] : memref<458752x256xf32, #tpu.memory_space<hbm>> -> memref<64x256xf32, #tpu.memory_space<hbm>>
        tpu.enqueue_dma source(%arg12 : memref<64x256xf32, #tpu.memory_space<vmem>>) target(%dma_start3A_180 : memref<64x256xf32, #tpu.memory_space<hbm>>) target_semaphore(%run_scoped3A : memref<!tpu.dma_semaphore, #tpu.memory_space<semaphore_mem>>)
        %dma_wait3A_181 = arith.constant 0 : i32
        %dma_wait3A_182 = tpu.memref_slice %arg5[%add3A_144, %dma_wait3A_181] : memref<458752x256xf32, #tpu.memory_space<hbm>> -> memref<64x256xf32, #tpu.memory_space<hbm>>
        %dma_wait3A_183 = arith.constant 0 : i32
        %dma_wait3A_184 = tpu.memref_slice %arg5[%add3A_144, %dma_wait3A_183] : memref<458752x256xf32, #tpu.memory_space<hbm>> -> memref<64x256xf32, #tpu.memory_space<hbm>>
        tpu.wait_dma2 semaphore(%run_scoped3A : memref<!tpu.dma_semaphore, #tpu.memory_space<semaphore_mem>>) src(%arg12 : memref<64x256xf32, #tpu.memory_space<vmem>>) dst(%dma_wait3A_184 : memref<64x256xf32, #tpu.memory_space<hbm>>)
        tpu.yield
      }) : () -> ()
      "tpu.region"() ({
        %run_scoped3A = tpu.sem_alloc : memref<!tpu.dma_semaphore, #tpu.memory_space<semaphore_mem>>
        %dma_start3A_177 = arith.constant 0 : i32
        %dma_start3A_178 = tpu.memref_slice %arg6[%add3A_144, %dma_start3A_177] : memref<458752x128xf32, #tpu.memory_space<hbm>> -> memref<64x128xf32, #tpu.memory_space<hbm>>
        %dma_start3A_179 = arith.constant 0 : i32
        %dma_start3A_180 = tpu.memref_slice %arg6[%add3A_144, %dma_start3A_179] : memref<458752x128xf32, #tpu.memory_space<hbm>> -> memref<64x128xf32, #tpu.memory_space<hbm>>
        tpu.enqueue_dma source(%arg13 : memref<64x128xf32, #tpu.memory_space<vmem>>) target(%dma_start3A_180 : memref<64x128xf32, #tpu.memory_space<hbm>>) target_semaphore(%run_scoped3A : memref<!tpu.dma_semaphore, #tpu.memory_space<semaphore_mem>>)
        %dma_wait3A_181 = arith.constant 0 : i32
        %dma_wait3A_182 = tpu.memref_slice %arg6[%add3A_144, %dma_wait3A_181] : memref<458752x128xf32, #tpu.memory_space<hbm>> -> memref<64x128xf32, #tpu.memory_space<hbm>>
        %dma_wait3A_183 = arith.constant 0 : i32
        %dma_wait3A_184 = tpu.memref_slice %arg6[%add3A_144, %dma_wait3A_183] : memref<458752x128xf32, #tpu.memory_space<hbm>> -> memref<64x128xf32, #tpu.memory_space<hbm>>
        tpu.wait_dma2 semaphore(%run_scoped3A : memref<!tpu.dma_semaphore, #tpu.memory_space<semaphore_mem>>) src(%arg13 : memref<64x128xf32, #tpu.memory_space<vmem>>) dst(%dma_wait3A_184 : memref<64x128xf32, #tpu.memory_space<hbm>>)
        tpu.yield
      }) : () -> ()
      %add3A_145 = arith.constant 2 : i32
      %add3A_146 = arith.addi %mul3A_115, %add3A_145 : i32
      %mul3A_147 = arith.constant 64 : i32
      %mul3A_148 = arith.muli %add3A_146, %mul3A_147 : i32
      %dma_start3A_149 = tpu.memref_slice %arg10[%mul3A_148] : memref<14336xi32, #tpu.memory_space<vmem>> -> memref<64xi32, #tpu.memory_space<vmem>>
      %dma_start3A_150 = arith.constant 0 : i32
      %dma_start3A_151 = arith.constant 0 : i32
      %dma_start3A_152 = tpu.memref_slice %arg3[%dma_start3A_150, %dma_start3A_151] : memref<10240x256xf32, #tpu.memory_space<hbm>> -> memref<10240x256xf32, #tpu.memory_space<hbm>>
      tpu.enqueue_indirect_dma source(%dma_start3A_152 : memref<10240x256xf32, #tpu.memory_space<hbm>>) target(%arg12 : memref<64x256xf32, #tpu.memory_space<vmem>>) offsets(%dma_start3A_149 : memref<64xi32, #tpu.memory_space<vmem>>) semaphore(%arg16 : memref<!tpu.dma_semaphore, #tpu.memory_space<semaphore_mem>>)
      %dma_start3A_153 = tpu.memref_slice %arg10[%mul3A_148] : memref<14336xi32, #tpu.memory_space<vmem>> -> memref<64xi32, #tpu.memory_space<vmem>>
      %dma_start3A_154 = arith.constant 0 : i32
      %dma_start3A_155 = arith.constant 0 : i32
      %dma_start3A_156 = tpu.memref_slice %arg4[%dma_start3A_154, %dma_start3A_155] : memref<10240x128xf32, #tpu.memory_space<hbm>> -> memref<10240x128xf32, #tpu.memory_space<hbm>>
      tpu.enqueue_indirect_dma source(%dma_start3A_156 : memref<10240x128xf32, #tpu.memory_space<hbm>>) target(%arg13 : memref<64x128xf32, #tpu.memory_space<vmem>>) offsets(%dma_start3A_153 : memref<64xi32, #tpu.memory_space<vmem>>) semaphore(%arg17 : memref<!tpu.dma_semaphore, #tpu.memory_space<semaphore_mem>>)
      %add3A_157 = arith.constant 1 : i32
      %add3A_158 = arith.addi %mul3A_115, %add3A_157 : i32
      %dma_wait3A_159 = arith.constant 0 : i32
      %dma_wait3A_160 = arith.constant 0 : i32
      %dma_wait3A_161 = tpu.memref_slice %arg3[%dma_wait3A_159, %dma_wait3A_160] : memref<10240x256xf32, #tpu.memory_space<hbm>> -> memref<64x256xf32, #tpu.memory_space<hbm>>
      %dma_wait3A_162 = arith.constant 0 : i32
      %dma_wait3A_163 = arith.constant 0 : i32
      %dma_wait3A_164 = tpu.memref_slice %arg3[%dma_wait3A_162, %dma_wait3A_163] : memref<10240x256xf32, #tpu.memory_space<hbm>> -> memref<64x256xf32, #tpu.memory_space<hbm>>
      tpu.wait_dma2 semaphore(%arg18 : memref<!tpu.dma_semaphore, #tpu.memory_space<semaphore_mem>>) src(%dma_wait3A_164 : memref<64x256xf32, #tpu.memory_space<hbm>>) dst(%arg14 : memref<64x256xf32, #tpu.memory_space<vmem>>)
      %dma_wait3A_165 = arith.constant 0 : i32
      %dma_wait3A_166 = arith.constant 0 : i32
      %dma_wait3A_167 = tpu.memref_slice %arg4[%dma_wait3A_165, %dma_wait3A_166] : memref<10240x128xf32, #tpu.memory_space<hbm>> -> memref<64x128xf32, #tpu.memory_space<hbm>>
      %dma_wait3A_168 = arith.constant 0 : i32
      %dma_wait3A_169 = arith.constant 0 : i32
      %dma_wait3A_170 = tpu.memref_slice %arg4[%dma_wait3A_168, %dma_wait3A_169] : memref<10240x128xf32, #tpu.memory_space<hbm>> -> memref<64x128xf32, #tpu.memory_space<hbm>>
      tpu.wait_dma2 semaphore(%arg19 : memref<!tpu.dma_semaphore, #tpu.memory_space<semaphore_mem>>) src(%dma_wait3A_170 : memref<64x128xf32, #tpu.memory_space<hbm>>) dst(%arg15 : memref<64x128xf32, #tpu.memory_space<vmem>>)
      %mul3A_171 = arith.constant 14336 : i32
      %mul3A_172 = arith.muli %add3A, %mul3A_171 : i32
      %mul3A_173 = arith.constant 64 : i32
      %mul3A_174 = arith.muli %add3A_158, %mul3A_173 : i32
      %add3A_175 = arith.addi %mul3A_172, %mul3A_174 : i32
      "tpu.region"() ({
        %run_scoped3A = tpu.sem_alloc : memref<!tpu.dma_semaphore, #tpu.memory_space<semaphore_mem>>
        %dma_start3A_177 = arith.constant 0 : i32
        %dma_start3A_178 = tpu.memref_slice %arg5[%add3A_175, %dma_start3A_177] : memref<458752x256xf32, #tpu.memory_space<hbm>> -> memref<64x256xf32, #tpu.memory_space<hbm>>
        %dma_start3A_179 = arith.constant 0 : i32
        %dma_start3A_180 = tpu.memref_slice %arg5[%add3A_175, %dma_start3A_179] : memref<458752x256xf32, #tpu.memory_space<hbm>> -> memref<64x256xf32, #tpu.memory_space<hbm>>
        tpu.enqueue_dma source(%arg14 : memref<64x256xf32, #tpu.memory_space<vmem>>) target(%dma_start3A_180 : memref<64x256xf32, #tpu.memory_space<hbm>>) target_semaphore(%run_scoped3A : memref<!tpu.dma_semaphore, #tpu.memory_space<semaphore_mem>>)
        %dma_wait3A_181 = arith.constant 0 : i32
        %dma_wait3A_182 = tpu.memref_slice %arg5[%add3A_175, %dma_wait3A_181] : memref<458752x256xf32, #tpu.memory_space<hbm>> -> memref<64x256xf32, #tpu.memory_space<hbm>>
        %dma_wait3A_183 = arith.constant 0 : i32
        %dma_wait3A_184 = tpu.memref_slice %arg5[%add3A_175, %dma_wait3A_183] : memref<458752x256xf32, #tpu.memory_space<hbm>> -> memref<64x256xf32, #tpu.memory_space<hbm>>
        tpu.wait_dma2 semaphore(%run_scoped3A : memref<!tpu.dma_semaphore, #tpu.memory_space<semaphore_mem>>) src(%arg14 : memref<64x256xf32, #tpu.memory_space<vmem>>) dst(%dma_wait3A_184 : memref<64x256xf32, #tpu.memory_space<hbm>>)
        tpu.yield
      }) : () -> ()
      "tpu.region"() ({
        %run_scoped3A = tpu.sem_alloc : memref<!tpu.dma_semaphore, #tpu.memory_space<semaphore_mem>>
        %dma_start3A_177 = arith.constant 0 : i32
        %dma_start3A_178 = tpu.memref_slice %arg6[%add3A_175, %dma_start3A_177] : memref<458752x128xf32, #tpu.memory_space<hbm>> -> memref<64x128xf32, #tpu.memory_space<hbm>>
        %dma_start3A_179 = arith.constant 0 : i32
        %dma_start3A_180 = tpu.memref_slice %arg6[%add3A_175, %dma_start3A_179] : memref<458752x128xf32, #tpu.memory_space<hbm>> -> memref<64x128xf32, #tpu.memory_space<hbm>>
        tpu.enqueue_dma source(%arg15 : memref<64x128xf32, #tpu.memory_space<vmem>>) target(%dma_start3A_180 : memref<64x128xf32, #tpu.memory_space<hbm>>) target_semaphore(%run_scoped3A : memref<!tpu.dma_semaphore, #tpu.memory_space<semaphore_mem>>)
        %dma_wait3A_181 = arith.constant 0 : i32
        %dma_wait3A_182 = tpu.memref_slice %arg6[%add3A_175, %dma_wait3A_181] : memref<458752x128xf32, #tpu.memory_space<hbm>> -> memref<64x128xf32, #tpu.memory_space<hbm>>
        %dma_wait3A_183 = arith.constant 0 : i32
        %dma_wait3A_184 = tpu.memref_slice %arg6[%add3A_175, %dma_wait3A_183] : memref<458752x128xf32, #tpu.memory_space<hbm>> -> memref<64x128xf32, #tpu.memory_space<hbm>>
        tpu.wait_dma2 semaphore(%run_scoped3A : memref<!tpu.dma_semaphore, #tpu.memory_space<semaphore_mem>>) src(%arg15 : memref<64x128xf32, #tpu.memory_space<vmem>>) dst(%dma_wait3A_184 : memref<64x128xf32, #tpu.memory_space<hbm>>)
        tpu.yield
      }) : () -> ()
      %scan3A_176 = arith.constant 0 : i32
      scf.yield %scan3A_176 : i32
    }
    %scan3A_69 = arith.constant 111 : i32
    %dma_start3A_70 = arith.constant 14272 : i32
    %dma_start3A_71 = tpu.memref_slice %arg10[%dma_start3A_70] : memref<14336xi32, #tpu.memory_space<vmem>> -> memref<64xi32, #tpu.memory_space<vmem>>
    %dma_start3A_72 = arith.constant 0 : i32
    %dma_start3A_73 = arith.constant 0 : i32
    %dma_start3A_74 = tpu.memref_slice %arg3[%dma_start3A_72, %dma_start3A_73] : memref<10240x256xf32, #tpu.memory_space<hbm>> -> memref<10240x256xf32, #tpu.memory_space<hbm>>
    tpu.enqueue_indirect_dma source(%dma_start3A_74 : memref<10240x256xf32, #tpu.memory_space<hbm>>) target(%arg14 : memref<64x256xf32, #tpu.memory_space<vmem>>) offsets(%dma_start3A_71 : memref<64xi32, #tpu.memory_space<vmem>>) semaphore(%arg18 : memref<!tpu.dma_semaphore, #tpu.memory_space<semaphore_mem>>)
    %dma_start3A_75 = arith.constant 14272 : i32
    %dma_start3A_76 = tpu.memref_slice %arg10[%dma_start3A_75] : memref<14336xi32, #tpu.memory_space<vmem>> -> memref<64xi32, #tpu.memory_space<vmem>>
    %dma_start3A_77 = arith.constant 0 : i32
    %dma_start3A_78 = arith.constant 0 : i32
    %dma_start3A_79 = tpu.memref_slice %arg4[%dma_start3A_77, %dma_start3A_78] : memref<10240x128xf32, #tpu.memory_space<hbm>> -> memref<10240x128xf32, #tpu.memory_space<hbm>>
    tpu.enqueue_indirect_dma source(%dma_start3A_79 : memref<10240x128xf32, #tpu.memory_space<hbm>>) target(%arg15 : memref<64x128xf32, #tpu.memory_space<vmem>>) offsets(%dma_start3A_76 : memref<64xi32, #tpu.memory_space<vmem>>) semaphore(%arg19 : memref<!tpu.dma_semaphore, #tpu.memory_space<semaphore_mem>>)
    %dma_wait3A_80 = arith.constant 0 : i32
    %dma_wait3A_81 = arith.constant 0 : i32
    %dma_wait3A_82 = tpu.memref_slice %arg3[%dma_wait3A_80, %dma_wait3A_81] : memref<10240x256xf32, #tpu.memory_space<hbm>> -> memref<64x256xf32, #tpu.memory_space<hbm>>
    %dma_wait3A_83 = arith.constant 0 : i32
    %dma_wait3A_84 = arith.constant 0 : i32
    %dma_wait3A_85 = tpu.memref_slice %arg3[%dma_wait3A_83, %dma_wait3A_84] : memref<10240x256xf32, #tpu.memory_space<hbm>> -> memref<64x256xf32, #tpu.memory_space<hbm>>
    tpu.wait_dma2 semaphore(%arg16 : memref<!tpu.dma_semaphore, #tpu.memory_space<semaphore_mem>>) src(%dma_wait3A_85 : memref<64x256xf32, #tpu.memory_space<hbm>>) dst(%arg12 : memref<64x256xf32, #tpu.memory_space<vmem>>)
    %dma_wait3A_86 = arith.constant 0 : i32
    %dma_wait3A_87 = arith.constant 0 : i32
    %dma_wait3A_88 = tpu.memref_slice %arg4[%dma_wait3A_86, %dma_wait3A_87] : memref<10240x128xf32, #tpu.memory_space<hbm>> -> memref<64x128xf32, #tpu.memory_space<hbm>>
    %dma_wait3A_89 = arith.constant 0 : i32
    %dma_wait3A_90 = arith.constant 0 : i32
    %dma_wait3A_91 = tpu.memref_slice %arg4[%dma_wait3A_89, %dma_wait3A_90] : memref<10240x128xf32, #tpu.memory_space<hbm>> -> memref<64x128xf32, #tpu.memory_space<hbm>>
    tpu.wait_dma2 semaphore(%arg17 : memref<!tpu.dma_semaphore, #tpu.memory_space<semaphore_mem>>) src(%dma_wait3A_91 : memref<64x128xf32, #tpu.memory_space<hbm>>) dst(%arg13 : memref<64x128xf32, #tpu.memory_space<vmem>>)
    %mul3A_92 = arith.constant 14336 : i32
    %mul3A_93 = arith.muli %add3A, %mul3A_92 : i32
    %add3A_94 = arith.constant 14208 : i32
    %add3A_95 = arith.addi %mul3A_93, %add3A_94 : i32
    "tpu.region"() ({
      %run_scoped3A = tpu.sem_alloc : memref<!tpu.dma_semaphore, #tpu.memory_space<semaphore_mem>>
      %dma_start3A_112 = arith.constant 0 : i32
      %dma_start3A_113 = tpu.memref_slice %arg5[%add3A_95, %dma_start3A_112] : memref<458752x256xf32, #tpu.memory_space<hbm>> -> memref<64x256xf32, #tpu.memory_space<hbm>>
      %dma_start3A_114 = arith.constant 0 : i32
      %dma_start3A_115 = tpu.memref_slice %arg5[%add3A_95, %dma_start3A_114] : memref<458752x256xf32, #tpu.memory_space<hbm>> -> memref<64x256xf32, #tpu.memory_space<hbm>>
      tpu.enqueue_dma source(%arg12 : memref<64x256xf32, #tpu.memory_space<vmem>>) target(%dma_start3A_115 : memref<64x256xf32, #tpu.memory_space<hbm>>) target_semaphore(%run_scoped3A : memref<!tpu.dma_semaphore, #tpu.memory_space<semaphore_mem>>)
      %dma_wait3A_116 = arith.constant 0 : i32
      %dma_wait3A_117 = tpu.memref_slice %arg5[%add3A_95, %dma_wait3A_116] : memref<458752x256xf32, #tpu.memory_space<hbm>> -> memref<64x256xf32, #tpu.memory_space<hbm>>
      %dma_wait3A_118 = arith.constant 0 : i32
      %dma_wait3A_119 = tpu.memref_slice %arg5[%add3A_95, %dma_wait3A_118] : memref<458752x256xf32, #tpu.memory_space<hbm>> -> memref<64x256xf32, #tpu.memory_space<hbm>>
      tpu.wait_dma2 semaphore(%run_scoped3A : memref<!tpu.dma_semaphore, #tpu.memory_space<semaphore_mem>>) src(%arg12 : memref<64x256xf32, #tpu.memory_space<vmem>>) dst(%dma_wait3A_119 : memref<64x256xf32, #tpu.memory_space<hbm>>)
      tpu.yield
    }) : () -> ()
    "tpu.region"() ({
      %run_scoped3A = tpu.sem_alloc : memref<!tpu.dma_semaphore, #tpu.memory_space<semaphore_mem>>
      %dma_start3A_112 = arith.constant 0 : i32
      %dma_start3A_113 = tpu.memref_slice %arg6[%add3A_95, %dma_start3A_112] : memref<458752x128xf32, #tpu.memory_space<hbm>> -> memref<64x128xf32, #tpu.memory_space<hbm>>
      %dma_start3A_114 = arith.constant 0 : i32
      %dma_start3A_115 = tpu.memref_slice %arg6[%add3A_95, %dma_start3A_114] : memref<458752x128xf32, #tpu.memory_space<hbm>> -> memref<64x128xf32, #tpu.memory_space<hbm>>
      tpu.enqueue_dma source(%arg13 : memref<64x128xf32, #tpu.memory_space<vmem>>) target(%dma_start3A_115 : memref<64x128xf32, #tpu.memory_space<hbm>>) target_semaphore(%run_scoped3A : memref<!tpu.dma_semaphore, #tpu.memory_space<semaphore_mem>>)
      %dma_wait3A_116 = arith.constant 0 : i32
      %dma_wait3A_117 = tpu.memref_slice %arg6[%add3A_95, %dma_wait3A_116] : memref<458752x128xf32, #tpu.memory_space<hbm>> -> memref<64x128xf32, #tpu.memory_space<hbm>>
      %dma_wait3A_118 = arith.constant 0 : i32
      %dma_wait3A_119 = tpu.memref_slice %arg6[%add3A_95, %dma_wait3A_118] : memref<458752x128xf32, #tpu.memory_space<hbm>> -> memref<64x128xf32, #tpu.memory_space<hbm>>
      tpu.wait_dma2 semaphore(%run_scoped3A : memref<!tpu.dma_semaphore, #tpu.memory_space<semaphore_mem>>) src(%arg13 : memref<64x128xf32, #tpu.memory_space<vmem>>) dst(%dma_wait3A_119 : memref<64x128xf32, #tpu.memory_space<hbm>>)
      tpu.yield
    }) : () -> ()
    %dma_wait3A_96 = arith.constant 0 : i32
    %dma_wait3A_97 = arith.constant 0 : i32
    %dma_wait3A_98 = tpu.memref_slice %arg3[%dma_wait3A_96, %dma_wait3A_97] : memref<10240x256xf32, #tpu.memory_space<hbm>> -> memref<64x256xf32, #tpu.memory_space<hbm>>
    %dma_wait3A_99 = arith.constant 0 : i32
    %dma_wait3A_100 = arith.constant 0 : i32
    %dma_wait3A_101 = tpu.memref_slice %arg3[%dma_wait3A_99, %dma_wait3A_100] : memref<10240x256xf32, #tpu.memory_space<hbm>> -> memref<64x256xf32, #tpu.memory_space<hbm>>
    tpu.wait_dma2 semaphore(%arg18 : memref<!tpu.dma_semaphore, #tpu.memory_space<semaphore_mem>>) src(%dma_wait3A_101 : memref<64x256xf32, #tpu.memory_space<hbm>>) dst(%arg14 : memref<64x256xf32, #tpu.memory_space<vmem>>)
    %dma_wait3A_102 = arith.constant 0 : i32
    %dma_wait3A_103 = arith.constant 0 : i32
    %dma_wait3A_104 = tpu.memref_slice %arg4[%dma_wait3A_102, %dma_wait3A_103] : memref<10240x128xf32, #tpu.memory_space<hbm>> -> memref<64x128xf32, #tpu.memory_space<hbm>>
    %dma_wait3A_105 = arith.constant 0 : i32
    %dma_wait3A_106 = arith.constant 0 : i32
    %dma_wait3A_107 = tpu.memref_slice %arg4[%dma_wait3A_105, %dma_wait3A_106] : memref<10240x128xf32, #tpu.memory_space<hbm>> -> memref<64x128xf32, #tpu.memory_space<hbm>>
    tpu.wait_dma2 semaphore(%arg19 : memref<!tpu.dma_semaphore, #tpu.memory_space<semaphore_mem>>) src(%dma_wait3A_107 : memref<64x128xf32, #tpu.memory_space<hbm>>) dst(%arg15 : memref<64x128xf32, #tpu.memory_space<vmem>>)
    %mul3A_108 = arith.constant 14336 : i32
    %mul3A_109 = arith.muli %add3A, %mul3A_108 : i32
    %add3A_110 = arith.constant 14272 : i32
    %add3A_111 = arith.addi %mul3A_109, %add3A_110 : i32
    "tpu.region"() ({
      %run_scoped3A = tpu.sem_alloc : memref<!tpu.dma_semaphore, #tpu.memory_space<semaphore_mem>>
      %dma_start3A_112 = arith.constant 0 : i32
      %dma_start3A_113 = tpu.memref_slice %arg5[%add3A_111, %dma_start3A_112] : memref<458752x256xf32, #tpu.memory_space<hbm>> -> memref<64x256xf32, #tpu.memory_space<hbm>>
      %dma_start3A_114 = arith.constant 0 : i32
      %dma_start3A_115 = tpu.memref_slice %arg5[%add3A_111, %dma_start3A_114] : memref<458752x256xf32, #tpu.memory_space<hbm>> -> memref<64x256xf32, #tpu.memory_space<hbm>>
      tpu.enqueue_dma source(%arg14 : memref<64x256xf32, #tpu.memory_space<vmem>>) target(%dma_start3A_115 : memref<64x256xf32, #tpu.memory_space<hbm>>) target_semaphore(%run_scoped3A : memref<!tpu.dma_semaphore, #tpu.memory_space<semaphore_mem>>)
      %dma_wait3A_116 = arith.constant 0 : i32
      %dma_wait3A_117 = tpu.memref_slice %arg5[%add3A_111, %dma_wait3A_116] : memref<458752x256xf32, #tpu.memory_space<hbm>> -> memref<64x256xf32, #tpu.memory_space<hbm>>
      %dma_wait3A_118 = arith.constant 0 : i32
      %dma_wait3A_119 = tpu.memref_slice %arg5[%add3A_111, %dma_wait3A_118] : memref<458752x256xf32, #tpu.memory_space<hbm>> -> memref<64x256xf32, #tpu.memory_space<hbm>>
      tpu.wait_dma2 semaphore(%run_scoped3A : memref<!tpu.dma_semaphore, #tpu.memory_space<semaphore_mem>>) src(%arg14 : memref<64x256xf32, #tpu.memory_space<vmem>>) dst(%dma_wait3A_119 : memref<64x256xf32, #tpu.memory_space<hbm>>)
      tpu.yield
    }) : () -> ()
    "tpu.region"() ({
      %run_scoped3A = tpu.sem_alloc : memref<!tpu.dma_semaphore, #tpu.memory_space<semaphore_mem>>
      %dma_start3A_112 = arith.constant 0 : i32
      %dma_start3A_113 = tpu.memref_slice %arg6[%add3A_111, %dma_start3A_112] : memref<458752x128xf32, #tpu.memory_space<hbm>> -> memref<64x128xf32, #tpu.memory_space<hbm>>
      %dma_start3A_114 = arith.constant 0 : i32
      %dma_start3A_115 = tpu.memref_slice %arg6[%add3A_111, %dma_start3A_114] : memref<458752x128xf32, #tpu.memory_space<hbm>> -> memref<64x128xf32, #tpu.memory_space<hbm>>
      tpu.enqueue_dma source(%arg15 : memref<64x128xf32, #tpu.memory_space<vmem>>) target(%dma_start3A_115 : memref<64x128xf32, #tpu.memory_space<hbm>>) target_semaphore(%run_scoped3A : memref<!tpu.dma_semaphore, #tpu.memory_space<semaphore_mem>>)
      %dma_wait3A_116 = arith.constant 0 : i32
      %dma_wait3A_117 = tpu.memref_slice %arg6[%add3A_111, %dma_wait3A_116] : memref<458752x128xf32, #tpu.memory_space<hbm>> -> memref<64x128xf32, #tpu.memory_space<hbm>>
      %dma_wait3A_118 = arith.constant 0 : i32
      %dma_wait3A_119 = tpu.memref_slice %arg6[%add3A_111, %dma_wait3A_118] : memref<458752x128xf32, #tpu.memory_space<hbm>> -> memref<64x128xf32, #tpu.memory_space<hbm>>
      tpu.wait_dma2 semaphore(%run_scoped3A : memref<!tpu.dma_semaphore, #tpu.memory_space<semaphore_mem>>) src(%arg15 : memref<64x128xf32, #tpu.memory_space<vmem>>) dst(%dma_wait3A_119 : memref<64x128xf32, #tpu.memory_space<hbm>>)
      tpu.yield
    }) : () -> ()
    return
  }
}

module attributes {stable_mosaic.version = 14 : i64} {
  func.func @_k2_body(%arg0: i32, %arg1: i32, %arg2: memref<320x3xf32, #tpu.memory_space<vmem>>, %arg3: memref<8x2048xf32, #tpu.memory_space<vmem>>, %arg4: memref<320x2048xi32, #tpu.memory_space<vmem>>, %arg5: memref<320x128xf32, #tpu.memory_space<vmem>>, %arg6: memref<320x128xf32, #tpu.memory_space<vmem>>) attributes {dimension_semantics = [#tpu.dimension_semantics<arbitrary>, #tpu.dimension_semantics<arbitrary>], iteration_bounds = array<i64: 32, 5>, scalar_prefetch = 0 : i64, scratch_operands = 1 : i64, tpu.core_type = #tpu.core_type<tc>, window_params = [{transform_indices = @transform_0, window_bounds = array<i64: 320, 3>}, {transform_indices = @transform_1, window_bounds = array<i64: 8, 2048>}, {transform_indices = @transform_2, window_bounds = array<i64: 320, 2048>}, {transform_indices = @transform_3, window_bounds = array<i64: 320, 128>}]} {
    %get3A = arith.constant 0 : index
    %get3A_0 = arith.constant 0 : index
    %get3A_1 = vector.load %arg2[%get3A, %get3A_0] : memref<320x3xf32, #tpu.memory_space<vmem>>, vector<320x3xf32>
    %broadcast_in_dim3A = arith.constant 0.000000e+00 : f32
    %broadcast_in_dim3A_2 = vector.broadcast %broadcast_in_dim3A : f32 to vector<320x2048xf32>
    %slice3A = vector.extract_strided_slice %get3A_1 {offsets = [0, 0], sizes = [320, 1], strides = [1, 1]} : vector<320x3xf32> to vector<320x1xf32>
    %get3A_3 = arith.constant 0 : index
    %get3A_4 = arith.constant 0 : index
    %get3A_5 = vector.load %arg3[%get3A_3, %get3A_4] : memref<8x2048xf32, #tpu.memory_space<vmem>>, vector<1x2048xf32>
    %sub3A = vector.broadcast %slice3A : vector<320x1xf32> to vector<320x2048xf32>
    %sub3A_6 = vector.broadcast %get3A_5 : vector<1x2048xf32> to vector<320x2048xf32>
    %sub3A_7 = arith.subf %sub3A, %sub3A_6 : vector<320x2048xf32>
    %mul3A = arith.mulf %sub3A_7, %sub3A_7 : vector<320x2048xf32>
    %add3A = arith.addf %broadcast_in_dim3A_2, %mul3A : vector<320x2048xf32>
    %slice3A_8 = vector.extract_strided_slice %get3A_1 {offsets = [0, 1], sizes = [320, 1], strides = [1, 1]} : vector<320x3xf32> to vector<320x1xf32>
    %get3A_9 = arith.constant 1 : index
    %get3A_10 = arith.constant 0 : index
    %get3A_11 = vector.load %arg3[%get3A_9, %get3A_10] : memref<8x2048xf32, #tpu.memory_space<vmem>>, vector<1x2048xf32>
    %sub3A_12 = vector.broadcast %slice3A_8 : vector<320x1xf32> to vector<320x2048xf32>
    %sub3A_13 = vector.broadcast %get3A_11 : vector<1x2048xf32> to vector<320x2048xf32>
    %sub3A_14 = arith.subf %sub3A_12, %sub3A_13 : vector<320x2048xf32>
    %mul3A_15 = arith.mulf %sub3A_14, %sub3A_14 : vector<320x2048xf32>
    %add3A_16 = arith.addf %add3A, %mul3A_15 : vector<320x2048xf32>
    %slice3A_17 = vector.extract_strided_slice %get3A_1 {offsets = [0, 2], sizes = [320, 1], strides = [1, 1]} : vector<320x3xf32> to vector<320x1xf32>
    %get3A_18 = arith.constant 2 : index
    %get3A_19 = arith.constant 0 : index
    %get3A_20 = vector.load %arg3[%get3A_18, %get3A_19] : memref<8x2048xf32, #tpu.memory_space<vmem>>, vector<1x2048xf32>
    %sub3A_21 = vector.broadcast %slice3A_17 : vector<320x1xf32> to vector<320x2048xf32>
    %sub3A_22 = vector.broadcast %get3A_20 : vector<1x2048xf32> to vector<320x2048xf32>
    %sub3A_23 = arith.subf %sub3A_21, %sub3A_22 : vector<320x2048xf32>
    %mul3A_24 = arith.mulf %sub3A_23, %sub3A_23 : vector<320x2048xf32>
    %add3A_25 = arith.addf %add3A_16, %mul3A_24 : vector<320x2048xf32>
    %le3A = arith.constant 0.00999999977 : f32
    %le3A_26 = vector.broadcast %le3A : f32 to vector<320x2048xf32>
    %le3A_27 = arith.cmpf ole, %add3A_25, %le3A_26 : vector<320x2048xf32>
    %convert_element_type3A = arith.extui %le3A_27 : vector<320x2048xi1> to vector<320x2048xi32>
    %swap3A = arith.constant 0 : index
    %swap3A_28 = arith.constant 0 : index
    %swap3A_29 = vector.load %arg4[%swap3A, %swap3A_28] : memref<320x2048xi32, #tpu.memory_space<vmem>>, vector<320x2048xi32>
    tpu.vector_store %arg4[%swap3A, %swap3A_28], %convert_element_type3A {strides = array<i32>} : memref<320x2048xi32, #tpu.memory_space<vmem>>, vector<320x2048xi32>,
    %convert_element_type3A_30 = arith.extui %le3A_27 : vector<320x2048xi1> to vector<320x2048xi32>
    %convert_element_type3A_31 = arith.sitofp %convert_element_type3A_30 : vector<320x2048xi32> to vector<320x2048xf32>
    %reduce_sum3A = arith.constant dense<0.000000e+00> : vector<320xf32>
    %reduce_sum3A_32 = vector.multi_reduction <add>, %convert_element_type3A_31, %reduce_sum3A [1] : vector<320x2048xf32> to vector<320xf32>
    %broadcast_in_dim3A_33 = vector.shape_cast %reduce_sum3A_32 : vector<320xf32> to vector<320x1xf32>
    %broadcast_in_dim3A_34 = vector.shape_cast %broadcast_in_dim3A_33 : vector<320x1xf32> to vector<320x1xf32>
    %broadcast_in_dim3A_35 = vector.broadcast %broadcast_in_dim3A_34 : vector<320x1xf32> to vector<320x128xf32>
    %eq3A = arith.constant 0 : i32
    %eq3A_36 = arith.cmpi eq, %arg1, %eq3A : i32
    %convert_element_type3A_37 = arith.extui %eq3A_36 : i1 to i32
    %cond3A = arith.constant 0 : i32
    %cond3A_38 = arith.cmpi ne, %convert_element_type3A_37, %cond3A : i32
    scf.if %cond3A_38 {
      %swap3A_48 = arith.constant 0 : index
      %swap3A_49 = arith.constant 0 : index
      %swap3A_50 = vector.load %arg6[%swap3A_48, %swap3A_49] : memref<320x128xf32, #tpu.memory_space<vmem>>, vector<320x128xf32>
      tpu.vector_store %arg6[%swap3A_48, %swap3A_49], %broadcast_in_dim3A_35 {strides = array<i32>} : memref<320x128xf32, #tpu.memory_space<vmem>>, vector<320x128xf32>,
    } else {
    }
    %gt3A = arith.constant 0 : i32
    %gt3A_39 = arith.cmpi sgt, %arg1, %gt3A : i32
    %convert_element_type3A_40 = arith.extui %gt3A_39 : i1 to i32
    %cond3A_41 = arith.constant 0 : i32
    %cond3A_42 = arith.cmpi ne, %convert_element_type3A_40, %cond3A_41 : i32
    scf.if %cond3A_42 {
      %get3A_48 = arith.constant 0 : index
      %get3A_49 = arith.constant 0 : index
      %get3A_50 = vector.load %arg6[%get3A_48, %get3A_49] : memref<320x128xf32, #tpu.memory_space<vmem>>, vector<320x128xf32>
      %add3A_51 = arith.addf %get3A_50, %broadcast_in_dim3A_35 : vector<320x128xf32>
      %swap3A_52 = arith.constant 0 : index
      %swap3A_53 = arith.constant 0 : index
      %swap3A_54 = vector.load %arg6[%swap3A_52, %swap3A_53] : memref<320x128xf32, #tpu.memory_space<vmem>>, vector<320x128xf32>
      tpu.vector_store %arg6[%swap3A_52, %swap3A_53], %add3A_51 {strides = array<i32>} : memref<320x128xf32, #tpu.memory_space<vmem>>, vector<320x128xf32>,
    } else {
    }
    %eq3A_43 = arith.constant 4 : i32
    %eq3A_44 = arith.cmpi eq, %arg1, %eq3A_43 : i32
    %convert_element_type3A_45 = arith.extui %eq3A_44 : i1 to i32
    %cond3A_46 = arith.constant 0 : i32
    %cond3A_47 = arith.cmpi ne, %convert_element_type3A_45, %cond3A_46 : i32
    scf.if %cond3A_47 {
      %get3A_48 = arith.constant 0 : index
      %get3A_49 = arith.constant 0 : index
      %get3A_50 = vector.load %arg6[%get3A_48, %get3A_49] : memref<320x128xf32, #tpu.memory_space<vmem>>, vector<320x128xf32>
      %swap3A_51 = arith.constant 0 : index
      %swap3A_52 = arith.constant 0 : index
      %swap3A_53 = vector.load %arg5[%swap3A_51, %swap3A_52] : memref<320x128xf32, #tpu.memory_space<vmem>>, vector<320x128xf32>
      tpu.vector_store %arg5[%swap3A_51, %swap3A_52], %get3A_50 {strides = array<i32>} : memref<320x128xf32, #tpu.memory_space<vmem>>, vector<320x128xf32>,
    } else {
    }
    return
  }
  func.func @transform_0(%arg0: i32, %arg1: i32) -> (i32, i32) {
    %c0_i32 = arith.constant 0 : i32
    %c0_i32_0 = arith.constant 0 : i32
    return %arg0, %c0_i32 : i32, i32
  }
  func.func @transform_1(%arg0: i32, %arg1: i32) -> (i32, i32) {
    %c0_i32 = arith.constant 0 : i32
    %c0_i32_0 = arith.constant 0 : i32
    return %c0_i32, %arg1 : i32, i32
  }
  func.func @transform_2(%arg0: i32, %arg1: i32) -> (i32, i32) {
    %c0_i32 = arith.constant 0 : i32
    return %arg0, %arg1 : i32, i32
  }
  func.func @transform_3(%arg0: i32, %arg1: i32) -> (i32, i32) {
    %c0_i32 = arith.constant 0 : i32
    %c0_i32_0 = arith.constant 0 : i32
    return %arg0, %c0_i32 : i32, i32
  }
}

module attributes {stable_mosaic.version = 14 : i64} {
  func.func @_k1_body(%arg0: i32, %arg1: memref<1024x3xf32, #tpu.memory_space<vmem>>, %arg2: memref<1024x128xf32, #tpu.memory_space<vmem>>, %arg3: memref<1024x3xf32, #tpu.memory_space<vmem>>, %arg4: memref<3x256xf32, #tpu.memory_space<vmem>>, %arg5: memref<128x256xf32, #tpu.memory_space<vmem>>, %arg6: memref<256xf32, #tpu.memory_space<vmem>>, %arg7: memref<3x256xf32, #tpu.memory_space<vmem>>, %arg8: memref<1024x256xf32, #tpu.memory_space<vmem>>, %arg9: memref<1024x256xf32, #tpu.memory_space<vmem>>) attributes {dimension_semantics = [#tpu.dimension_semantics<arbitrary>], iteration_bounds = array<i64: 10>, scalar_prefetch = 0 : i64, scratch_operands = 0 : i64, tpu.core_type = #tpu.core_type<tc>, window_params = [{transform_indices = @transform_0, window_bounds = array<i64: 1024, 3>}, {transform_indices = @transform_1, window_bounds = array<i64: 1024, 128>}, {transform_indices = @transform_2, window_bounds = array<i64: 1024, 3>}, {pipeline_mode = #tpu.pipeline_mode<synchronous>, transform_indices = @transform_3, window_bounds = array<i64: 3, 256>}, {pipeline_mode = #tpu.pipeline_mode<synchronous>, transform_indices = @transform_4, window_bounds = array<i64: 128, 256>}, {pipeline_mode = #tpu.pipeline_mode<synchronous>, transform_indices = @transform_5, window_bounds = array<i64: 256>}, {pipeline_mode = #tpu.pipeline_mode<synchronous>, transform_indices = @transform_6, window_bounds = array<i64: 3, 256>}, {transform_indices = @transform_7, window_bounds = array<i64: 1024, 256>}, {transform_indices = @transform_8, window_bounds = array<i64: 1024, 256>}]} {
    %get3A = arith.constant 0 : index
    %get3A_0 = arith.constant 0 : index
    %get3A_1 = vector.load %arg1[%get3A, %get3A_0] : memref<1024x3xf32, #tpu.memory_space<vmem>>, vector<1024x3xf32>
    %get3A_2 = arith.constant 0 : index
    %get3A_3 = arith.constant 0 : index
    %get3A_4 = vector.load %arg4[%get3A_2, %get3A_3] : memref<3x256xf32, #tpu.memory_space<vmem>>, vector<3x256xf32>
    %dot_general3A = arith.constant dense<0.000000e+00> : vector<1024x256xf32>
    %dot_general3A_5 = tpu.matmul %get3A_1, %get3A_4, %dot_general3A {dimension_numbers = #tpu.dot_dimension_numbers<[1], [0], [0], [1], [0, 0, 1, 1], [], []>, precision = #tpu.contract_precision<fp32>, transpose_lhs_hint = false} : vector<1024x3xf32>, vector<3x256xf32>, vector<1024x256xf32> -> vector<1024x256xf32>
    %get3A_6 = arith.constant 0 : index
    %get3A_7 = arith.constant 0 : index
    %get3A_8 = vector.load %arg2[%get3A_6, %get3A_7] : memref<1024x128xf32, #tpu.memory_space<vmem>>, vector<1024x128xf32>
    %get3A_9 = arith.constant 0 : index
    %get3A_10 = arith.constant 0 : index
    %get3A_11 = vector.load %arg5[%get3A_9, %get3A_10] : memref<128x256xf32, #tpu.memory_space<vmem>>, vector<128x256xf32>
    %dot_general3A_12 = arith.constant dense<0.000000e+00> : vector<1024x256xf32>
    %dot_general3A_13 = tpu.matmul %get3A_8, %get3A_11, %dot_general3A_12 {dimension_numbers = #tpu.dot_dimension_numbers<[1], [0], [0], [1], [0, 0, 1, 1], [], []>, precision = #tpu.contract_precision<fp32>, transpose_lhs_hint = false} : vector<1024x128xf32>, vector<128x256xf32>, vector<1024x256xf32> -> vector<1024x256xf32>
    %add3A = arith.addf %dot_general3A_5, %dot_general3A_13 : vector<1024x256xf32>
    %get3A_14 = arith.constant 0 : index
    %get3A_15 = vector.load %arg6[%get3A_14] : memref<256xf32, #tpu.memory_space<vmem>>, vector<256xf32>
    %broadcast_in_dim3A = vector.shape_cast %get3A_15 : vector<256xf32> to vector<1x256xf32>
    %add3A_16 = vector.broadcast %broadcast_in_dim3A : vector<1x256xf32> to vector<1024x256xf32>
    %add3A_17 = arith.addf %add3A, %add3A_16 : vector<1024x256xf32>
    %swap3A = arith.constant 0 : index
    %swap3A_18 = arith.constant 0 : index
    %swap3A_19 = vector.load %arg8[%swap3A, %swap3A_18] : memref<1024x256xf32, #tpu.memory_space<vmem>>, vector<1024x256xf32>
    tpu.vector_store %arg8[%swap3A, %swap3A_18], %add3A_17 {strides = array<i32>} : memref<1024x256xf32, #tpu.memory_space<vmem>>, vector<1024x256xf32>,
    %get3A_20 = arith.constant 0 : index
    %get3A_21 = arith.constant 0 : index
    %get3A_22 = vector.load %arg3[%get3A_20, %get3A_21] : memref<1024x3xf32, #tpu.memory_space<vmem>>, vector<1024x3xf32>
    %get3A_23 = arith.constant 0 : index
    %get3A_24 = arith.constant 0 : index
    %get3A_25 = vector.load %arg7[%get3A_23, %get3A_24] : memref<3x256xf32, #tpu.memory_space<vmem>>, vector<3x256xf32>
    %dot_general3A_26 = arith.constant dense<0.000000e+00> : vector<1024x256xf32>
    %dot_general3A_27 = tpu.matmul %get3A_22, %get3A_25, %dot_general3A_26 {dimension_numbers = #tpu.dot_dimension_numbers<[1], [0], [0], [1], [0, 0, 1, 1], [], []>, precision = #tpu.contract_precision<fp32>, transpose_lhs_hint = false} : vector<1024x3xf32>, vector<3x256xf32>, vector<1024x256xf32> -> vector<1024x256xf32>
    %swap3A_28 = arith.constant 0 : index
    %swap3A_29 = arith.constant 0 : index
    %swap3A_30 = vector.load %arg9[%swap3A_28, %swap3A_29] : memref<1024x256xf32, #tpu.memory_space<vmem>>, vector<1024x256xf32>
    tpu.vector_store %arg9[%swap3A_28, %swap3A_29], %dot_general3A_27 {strides = array<i32>} : memref<1024x256xf32, #tpu.memory_space<vmem>>, vector<1024x256xf32>,
    return
  }
  func.func @transform_0(%arg0: i32) -> (i32, i32) {
    %c0_i32 = arith.constant 0 : i32
    %c0_i32_0 = arith.constant 0 : i32
    return %arg0, %c0_i32 : i32, i32
  }
  func.func @transform_1(%arg0: i32) -> (i32, i32) {
    %c0_i32 = arith.constant 0 : i32
    %c0_i32_0 = arith.constant 0 : i32
    return %arg0, %c0_i32 : i32, i32
  }
  func.func @transform_2(%arg0: i32) -> (i32, i32) {
    %c0_i32 = arith.constant 0 : i32
    %c0_i32_0 = arith.constant 0 : i32
    return %arg0, %c0_i32 : i32, i32
  }
  func.func @transform_3(%arg0: i32) -> (i32, i32) {
    %c0_i32 = arith.constant 0 : i32
    %c0_i32_0 = arith.constant 0 : i32
    %c0_i32_1 = arith.constant 0 : i32
    return %c0_i32, %c0_i32_0 : i32, i32
  }
  func.func @transform_4(%arg0: i32) -> (i32, i32) {
    %c0_i32 = arith.constant 0 : i32
    %c0_i32_0 = arith.constant 0 : i32
    %c0_i32_1 = arith.constant 0 : i32
    return %c0_i32, %c0_i32_0 : i32, i32
  }
  func.func @transform_5(%arg0: i32) -> i32 {
    %c0_i32 = arith.constant 0 : i32
    %c0_i32_0 = arith.constant 0 : i32
    return %c0_i32 : i32
  }
  func.func @transform_6(%arg0: i32) -> (i32, i32) {
    %c0_i32 = arith.constant 0 : i32
    %c0_i32_0 = arith.constant 0 : i32
    %c0_i32_1 = arith.constant 0 : i32
    return %c0_i32, %c0_i32_0 : i32, i32
  }
  func.func @transform_7(%arg0: i32) -> (i32, i32) {
    %c0_i32 = arith.constant 0 : i32
    %c0_i32_0 = arith.constant 0 : i32
    return %arg0, %c0_i32 : i32, i32
  }
  func.func @transform_8(%arg0: i32) -> (i32, i32) {
    %c0_i32 = arith.constant 0 : i32
    %c0_i32_0 = arith.constant 0 : i32
    return %arg0, %c0_i32 : i32, i32
  }
}

module attributes {stable_mosaic.version = 14 : i64} {
  func.func @_k4_body(%arg0: i32, %arg1: i32, %arg2: memref<512x256xf32, #tpu.memory_space<vmem>>, %arg3: memref<512x128xf32, #tpu.memory_space<vmem>>, %arg4: memref<1x1x512xi32, #tpu.memory_space<vmem>>, %arg5: memref<320x256xf32, #tpu.memory_space<vmem>>, %arg6: memref<320x128xf32, #tpu.memory_space<vmem>>, %arg7: memref<256x128xf32, #tpu.memory_space<vmem>>, %arg8: memref<128xf32, #tpu.memory_space<vmem>>, %arg9: memref<128x128xf32, #tpu.memory_space<vmem>>, %arg10: memref<128xf32, #tpu.memory_space<vmem>>, %arg11: memref<320x128xf32, #tpu.memory_space<vmem>>, %arg12: memref<320x128xf32, #tpu.memory_space<vmem>>) attributes {dimension_semantics = [#tpu.dimension_semantics<arbitrary>, #tpu.dimension_semantics<arbitrary>], iteration_bounds = array<i64: 32, 28>, scalar_prefetch = 0 : i64, scratch_operands = 1 : i64, tpu.core_type = #tpu.core_type<tc>, window_params = [{transform_indices = @transform_0, window_bounds = array<i64: 512, 256>}, {transform_indices = @transform_1, window_bounds = array<i64: 512, 128>}, {transform_indices = @transform_2, window_bounds = array<i64: 1, 1, 512>}, {transform_indices = @transform_3, window_bounds = array<i64: 320, 256>}, {transform_indices = @transform_4, window_bounds = array<i64: 320, 128>}, {pipeline_mode = #tpu.pipeline_mode<synchronous>, transform_indices = @transform_5, window_bounds = array<i64: 256, 128>}, {pipeline_mode = #tpu.pipeline_mode<synchronous>, transform_indices = @transform_6, window_bounds = array<i64: 128>}, {pipeline_mode = #tpu.pipeline_mode<synchronous>, transform_indices = @transform_7, window_bounds = array<i64: 128, 128>}, {pipeline_mode = #tpu.pipeline_mode<synchronous>, transform_indices = @transform_8, window_bounds = array<i64: 128>}, {transform_indices = @transform_9, window_bounds = array<i64: 320, 128>}]} {
    %get3A = arith.constant 0 : index
    %get3A_0 = arith.constant 0 : index
    %get3A_1 = arith.constant 0 : index
    %get3A_2 = vector.load %arg4[%get3A, %get3A_0, %get3A_1] : memref<1x1x512xi32, #tpu.memory_space<vmem>>, vector<1x1x512xi32>
    %reshape3A = vector.shape_cast %get3A_2 : vector<1x1x512xi32> to vector<1x512xi32>
    %mul3A = arith.constant 320 : i32
    %mul3A_3 = arith.muli %arg0, %mul3A : i32
    %sub3A = vector.broadcast %mul3A_3 : i32 to vector<1x512xi32>
    %sub3A_4 = arith.subi %reshape3A, %sub3A : vector<1x512xi32>
    %iota3A = tpu.iota {dimensions = array<i32: 0>} : vector<320x1xi32>
    %eq3A = vector.broadcast %iota3A : vector<320x1xi32> to vector<320x512xi32>
    %eq3A_5 = vector.broadcast %sub3A_4 : vector<1x512xi32> to vector<320x512xi32>
    %eq3A_6 = arith.cmpi eq, %eq3A, %eq3A_5 : vector<320x512xi32>
    %convert_element_type3A = arith.extui %eq3A_6 : vector<320x512xi1> to vector<320x512xi32>
    %convert_element_type3A_7 = arith.sitofp %convert_element_type3A : vector<320x512xi32> to vector<320x512xf32>
    %get3A_8 = arith.constant 0 : index
    %get3A_9 = arith.constant 0 : index
    %get3A_10 = vector.load %arg5[%get3A_8, %get3A_9] : memref<320x256xf32, #tpu.memory_space<vmem>>, vector<320x256xf32>
    %dot_general3A = arith.constant dense<0.000000e+00> : vector<512x256xf32>
    %dot_general3A_11 = tpu.matmul %convert_element_type3A_7, %get3A_10, %dot_general3A {dimension_numbers = #tpu.dot_dimension_numbers<[0], [0], [1], [1], [0, 1, 1, 1], [], []>, transpose_lhs_hint = false} : vector<320x512xf32>, vector<320x256xf32>, vector<512x256xf32> -> vector<512x256xf32>
    %get3A_12 = arith.constant 0 : index
    %get3A_13 = arith.constant 0 : index
    %get3A_14 = vector.load %arg2[%get3A_12, %get3A_13] : memref<512x256xf32, #tpu.memory_space<vmem>>, vector<512x256xf32>
    %add3A = arith.addf %get3A_14, %dot_general3A_11 : vector<512x256xf32>
    %integer_pow3A = arith.mulf %add3A, %add3A : vector<512x256xf32>
    %integer_pow3A_15 = arith.mulf %add3A, %integer_pow3A : vector<512x256xf32>
    %mul3A_16 = arith.constant 4.471500e-02 : f32
    %mul3A_17 = vector.broadcast %mul3A_16 : f32 to vector<512x256xf32>
    %mul3A_18 = arith.mulf %mul3A_17, %integer_pow3A_15 : vector<512x256xf32>
    %add3A_19 = arith.addf %add3A, %mul3A_18 : vector<512x256xf32>
    %mul3A_20 = arith.constant 0.797884583 : f32
    %mul3A_21 = vector.broadcast %mul3A_20 : f32 to vector<512x256xf32>
    %mul3A_22 = arith.mulf %mul3A_21, %add3A_19 : vector<512x256xf32>
    %tanh3A = math.tanh %mul3A_22 : vector<512x256xf32>
    %add3A_23 = arith.constant 1.000000e+00 : f32
    %add3A_24 = vector.broadcast %add3A_23 : f32 to vector<512x256xf32>
    %add3A_25 = arith.addf %add3A_24, %tanh3A : vector<512x256xf32>
    %mul3A_26 = arith.constant 5.000000e-01 : f32
    %mul3A_27 = vector.broadcast %mul3A_26 : f32 to vector<512x256xf32>
    %mul3A_28 = arith.mulf %mul3A_27, %add3A_25 : vector<512x256xf32>
    %mul3A_29 = arith.mulf %add3A, %mul3A_28 : vector<512x256xf32>
    %get3A_30 = arith.constant 0 : index
    %get3A_31 = arith.constant 0 : index
    %get3A_32 = vector.load %arg7[%get3A_30, %get3A_31] : memref<256x128xf32, #tpu.memory_space<vmem>>, vector<256x128xf32>
    %dot_general3A_33 = arith.constant dense<0.000000e+00> : vector<512x128xf32>
    %dot_general3A_34 = tpu.matmul %mul3A_29, %get3A_32, %dot_general3A_33 {dimension_numbers = #tpu.dot_dimension_numbers<[1], [0], [0], [1], [0, 0, 1, 1], [], []>, precision = #tpu.contract_precision<fp32>, transpose_lhs_hint = false} : vector<512x256xf32>, vector<256x128xf32>, vector<512x128xf32> -> vector<512x128xf32>
    %get3A_35 = arith.constant 0 : index
    %get3A_36 = vector.load %arg8[%get3A_35] : memref<128xf32, #tpu.memory_space<vmem>>, vector<128xf32>
    %broadcast_in_dim3A = vector.shape_cast %get3A_36 : vector<128xf32> to vector<1x128xf32>
    %add3A_37 = vector.broadcast %broadcast_in_dim3A : vector<1x128xf32> to vector<512x128xf32>
    %add3A_38 = arith.addf %dot_general3A_34, %add3A_37 : vector<512x128xf32>
    %integer_pow3A_39 = arith.mulf %add3A_38, %add3A_38 : vector<512x128xf32>
    %integer_pow3A_40 = arith.mulf %add3A_38, %integer_pow3A_39 : vector<512x128xf32>
    %mul3A_41 = arith.constant 4.471500e-02 : f32
    %mul3A_42 = vector.broadcast %mul3A_41 : f32 to vector<512x128xf32>
    %mul3A_43 = arith.mulf %mul3A_42, %integer_pow3A_40 : vector<512x128xf32>
    %add3A_44 = arith.addf %add3A_38, %mul3A_43 : vector<512x128xf32>
    %mul3A_45 = arith.constant 0.797884583 : f32
    %mul3A_46 = vector.broadcast %mul3A_45 : f32 to vector<512x128xf32>
    %mul3A_47 = arith.mulf %mul3A_46, %add3A_44 : vector<512x128xf32>
    %tanh3A_48 = math.tanh %mul3A_47 : vector<512x128xf32>
    %add3A_49 = arith.constant 1.000000e+00 : f32
    %add3A_50 = vector.broadcast %add3A_49 : f32 to vector<512x128xf32>
    %add3A_51 = arith.addf %add3A_50, %tanh3A_48 : vector<512x128xf32>
    %mul3A_52 = arith.constant 5.000000e-01 : f32
    %mul3A_53 = vector.broadcast %mul3A_52 : f32 to vector<512x128xf32>
    %mul3A_54 = arith.mulf %mul3A_53, %add3A_51 : vector<512x128xf32>
    %mul3A_55 = arith.mulf %add3A_38, %mul3A_54 : vector<512x128xf32>
    %get3A_56 = arith.constant 0 : index
    %get3A_57 = arith.constant 0 : index
    %get3A_58 = vector.load %arg9[%get3A_56, %get3A_57] : memref<128x128xf32, #tpu.memory_space<vmem>>, vector<128x128xf32>
    %dot_general3A_59 = arith.constant dense<0.000000e+00> : vector<512x128xf32>
    %dot_general3A_60 = tpu.matmul %mul3A_55, %get3A_58, %dot_general3A_59 {dimension_numbers = #tpu.dot_dimension_numbers<[1], [0], [0], [1], [0, 0, 1, 1], [], []>, precision = #tpu.contract_precision<fp32>, transpose_lhs_hint = false} : vector<512x128xf32>, vector<128x128xf32>, vector<512x128xf32> -> vector<512x128xf32>
    %get3A_61 = arith.constant 0 : index
    %get3A_62 = vector.load %arg10[%get3A_61] : memref<128xf32, #tpu.memory_space<vmem>>, vector<128xf32>
    %broadcast_in_dim3A_63 = vector.shape_cast %get3A_62 : vector<128xf32> to vector<1x128xf32>
    %add3A_64 = vector.broadcast %broadcast_in_dim3A_63 : vector<1x128xf32> to vector<512x128xf32>
    %add3A_65 = arith.addf %dot_general3A_60, %add3A_64 : vector<512x128xf32>
    %get3A_66 = arith.constant 0 : index
    %get3A_67 = arith.constant 0 : index
    %get3A_68 = vector.load %arg3[%get3A_66, %get3A_67] : memref<512x128xf32, #tpu.memory_space<vmem>>, vector<512x128xf32>
    %mul3A_69 = arith.mulf %add3A_65, %get3A_68 : vector<512x128xf32>
    %dot_general3A_70 = arith.constant dense<0.000000e+00> : vector<320x128xf32>
    %dot_general3A_71 = tpu.matmul %convert_element_type3A_7, %mul3A_69, %dot_general3A_70 {dimension_numbers = #tpu.dot_dimension_numbers<[1], [0], [0], [1], [0, 0, 1, 1], [], []>, transpose_lhs_hint = false} : vector<320x512xf32>, vector<512x128xf32>, vector<320x128xf32> -> vector<320x128xf32>
    %eq3A_72 = arith.constant 0 : i32
    %eq3A_73 = arith.cmpi eq, %arg1, %eq3A_72 : i32
    %convert_element_type3A_74 = arith.extui %eq3A_73 : i1 to i32
    %cond3A = arith.constant 0 : i32
    %cond3A_75 = arith.cmpi ne, %convert_element_type3A_74, %cond3A : i32
    scf.if %cond3A_75 {
      %swap3A = arith.constant 0 : index
      %swap3A_85 = arith.constant 0 : index
      %swap3A_86 = vector.load %arg12[%swap3A, %swap3A_85] : memref<320x128xf32, #tpu.memory_space<vmem>>, vector<320x128xf32>
      tpu.vector_store %arg12[%swap3A, %swap3A_85], %dot_general3A_71 {strides = array<i32>} : memref<320x128xf32, #tpu.memory_space<vmem>>, vector<320x128xf32>,
    } else {
    }
    %gt3A = arith.constant 0 : i32
    %gt3A_76 = arith.cmpi sgt, %arg1, %gt3A : i32
    %convert_element_type3A_77 = arith.extui %gt3A_76 : i1 to i32
    %cond3A_78 = arith.constant 0 : i32
    %cond3A_79 = arith.cmpi ne, %convert_element_type3A_77, %cond3A_78 : i32
    scf.if %cond3A_79 {
      %get3A_85 = arith.constant 0 : index
      %get3A_86 = arith.constant 0 : index
      %get3A_87 = vector.load %arg12[%get3A_85, %get3A_86] : memref<320x128xf32, #tpu.memory_space<vmem>>, vector<320x128xf32>
      %add3A_88 = arith.addf %get3A_87, %dot_general3A_71 : vector<320x128xf32>
      %swap3A = arith.constant 0 : index
      %swap3A_89 = arith.constant 0 : index
      %swap3A_90 = vector.load %arg12[%swap3A, %swap3A_89] : memref<320x128xf32, #tpu.memory_space<vmem>>, vector<320x128xf32>
      tpu.vector_store %arg12[%swap3A, %swap3A_89], %add3A_88 {strides = array<i32>} : memref<320x128xf32, #tpu.memory_space<vmem>>, vector<320x128xf32>,
    } else {
    }
    %eq3A_80 = arith.constant 27 : i32
    %eq3A_81 = arith.cmpi eq, %arg1, %eq3A_80 : i32
    %convert_element_type3A_82 = arith.extui %eq3A_81 : i1 to i32
    %cond3A_83 = arith.constant 0 : i32
    %cond3A_84 = arith.cmpi ne, %convert_element_type3A_82, %cond3A_83 : i32
    scf.if %cond3A_84 {
      %get3A_85 = arith.constant 0 : index
      %get3A_86 = arith.constant 0 : index
      %get3A_87 = vector.load %arg12[%get3A_85, %get3A_86] : memref<320x128xf32, #tpu.memory_space<vmem>>, vector<320x128xf32>
      %get3A_88 = arith.constant 0 : index
      %get3A_89 = arith.constant 0 : index
      %get3A_90 = vector.load %arg6[%get3A_88, %get3A_89] : memref<320x128xf32, #tpu.memory_space<vmem>>, vector<320x128xf32>
      %max3A = arith.constant 1.000000e+00 : f32
      %max3A_91 = vector.broadcast %max3A : f32 to vector<320x128xf32>
      %max3A_92 = arith.maximumf %get3A_90, %max3A_91 : vector<320x128xf32>
      %div3A = arith.divf %get3A_87, %max3A_92 : vector<320x128xf32>
      %swap3A = arith.constant 0 : index
      %swap3A_93 = arith.constant 0 : index
      %swap3A_94 = vector.load %arg11[%swap3A, %swap3A_93] : memref<320x128xf32, #tpu.memory_space<vmem>>, vector<320x128xf32>
      tpu.vector_store %arg11[%swap3A, %swap3A_93], %div3A {strides = array<i32>} : memref<320x128xf32, #tpu.memory_space<vmem>>, vector<320x128xf32>,
    } else {
    }
    return
  }
  func.func @transform_0(%arg0: i32, %arg1: i32) -> (i32, i32) {
    %mul3A = arith.constant 28 : i32
    %mul3A_0 = arith.muli %arg0, %mul3A : i32
    %add3A = arith.addi %mul3A_0, %arg1 : i32
    %c0_i32 = arith.constant 0 : i32
    %c0_i32_1 = arith.constant 0 : i32
    return %add3A, %c0_i32 : i32, i32
  }
  func.func @transform_1(%arg0: i32, %arg1: i32) -> (i32, i32) {
    %mul3A = arith.constant 28 : i32
    %mul3A_0 = arith.muli %arg0, %mul3A : i32
    %add3A = arith.addi %mul3A_0, %arg1 : i32
    %c0_i32 = arith.constant 0 : i32
    %c0_i32_1 = arith.constant 0 : i32
    return %add3A, %c0_i32 : i32, i32
  }
  func.func @transform_2(%arg0: i32, %arg1: i32) -> (i32, i32, i32) {
    %mul3A = arith.constant 28 : i32
    %mul3A_0 = arith.muli %arg0, %mul3A : i32
    %add3A = arith.addi %mul3A_0, %arg1 : i32
    %c0_i32 = arith.constant 0 : i32
    %c0_i32_1 = arith.constant 0 : i32
    %c0_i32_2 = arith.constant 0 : i32
    return %add3A, %c0_i32, %c0_i32_1 : i32, i32, i32
  }
  func.func @transform_3(%arg0: i32, %arg1: i32) -> (i32, i32) {
    %c0_i32 = arith.constant 0 : i32
    %c0_i32_0 = arith.constant 0 : i32
    return %arg0, %c0_i32 : i32, i32
  }
  func.func @transform_4(%arg0: i32, %arg1: i32) -> (i32, i32) {
    %c0_i32 = arith.constant 0 : i32
    %c0_i32_0 = arith.constant 0 : i32
    return %arg0, %c0_i32 : i32, i32
  }
  func.func @transform_5(%arg0: i32, %arg1: i32) -> (i32, i32) {
    %c0_i32 = arith.constant 0 : i32
    %c0_i32_0 = arith.constant 0 : i32
    %c0_i32_1 = arith.constant 0 : i32
    return %c0_i32, %c0_i32_0 : i32, i32
  }
  func.func @transform_6(%arg0: i32, %arg1: i32) -> i32 {
    %c0_i32 = arith.constant 0 : i32
    %c0_i32_0 = arith.constant 0 : i32
    return %c0_i32 : i32
  }
  func.func @transform_7(%arg0: i32, %arg1: i32) -> (i32, i32) {
    %c0_i32 = arith.constant 0 : i32
    %c0_i32_0 = arith.constant 0 : i32
    %c0_i32_1 = arith.constant 0 : i32
    return %c0_i32, %c0_i32_0 : i32, i32
  }
  func.func @transform_8(%arg0: i32, %arg1: i32) -> i32 {
    %c0_i32 = arith.constant 0 : i32
    %c0_i32_0 = arith.constant 0 : i32
    return %c0_i32 : i32
  }
  func.func @transform_9(%arg0: i32, %arg1: i32) -> (i32, i32) {
    %c0_i32 = arith.constant 0 : i32
    %c0_i32_0 = arith.constant 0 : i32
    return %arg0, %c0_i32 : i32, i32
  }
}

</mosaic_0001>

<sc_bundles>
// kernel: kernel.6.cloned.1.call-start
scs
__scs_entry_jumppad:
0x0: {  	(pc) =	sbr.rel $0x88, $3  }
0x1: {  	(tag) =	ssettag $0x0;
	lr =	simm.s32 $0x1  }
0x2: {  	[smem:$0x3F98] =	sst lr;
	_ =	strace $0xD0000000  }
0x3: {  	_ = 	snop  }
0x4: {  	_ = 	snop  }
0x5: {  	_ = 	snop  }
0x6: {  	_ = 	snop  }
0x7: {  	_ = 	snop  }
__scs_overlays_trampoline_lowered:
0x8: {  	[smem:$0x3FA7] =	sst s0  }
0x9: {  	[smem:$0x3FA8] =	sst s1  }
0xa: {  	[smem:$0x3FA9] =	sst s2  }
0xb: {  	[smem:$0x3FAA] =	sst s3  }
0xc: {  	[smem:$0x3FAB] =	sst s4  }
0xd: {  	[smem:$0x3FAC] =	sst s5  }
0xe: {  	[smem:$0x3FAD] =	sst s6  }
0xf: {  	[smem:$0x3FAE] =	sst s7  }
0x10: {  	[smem:$0x3FAF] =	sst s8  }
0x11: {  	[smem:$0x3FB0] =	sst s9;
	s0 =	simm.s32 @!p0 $0x0  }
0x12: {  	s1 =	sld [smem:$0x3F96];
	s0 =	simm.s32 @p0 $0x1  }
0x13: {  	[smem:$0x3FB1] =	sst s0;
	s0 =	simm.s32 @!p1 $0x0  }
0x14: {  	s2 =	sld [smem:$0x3F95];
	s0 =	simm.s32 @p1 $0x1  }
0x15: {  	[smem:$0x3FB2] =	sst s0;
	s0 =	simm.s32 @!p2 $0x0  }
0x16: {  	s3 =	sld [smem:$0x3FDB];
	s0 =	simm.s32 @p2 $0x1  }
0x17: {  	s4 =	simm.s32 $0x1BF5;
	[smem:$0x3FB4] =	sst s0  }
0x18: {  	s0 =	sld [smem:$0x3F97];
	_ =	swait.ge [sflag:s4], $0x0  }
0x19: {  	s7 =	sld [smem:$0x3F98]  }
0x1a: {  	s8 =	sadd.s32 $0xFFFFE003, lr  }
0x1b: {  	s9 =	sadd.s32 $0xFFFFFEF7, lr;
	s5 =	simm.s32 $0xFFFFFFFF;
	p2 =	slt.u32 s8, $0xFFFFF086  }
0x1c: {  	p1 =	slt.u32 s9, $0xF7A;
	s5 =	simm.s32 @!p2 $0x0  }
0x1d: {  	s5 =	simm.s32 @p1 $0x1;
	p0 =	seq.s32 s7, s2  }
0x1e: {  	s7 =	smul.u32 @!p0 $0xF7A, s2;
	p2 =	seq.s32 @!p0 s5, $0x0  }
0x1f: {  	s9 =	smul.u32 $0xF7A, s1;
	s8 =	simm.s32 @!p0 $0x1BF5;
	p2 =	por !p2, p0  }
0x20: {  	[sflag:s8] =	ssyncset.s32 @!p0 $0xFFFFF086;
	s6 =	sadd.s32 @!p0 s3, s7;
	s7 =	simm.s32 @!p0 $0x108  }
0x21: {  	s3 =	sadd.s32 s3, s9;
	s6 =	sadd.s32 @!p0 $0x88, s6;
	s7 =	simm.s32 @p2 $0x1082  }
0x22: {  	[simem:s7], [sflag:s8] =	dma.local @!p0 [hbm:s6], $0xF7A  }
0x23: {  	s9 =	sor.u32 $0xD0000000, s2;
	s6 =	simm.s32 $0x108;
	_ =	swait.ge @!p0 [sflag:s8], $0x0  }
0x24: {  	s3 =	sadd.s32 $0x88, s3;
	s6 =	simm.s32 @!p1 $0x1082;
	[sflag:s4] =	ssyncset.s32 $0xFFFFF086  }
0x25: {  	[simem:s6], [sflag:s4] =	dma.local [hbm:s3], $0xF7A  }
0x26: {  	[smem:$0x3F98] =	sst s1;
	(tag) =	ssettag s2;
	_ =	strace s9  }
0x27: {  	s1 =	sld [smem:$0x3FA8]  }
0x28: {  	s2 =	sld [smem:$0x3FA9]  }
0x29: {  	s4 =	sld [smem:$0x3FAB]  }
0x2a: {  	p0 =	seq.s32 s5, $0x0;
	s5 =	sld [smem:$0x3FAC]  }
0x2b: {  	s6 =	sld [smem:$0x3FAD]  }
0x2c: {  	s7 =	sld [smem:$0x3FAE]  }
0x2d: {  	s3 =	simm.s32 $0x108;
	s8 =	sld [smem:$0x3FAF]  }
0x2e: {  	s3 =	simm.s32 @!p0 $0x1082;
	s9 =	sld [smem:$0x3FB0]  }
0x2f: {  	lr =	sadd.s32 s0, s3;
	s0 =	sld [smem:$0x3FA7]  }
0x30: {  	s3 =	sld [smem:$0x3FAA]  }
0x31: {  	[smem:$0x3FB3] =	sst s10  }
0x32: {  	s10 =	sld [smem:$0x3FB1];
	_ =	sdelay $0x3  }
0x33: {  	p0 =	seq.s32 s10, $0x1;
	s10 =	sld [smem:$0x3FB3];
	_ =	sdelay $0x3  }
0x34: {  	[smem:$0x3FB3] =	sst s10  }
0x35: {  	s10 =	sld [smem:$0x3FB2];
	_ =	sdelay $0x3  }
0x36: {  	p1 =	seq.s32 s10, $0x1;
	s10 =	sld [smem:$0x3FB3];
	_ =	sdelay $0x3  }
0x37: {  	[smem:$0x3FB3] =	sst s10  }
0x38: {  	s10 =	sld [smem:$0x3FB4]  }
0x39: {  	_ = 	snop;
	(pc) =	sbr.ind lr, $3  }
0x3a: {  	_ = 	snop  }
0x3b: {  	_ = 	snop  }
0x3c: {  	p2 =	seq.s32 s10, $0x1;
	s10 =	sld [smem:$0x3FB3]  }
0x3d: {  	_ =	shalt  }
0x3e: {  	_ =	shalt  }
0x3f: {  	_ =	shalt  }
0x40: {  	_ =	shalt  }
0x41: {  	_ =	shalt  }
0x42: {  	_ =	shalt  }
0x43: {  	_ =	shalt  }
0x44: {  	_ =	shalt  }
0x45: {  	_ =	shalt  }
0x46: {  	_ =	shalt  }
0x47: {  	_ =	shalt  }
0x48: {  	_ =	shalt  }
0x49: {  	_ =	shalt  }
0x4a: {  	_ =	shalt  }
0x4b: {  	_ =	shalt  }
0x4c: {  	_ =	shalt  }
0x4d: {  	_ =	shalt  }
0x4e: {  	_ =	shalt  }
0x4f: {  	_ =	shalt  }
0x50: {  	_ =	shalt  }
0x51: {  	_ =	shalt  }
0x52: {  	_ =	shalt  }
0x53: {  	_ =	shalt  }
0x54: {  	_ =	shalt  }
0x55: {  	_ =	shalt  }
0x56: {  	_ =	shalt  }
0x57: {  	_ =	shalt  }
0x58: {  	_ =	shalt  }
0x59: {  	_ =	shalt  }
0x5a: {  	_ =	shalt  }
0x5b: {  	_ =	shalt  }
0x5c: {  	_ =	shalt  }
0x5d: {  	_ =	shalt  }
0x5e: {  	_ =	shalt  }
0x5f: {  	_ =	shalt  }
0x60: {  	_ =	shalt  }
0x61: {  	_ =	shalt  }
0x62: {  	_ =	shalt  }
0x63: {  	_ =	shalt  }
0x64: {  	_ =	shalt  }
0x65: {  	_ =	shalt  }
0x66: {  	_ =	shalt  }
0x67: {  	_ =	shalt  }
0x68: {  	_ =	shalt  }
0x69: {  	_ =	shalt  }
0x6a: {  	_ =	shalt  }
0x6b: {  	_ =	shalt  }
0x6c: {  	_ =	shalt  }
0x6d: {  	_ =	shalt  }
0x6e: {  	_ =	shalt  }
0x6f: {  	_ =	shalt  }
0x70: {  	_ =	shalt  }
0x71: {  	_ =	shalt  }
0x72: {  	_ =	shalt  }
0x73: {  	_ =	shalt  }
0x74: {  	_ =	shalt  }
0x75: {  	_ =	shalt  }
0x76: {  	_ =	shalt  }
0x77: {  	_ =	shalt  }
0x78: {  	_ =	shalt  }
0x79: {  	_ =	shalt  }
0x7a: {  	_ =	shalt  }
0x7b: {  	_ =	shalt  }
0x7c: {  	_ =	shalt  }
0x7d: {  	_ =	shalt  }
0x7e: {  	_ =	shalt  }
0x7f: {  	_ =	shalt  }
0x80: {  	_ =	shalt  }
0x81: {  	_ =	shalt  }
0x82: {  	_ =	shalt  }
0x83: {  	_ =	shalt  }
0x84: {  	_ =	shalt  }
0x85: {  	_ =	shalt  }
0x86: {  	_ =	shalt  }
0x87: {  	_ =	shalt  }
.Lfunc_end0:
.L_simem_size_0:
called_computation_lowered:
.L_overlay_start_0:
0x88: {  	s2 =	sld [smem:$0x3FD9]  }
0x89: {  	s3 =	sld [smem:$0x3FFE];
	_ =	sdelay $0x1  }
0x8a: {  	s1 =	srdreg.scid  }
0x8b: {  	s0 =	sand.u32 $0x1, s1  }
0x8c: {  	s17 =	sshll.u32 s0, $0xA;
	s2 =	sadd.s32 s3, s2  }
0x8d: {  	s2 =	sadd.s32 s2, s17  }
0x8e: {  	[smem:$0x3FBF] =	sst s2  }
0x8f: {  	_ = 	snop  }
0x90: {  	s2 =	sld [smem:$0x3FD0];
	(tm) =	ssettm $0x1  }
0x91: {  	s18 =	sld [smem:$0x3FFB];
	_ =	sdelay $0x3  }
0x92: {  	_ =	strace s18  }
0x93: {  	s3 =	sld [smem:$0x3FFC];
	_ =	sdelay $0x3  }
0x94: {  	_ =	strace s3  }
0x95: {  	s3 =	sld [smem:$0x3FFD];
	_ =	sdelay $0x3  }
0x96: {  	_ =	strace s3  }
0x97: {  	_ =	strace $0x8FFFFFFF  }
0x98: {  	s19 =	sld [smem:$0x3FDB];
	_ =	sdelay $0x1  }
0x99: {  	s4 =	simm.s32 $_scs_section_size  }
0x9a: {  	s5 =	simm.s32 $_size__tile_overlayer_lowered;
	s6 =	simm.s32 $_tile_overlayer_lowered  }
0x9b: {  	s22 =	simm.s32 $0x1BFF;
	s21 =	sshll.u32 s6, $0x1;
	s3 =	sadd.s32 s4, s19  }
0x9c: {  	s7 =	simm.s32 $0x0;
	s20 =	sshll.u32 s5, $0x1;
	s5 =	sadd.s32 s21, s3  }
0x9d: {  	[timem:s7], [sflag:s22] =	dma.local [hbm:s5], s20  }
0x9e: {  	_ =	swait.ge [sflag:s22], s20  }
0x9f: {  	s4 =	ssub.s32 $0x0, s20;
	[sflag:s22] =	ssyncset.done $0x0  }
0xa0: {  	[sflag:s22] =	ssyncadd.s32 s4;
	_ =	sdelay $0x1  }
0xa1: {  	s23 =	simm.s32 $0x1B8B  }
0xa2: {  	_ =	swait.ge [sflag:s23], $0x1  }
0xa3: {  	[sflag:s23] =	ssyncset.done $0x0  }
0xa4: {  	s25 =	simm.s32 $0x1B8E;
	s24 =	sld [smem:$0x3FFE];
	[sflag:s23] =	ssyncadd.s32 $0xFFFFFFFF  }
0xa5: {  	s26 =	simm.s32 $execute0_lowered;
	[smem:$0x3FD2] =	sst s25  }
0xa6: {  	s5 =	sshll.u32 s26, $0x1;
	_ =	strace $0x80000046;
	[dreg:$0x1] =	wrdreg $0xFFFFFFFF  }
0xa7: {  	s28 =	simm.s32 $_size_execute0_lowered;
	s3 =	sadd.s32 s3, s5;
	[dreg:$0x0] =	wrdreg $0x0  }
0xa8: {  	s5 =	sshll.u32 s28, $0x1;
	[dreg:$0x2] =	wrdreg s3  }
0xa9: {  	[dreg:$0x3] =	wrdreg s5  }
0xaa: {  	[dreg:$0x4] =	wrdreg $0xC0  }
0xab: {  	_ =	task [dreg:s7], $0x5FFFF  }
0xac: {  	[dreg:$0x1] =	wrdreg $0xFFFFFFFF  }
0xad: {  	[dreg:$0x0] =	wrdreg $0x60  }
0xae: {  	[dreg:$0x2] =	wrdreg s24  }
0xaf: {  	[dreg:$0x3] =	wrdreg s2  }
0xb0: {  	[dreg:$0x4] =	wrdreg $0x9  }
0xb1: {  	_ =	task.clear_ibuf [dreg:s7], $0x5FFFF;
	_ =	strace $0x90000046  }
0xb2: {  	s29 =	simm.s32 $0x9;
	_ =	strace $0x80000048  }
0xb3: {  	_ =	swait.ge [sflag:s29], $0x1  }
0xb4: {  	[sflag:s29] =	ssyncadd.s32 $0xFFFFFFFF  }
0xb5: {  	_ =	strace $0x90000048  }
0xb6: {  	_ =	sfence  }
0xb7: {  	s30 =	sld [smem:$0x0];
	_ =	sdelay $0x2  }
0xb8: {  	s31 =	sshll.u32 s1, $0xD;
	s1 =	sshrl.u32 s1, $0x2  }
0xb9: {  	s3 =	sand.u32 $0x4000, s31;
	s1 =	sadd.s32 s1, s30  }
0xba: {  	s0 =	sor.u32 s3, s0;
	s1 =	sshll.u32 s1, $0x11  }
0xbb: {  	s0 =	sor.u32 s1, s0  }
0xbc: {  	s0 =	sadd.s32 $0x8F2B, s0  }
0xbd: {  	[sflag:s0] =	ssyncadd.remote.s32 $0x1  }
0xbe: {  	_ =	sfence.sel $0xFFFF  }
0xbf: {  	[dreg:$0x0] =	wrdreg $0xFFFFFFFF;
	(pc) =	sbr.abs _section_cstart, $3  }
0xc0: {  	[dreg:$0x1] =	wrdreg $0xFFFFFFFF  }
0xc1: {  	_ =	task.clear_ibuf [dreg:s7], $0x2FFFF;
	_ =	strace $0x9FFFFFFF  }
0xc2: {  	(tm) =	ssettm $0x7FFFFFFF  }
0xc3: {  	_ =	shalt  }
tec
execute0_lowered:
.L_overlay_start_1:
0x0: {  	(tag) =	ssettag $0x1  }
0x1: {  	s0 =	srdreg.scid  }
0x2: {  	s3 =	stileid.u32;
	s1 =	rddreg [dreg:$0x0]  }
0x3: {  	s4 =	rddreg [dreg:$0x1];
	s22 =	smul.u32 $0xE0000, s3  }
0x4: {  	s0 =	sand.u32 $0x1, s0;
	s2 =	sshll.u32 s3, $0x1;
	s26 =	smul.u32 $0x70000, s3  }
0x5: {  	s6 =	sadd.s32 $0x2AC00, s1;
	s9 =	sor.u32 s0, s2;
	s24 =	smul.u32 $0x70000, s0  }
0x6: {  	s2 =	simm.s32 $0x0;
	s11 =	ssub.s32 $0x2, s0;
	s0 =	smul.u32 $0x38000, s0  }
0x7: {  	s14 =	sadd.s32 $0xD72C00, s1;
	s15 =	smul.u32 $0x140, s9;
	[smem:$0x7FF] =	sst s2  }
0x8: {  	s13 =	sshrl.u32 s11, $0x1;
	s9 =	smul.u32 $0x3800, s9;
	_ =	strace $0x80000047  }
0x9: {  	s11 =	ssub.s32 s11, s13;
	[dreg:$0x11] =	wrdreg s6;
	s7 =	sshrl.u32 s15, $0x3  }
0xa: {  	s5 =	sadd.s32 $0x138, s15;
	s18 =	sadd.s32 $0x3780, s9;
	s19 =	sshrl.u32 s9, $0x3  }
0xb: {  	s9 =	sadd.s32 $0x37C0, s9;
	s30 =	smax.u32 s11, $0x1;
	[dreg:$0x3] =	wrdreg s15  }
0xc: {  	[dreg:$0x4] =	wrdreg s7;
	s10 =	smul.u32 $0x2800, s7;
	s8 =	sshrl.u32 s5, $0x3  }
0xd: {  	s7 =	sadd.s32 $0xCD2C00, s1;
	s20 =	sshll.u32 s18, $0x5;
	s4 =	sadd.s32 s4, s19  }
0xe: {  	s23 =	sshll.u32 s18, $0x4;
	s25 =	sshll.u32 s9, $0x5;
	[dreg:$0xc] =	wrdreg s30  }
0xf: {  	s9 =	sshll.u32 s9, $0x4;
	[dreg:$0x10] =	wrdreg s5;
	s12 =	smul.u32 $0x2800, s8  }
0x10: {  	s8 =	sadd.s32 $0x2C00, s1;
	s1 =	sadd.s32 $0x1B72C00, s1;
	[dreg:$0x7] =	wrdreg s4  }
0x11: {  	s21 =	sadd.s32 s14, s20;
	s28 =	sadd.s32 s14, s25;
	s4 =	sadd.s32 s22, s14  }
0x12: {  	s22 =	simm.s32 $0x10000;
	s20 =	simm.s32 $0x16000;
	[dreg:$0x8] =	wrdreg s21  }
0x13: {  	s25 =	simm.s32 $0x2;
	s10 =	sadd.s32 s6, s10;
	[dreg:$0xa] =	wrdreg s28  }
0x14: {  	s29 =	sadd.s32 s1, s9;
	s4 =	sadd.s32 s24, s4;
	s9 =	simm.s32 $0x5  }
0x15: {  	s21 =	simm.s32 $0x13000;
	[dreg:$0x5] =	wrdreg s10;
	s17 =	sadd.s32 s12, s6  }
0x16: {  	[dreg:$0xb] =	wrdreg s29;
	s31 =	sadd.s32 $0x800, s4;
	s10 =	sadd.s32 $0x2300, s17  }
0x17: {  	[dreg:$0x6] =	wrdreg s10;
	s10 =	sadd.s32 s1, s23;
	s1 =	sadd.s32 s26, s1  }
0x18: {  	v4 =	vlaneseq.u32;
	v1 =	vimm.s32 $0x2710;
	[dreg:$0xd] =	wrdreg s31;
	s17 =	simm.s32 $0x6;
	s0 =	sadd.s32 s0, s1  }
0x19: {  	vm0 =	vmmov $0xffff;
	v2 =	vand.u32 $0x7, v4;
	v3 =	vshrl.u32 v4, $0x3;
	s23 =	simm.s32 $0x7;
	[dreg:$0x9] =	wrdreg s10;
	s0 =	sadd.s32 $0x400, s0  }
0x1a: {  	v4 =	vor.u32 $0x8, v4;
	v3 =	vmul.u32 $0x8, v3;
	v0 =	vmov s15;
	s26 =	simm.s32 $0x3;
	s1 =	simm.s32 $0x0;
	[dreg:$0xe] =	wrdreg s0  }
.LBB2_1:
0x1b: {  	s4 =	simm.s32 $0x5020  }
0x1c: {  	[dreg:$0xf] =	wrdreg s1;
	s1 =	simm.s32 $0x8820;
	[tilespmem:s4+$0xFFFFFFE0] =	vst v1  }
0x1d: {  	[tilespmem:s1+$0xFFFFFFE0] =	vst v0  }
0x1e: {  	[tilespmem:s4+$0xFFFFFFF0] =	vst v1  }
0x1f: {  	[tilespmem:s1+$0xFFFFFFF0] =	vst v0  }
0x20: {  	[tilespmem:s4+$0x0] =	vst v1  }
0x21: {  	[tilespmem:s1+$0x0] =	vst v0  }
0x22: {  	[tilespmem:s4+$0x10] =	vst v1  }
0x23: {  	s10 =	simm.s32 $0x5060;
	s4 =	simm.s32 $0x0;
	[tilespmem:s1+$0x10] =	vst v0  }
.LBB2_2:
0x24: {  	[tilespmem:s10+$0xFFFFFFE0] =	vst v1;
	s1 =	sadd.s32 $0x40, s1  }
0x25: {  	s4 =	sadd.s32 $0x4, s4;
	[tilespmem:s1+$0xFFFFFFE0] =	vst v0  }
0x26: {  	p0 =	slt.u32 s4, $0x37C;
	[tilespmem:s10+$0xFFFFFFF0] =	vst v1  }
.Ltmp0:
0x27: {  	[tilespmem:s1+$0xFFFFFFF0] =	vst v0;
	(pc) =	sbr.rel @p0 .LBB2_2-.Ltmp0, $4  }
0x28: {  	[tilespmem:s10+$0x0] =	vst v1  }
0x29: {  	[tilespmem:s1+$0x0] =	vst v0  }
0x2a: {  	[tilespmem:s10+$0x10] =	vst v1  }
0x2b: {  	s10 =	sadd.s32 $0x40, s10;
	[tilespmem:s1+$0x10] =	vst v0  }
0x2c: {  	s29 =	simm.s32 $0x0;
	s0 =	rddreg [dreg:$0x5]  }
0x2d: {  	s30 =	simm.s32 $0x0;
	s16 =	simm.s32 $0x0;
	s31 =	simm.s32 $0x0  }
0x2e: {  	[tilespmem:s29], [sflag:$0x5] =	stream.linear.gather [hbm4b:s0+s29], $0x2800, $0x38;
	[tilespmem:$0x18000] =	vst v63  }
.LBB2_4:
0x2f: {  	s11 =	sshll.u32 s31, $0x1  }
0x30: {  	s0 =	rddreg [dreg:$0x3];
	s1 =	sand.u32 $0x1F8, s11;
	s4 =	sand.u32 $0x6, s11  }
0x31: {  	s1 =	sadd.s32 s0, s1;
	s4 =	sor.u32 $0x1, s4  }
0x32: {  	s10 =	sshrl.u32 s1, $0x3;
	s4 =	smul.u32 $0x2800, s4  }
0x33: {  	s10 =	smul.u32 $0x14000, s10;
	_ =	sdelay $0x1  }
0x34: {  	s4 =	sadd.s32 s4, s10  }
0x35: {  	s4 =	sshrl.u32 s4, $0x3  }
0x36: {  	s24 =	simm.s32 $0x2800;
	s4 =	sadd.s32 s6, s4  }
0x37: {  	[tilespmem:s24], [sflag:$0x6] =	stream.linear.gather [hbm4b:s4+s29], $0x2800, $0x38;
	[tilespmem:$0x18000] =	vst v63  }
0x38: {  	_ =	swait.ge [sflag:s9], $0x2800  }
0x39: {  	s28 =	sand.u32 $0x3, s30;
	[sflag:s9] =	ssyncset.done $0x0  }
0x3a: {  	s12 =	simm.s32 $0x0;
	s10 =	smul.u32 $0xA00, s28;
	[sflag:s9] =	ssyncadd.s32 $0xFFFFD800  }
.LBB2_5:
0x3b: {  	s4 =	sshll.u32 s12, $0x7  }
0x3c: {  	v6 =	vmov s4;
	_ =	sdelay $0x1  }
0x3d: {  	s18 =	simm.s32 $0x0  }
0x3e: {  	s13 =	sand.u32 $0x40, s18;
	s4 =	sand.u32 $0x3C00, s18  }
0x3f: {  	s4 =	sor.u32 s13, s4  }
0x40: {  	v5 =	vld.idx.msk [tilespmem:v6+s4+$0x0 ss:$0x1], $0xffff  }
0x41: {  	v7 =	vld.idx.msk [tilespmem:v6+s4+$0x10 ss:$0x1], $0xffff  }
0x42: {  	v8 =	vld.idx.msk [tilespmem:v6+s4+$0x20 ss:$0x1], $0xffff  }
0x43: {  	v9 =	vld.idx.msk [tilespmem:v6+s4+$0x30 ss:$0x1], $0xffff;
	_ =	sdelay $0x2  }
0x44: {  	v10 =	vor.u32 v5, v7  }
0x45: {  	v10 =	vor.u32 v8, v10  }
0x46: {  	v10 =	vor.u32 v9, v10  }
0x47: {  	vm1 =	vne.s32 v10, $0x0  }
0x48: {  	v10 =	vmpcnt.ones.xlane vm1;
	_ =	sdelay $0x1  }
0x49: {  	(v2sf) =	vpush v10, $0x0;
	_ =	sdelay $0xe  }
0x4a: {  	s19 =	spop (v2sf)  }
0x4b: {  	p0 =	slt.s32 s19, $0x1  }
0x4c: {  	vm4 =	vne.s32 @!p0 v5, $0x0  }
0x4d: {  	v5 =	vmpcnt.ones.xlane @!p0 vm4;
	_ =	sdelay $0x1  }
0x4e: {  	(v2sf) =	vpush @!p0 v5, $0x0  }
0x4f: {  	vm3 =	vne.s32 @!p0 v7, $0x0  }
0x50: {  	v5 =	vmpcnt.ones.xlane @!p0 vm3;
	_ =	sdelay $0x1  }
0x51: {  	(v2sf) =	vpush @!p0 v5, $0x0  }
0x52: {  	vm2 =	vne.s32 @!p0 v8, $0x0  }
0x53: {  	v5 =	vmpcnt.ones.xlane @!p0 vm2;
	_ =	sdelay $0x1  }
0x54: {  	(v2sf) =	vpush @!p0 v5, $0x0  }
0x55: {  	vm1 =	vne.s32 @!p0 v9, $0x0  }
0x56: {  	v5 =	vmpcnt.ones.xlane @!p0 vm1;
	_ =	sdelay $0x1  }
0x57: {  	(v2sf) =	vpush @!p0 v5, $0x0;
	_ =	sdelay $0x2  }
0x58: {  	s4 =	spop @!p0 (v2sf)  }
0x59: {  	s4 =	sadd.s32 @!p0 s16, s4  }
0x5a: {  	p1 =	slt.s32 @!p0 s4, $0x37F0  }
0x5b: {  	p1 =	por !p1, p0  }
0x5c: {  	s13 =	spop @!p0 (v2sf);
	s4 =	simm.s32 @p1 $0x37F0  }
0x5d: {  	s14 =	sadd.s32 @!p0 $0x0, s10;
	v7 =	vlaneseq.u32 @!p0;
	s15 =	sadd.s32 @!p0 s4, s13  }
0x5e: {  	s24 =	sor.u32 s1, s12;
	v8 =	vor.u32 @!p0 s14, v7;
	p1 =	slt.s32 @!p0 s15, $0x37F0  }
0x5f: {  	[tilespmem:s16+$0x5000] =	vst.msk @!p0 vm4, v8;
	v5 =	vmov s24;
	s13 =	sadd.s32 @!p0 $0x10, s14;
	p1 =	por !p1, p0  }
0x60: {  	[tilespmem:s16+$0x8800] =	vst.msk @!p0 vm4, v5;
	v8 =	vor.u32 @!p0 s13, v7;
	s13 =	spop @!p0 (v2sf);
	s15 =	simm.s32 @p1 $0x37F0  }
0x61: {  	s28 =	sadd.s32 @!p0 $0x20, s14;
	[tilespmem:s4+$0x5000] =	vst.msk @!p0 vm3, v8;
	s3 =	sadd.s32 @!p0 s15, s13  }
0x62: {  	v8 =	vor.u32 @!p0 s28, v7;
	[tilespmem:s4+$0x8800] =	vst.msk @!p0 vm3, v5;
	p1 =	slt.s32 @!p0 s3, $0x37F0  }
0x63: {  	s4 =	sadd.s32 @!p0 $0x30, s14;
	s14 =	simm.s32 $0x200;
	[tilespmem:s15+$0x5000] =	vst.msk @!p0 vm2, v8;
	p1 =	por !p1, p0  }
0x64: {  	s13 =	simm.s32 $0x40;
	v7 =	vor.u32 @!p0 s4, v7;
	s4 =	spop @!p0 (v2sf);
	[tilespmem:s15+$0x8800] =	vst.msk @!p0 vm2, v5;
	s3 =	simm.s32 @p1 $0x37F0  }
0x65: {  	s0 =	sand.u32 $0x3C00, s14;
	s24 =	sand.u32 $0x40, s13;
	[tilespmem:s3+$0x5000] =	vst.msk @!p0 vm1, v7;
	s28 =	sadd.s32 @!p0 s3, s4  }
0x66: {  	s15 =	simm.s32 $0x80;
	s4 =	sor.u32 s24, s0;
	[tilespmem:s3+$0x8800] =	vst.msk @!p0 vm1, v5;
	p2 =	slt.s32 @!p0 s28, $0x37F0  }
.LBB2_6:
0x67: {  	s0 =	smov.u32 s16;
	p2 =	por !p2, p0  }
0x68: {  	s3 =	smov.u32 s15;
	s15 =	sadd.s32 $0x40, s15;
	v7 =	vld.idx.msk [tilespmem:v6+s4+$0x20 ss:$0x1], $0xffff;
	s28 =	simm.s32 @p2 $0x37F0  }
0x69: {  	p1 =	sne.s32 s15, $0x500;
	v8 =	vld.idx.msk [tilespmem:v6+s4+$0x0 ss:$0x1], $0xffff;
	s16 =	smov.u32 s28  }
0x6a: {  	v9 =	vld.idx.msk [tilespmem:v6+s4+$0x10 ss:$0x1], $0xffff;
	s16 =	smov.u32 @p0 s0  }
0x6b: {  	v10 =	vld.idx.msk [tilespmem:v6+s4+$0x30 ss:$0x1], $0xffff;
	_ =	sdelay $0x4  }
0x6c: {  	v11 =	vor.u32 v8, v9  }
0x6d: {  	v11 =	vor.u32 v7, v11  }
0x6e: {  	v11 =	vor.u32 v10, v11  }
0x6f: {  	vm1 =	vne.s32 v11, $0x0  }
0x70: {  	v11 =	vmpcnt.ones.xlane vm1;
	_ =	sdelay $0x1  }
0x71: {  	(v2sf) =	vpush v11, $0x0;
	_ =	sdelay $0xe  }
0x72: {  	s0 =	spop (v2sf)  }
0x73: {  	p0 =	slt.s32 s0, $0x1  }
0x74: {  	vm1 =	vne.s32 @!p0 v8, $0x0;
	s0 =	sadd.s32 @!p0 s13, s10;
	v8 =	vlaneseq.u32 @!p0;
	s13 =	smov.u32 s3  }
0x75: {  	v11 =	vor.u32 @!p0 s0, v8;
	v12 =	vmpcnt.ones.xlane @!p0 vm1;
	s3 =	sadd.s32 @!p0 $0x10, s0;
	s4 =	sadd.s32 @!p0 $0x20, s0;
	s0 =	sadd.s32 @!p0 $0x30, s0  }
0x76: {  	[tilespmem:s16+$0x5000] =	vst.msk @!p0 vm1, v11;
	v11 =	vor.u32 @!p0 s3, v8;
	v13 =	vor.u32 @!p0 s4, v8;
	v8 =	vor.u32 @!p0 s0, v8  }
0x77: {  	vm3 =	vne.s32 @!p0 v9, $0x0;
	[tilespmem:s16+$0x8800] =	vst.msk @!p0 vm1, v5;
	(v2sf) =	vpush @!p0 v12, $0x0  }
0x78: {  	v9 =	vmpcnt.ones.xlane @!p0 vm3;
	_ =	sdelay $0x1  }
0x79: {  	(v2sf) =	vpush @!p0 v9, $0x0  }
0x7a: {  	vm2 =	vne.s32 @!p0 v7, $0x0  }
0x7b: {  	v7 =	vmpcnt.ones.xlane @!p0 vm2;
	_ =	sdelay $0x1  }
0x7c: {  	(v2sf) =	vpush @!p0 v7, $0x0  }
0x7d: {  	vm1 =	vne.s32 @!p0 v10, $0x0  }
0x7e: {  	v7 =	vmpcnt.ones.xlane @!p0 vm1;
	_ =	sdelay $0x1  }
0x7f: {  	(v2sf) =	vpush @!p0 v7, $0x0;
	_ =	sdelay $0x3  }
0x80: {  	s0 =	spop @!p0 (v2sf)  }
0x81: {  	s0 =	sadd.s32 @!p0 s16, s0  }
0x82: {  	p2 =	slt.s32 @!p0 s0, $0x37F0  }
0x83: {  	p2 =	por !p2, p0;
	s3 =	spop @!p0 (v2sf)  }
0x84: {  	s0 =	simm.s32 @p2 $0x37F0  }
0x85: {  	[tilespmem:s0+$0x5000] =	vst.msk @!p0 vm3, v11;
	s3 =	sadd.s32 @!p0 s0, s3  }
0x86: {  	[tilespmem:s0+$0x8800] =	vst.msk @!p0 vm3, v5;
	p2 =	slt.s32 @!p0 s3, $0x37F0  }
0x87: {  	p2 =	por !p2, p0;
	s0 =	spop @!p0 (v2sf)  }
0x88: {  	s3 =	simm.s32 @p2 $0x37F0  }
0x89: {  	[tilespmem:s3+$0x5000] =	vst.msk @!p0 vm2, v13;
	s0 =	sadd.s32 @!p0 s3, s0  }
.Ltmp1:
0x8a: {  	[tilespmem:s3+$0x8800] =	vst.msk @!p0 vm2, v5;
	p2 =	slt.s32 @!p0 s0, $0x37F0;
	(pc) =	sbr.rel @p1 .LBB2_6-.Ltmp1, $4  }
0x8b: {  	p2 =	por !p2, p0;
	s3 =	spop @!p0 (v2sf)  }
0x8c: {  	s14 =	sadd.s32 $0x200, s14;
	s0 =	simm.s32 @p2 $0x37F0  }
0x8d: {  	s24 =	sand.u32 $0x3C00, s14;
	s4 =	sand.u32 $0x40, s13;
	[tilespmem:s0+$0x5000] =	vst.msk @!p0 vm1, v8;
	s28 =	sadd.s32 @!p0 s0, s3  }
0x8e: {  	s4 =	sor.u32 s4, s24;
	[tilespmem:s0+$0x8800] =	vst.msk @!p0 vm1, v5;
	p2 =	slt.s32 @!p0 s28, $0x37F0  }
0x8f: {  	_ =	sdelay $0x3  }
0x90: {  	v7 =	vld.idx.msk [tilespmem:v6+s4+$0x0 ss:$0x1], $0xffff  }
0x91: {  	v8 =	vld.idx.msk [tilespmem:v6+s4+$0x10 ss:$0x1], $0xffff  }
0x92: {  	v9 =	vld.idx.msk [tilespmem:v6+s4+$0x20 ss:$0x1], $0xffff  }
0x93: {  	v6 =	vld.idx.msk [tilespmem:v6+s4+$0x30 ss:$0x1], $0xffff;
	_ =	sdelay $0x2  }
0x94: {  	v10 =	vor.u32 v7, v8  }
0x95: {  	v10 =	vor.u32 v9, v10  }
0x96: {  	v10 =	vor.u32 v6, v10  }
0x97: {  	vm1 =	vne.s32 v10, $0x0  }
0x98: {  	v10 =	vmpcnt.ones.xlane vm1;
	_ =	sdelay $0x1  }
0x99: {  	(v2sf) =	vpush v10, $0x0;
	_ =	sdelay $0xe  }
0x9a: {  	s0 =	spop (v2sf)  }
0x9b: {  	p1 =	slt.s32 s0, $0x1  }
0x9c: {  	vm4 =	vne.s32 @!p1 v7, $0x0  }
0x9d: {  	v7 =	vmpcnt.ones.xlane @!p1 vm4;
	_ =	sdelay $0x1  }
0x9e: {  	(v2sf) =	vpush @!p1 v7, $0x0  }
0x9f: {  	vm3 =	vne.s32 @!p1 v8, $0x0  }
0xa0: {  	v7 =	vmpcnt.ones.xlane @!p1 vm3;
	_ =	sdelay $0x1  }
0xa1: {  	(v2sf) =	vpush @!p1 v7, $0x0  }
0xa2: {  	vm2 =	vne.s32 @!p1 v9, $0x0  }
0xa3: {  	v7 =	vmpcnt.ones.xlane @!p1 vm2;
	_ =	sdelay $0x1  }
0xa4: {  	(v2sf) =	vpush @!p1 v7, $0x0  }
0xa5: {  	vm1 =	vne.s32 @!p1 v6, $0x0  }
0xa6: {  	v6 =	vmpcnt.ones.xlane @!p1 vm1;
	_ =	sdelay $0x1  }
0xa7: {  	(v2sf) =	vpush @!p1 v6, $0x0  }
0xa8: {  	p2 =	por !p2, p0  }
0xa9: {  	s28 =	simm.s32 @p2 $0x37F0  }
0xaa: {  	s28 =	smov.u32 @p0 s16;
	s0 =	spop @!p1 (v2sf)  }
0xab: {  	s0 =	sadd.s32 @!p1 s28, s0  }
0xac: {  	p0 =	slt.s32 @!p1 s0, $0x37F0  }
0xad: {  	p0 =	por !p0, p1  }
0xae: {  	s3 =	spop @!p1 (v2sf);
	s0 =	simm.s32 @p0 $0x37F0  }
0xaf: {  	s3 =	sadd.s32 @!p1 s0, s3  }
0xb0: {  	p0 =	slt.s32 @!p1 s3, $0x37F0  }
0xb1: {  	p0 =	por !p0, p1  }
0xb2: {  	s4 =	sadd.s32 @!p1 s13, s10;
	s13 =	spop @!p1 (v2sf);
	s3 =	simm.s32 @p0 $0x37F0  }
0xb3: {  	s13 =	sadd.s32 @!p1 s3, s13  }
0xb4: {  	p0 =	slt.s32 @!p1 s13, $0x37F0  }
0xb5: {  	p0 =	por !p0, p1  }
0xb6: {  	v6 =	vlaneseq.u32 @!p1;
	s15 =	spop @!p1 (v2sf);
	s13 =	simm.s32 @p0 $0x37F0  }
0xb7: {  	v7 =	vor.u32 @!p1 s4, v6;
	s16 =	sadd.s32 @!p1 s13, s15  }
0xb8: {  	s14 =	sadd.s32 @!p1 $0x10, s4;
	[tilespmem:s28+$0x5000] =	vst.msk @!p1 vm4, v7;
	p0 =	slt.s32 @!p1 s16, $0x37F0  }
0xb9: {  	s12 =	sadd.s32 $0x1, s12;
	v7 =	vor.u32 @!p1 s14, v6;
	[tilespmem:s28+$0x8800] =	vst.msk @!p1 vm4, v5;
	p0 =	por !p0, p1  }
0xba: {  	s14 =	sadd.s32 @!p1 $0x20, s4;
	[tilespmem:s0+$0x5000] =	vst.msk @!p1 vm3, v7;
	s16 =	simm.s32 @p0 $0x37F0;
	p0 =	sne.s32 s12, $0x8  }
.Ltmp2:
0xbb: {  	v7 =	vor.u32 @!p1 s14, v6;
	[tilespmem:s0+$0x8800] =	vst.msk @!p1 vm3, v5;
	(pc) =	sbr.rel @p0 .LBB2_5-.Ltmp2, $4  }
0xbc: {  	s0 =	sadd.s32 @!p1 $0x30, s4;
	[tilespmem:s3+$0x5000] =	vst.msk @!p1 vm2, v7  }
0xbd: {  	v6 =	vor.u32 @!p1 s0, v6;
	[tilespmem:s3+$0x8800] =	vst.msk @!p1 vm2, v5  }
0xbe: {  	[tilespmem:s13+$0x5000] =	vst.msk @!p1 vm1, v6  }
0xbf: {  	[tilespmem:s13+$0x8800] =	vst.msk @!p1 vm1, v5;
	s16 =	smov.u32 @p1 s28  }
0xc0: {  	s0 =	sadd.s32 $0x2, s11  }
0xc1: {  	s4 =	rddreg [dreg:$0x4];
	s3 =	sshrl.u32 s0, $0x3;
	s0 =	sand.u32 $0x6, s0  }
0xc2: {  	s3 =	sadd.s32 s4, s3;
	s0 =	smul.u32 $0x2800, s0  }
0xc3: {  	s3 =	smul.u32 $0x14000, s3;
	_ =	sdelay $0x1  }
0xc4: {  	s0 =	sadd.s32 s0, s3  }
0xc5: {  	s0 =	sshrl.u32 s0, $0x3  }
0xc6: {  	s11 =	simm.s32 $0x0;
	s0 =	sadd.s32 s6, s0  }
0xc7: {  	[tilespmem:s11], [sflag:$0x5] =	stream.linear.gather [hbm4b:s0+s11], $0x2800, $0x38;
	[tilespmem:$0x18000] =	vst v63  }
0xc8: {  	_ =	swait.ge [sflag:s17], $0x2800  }
0xc9: {  	[sflag:s17] =	ssyncset.done $0x0  }
0xca: {  	s12 =	simm.s32 $0x0;
	[sflag:s17] =	ssyncadd.s32 $0xFFFFD800  }
.LBB2_9:
0xcb: {  	s0 =	sshll.u32 s12, $0x7  }
0xcc: {  	v6 =	vmov s0;
	_ =	sdelay $0x2  }
0xcd: {  	s14 =	sand.u32 $0x40, s11;
	s3 =	sand.u32 $0x3C00, s11  }
0xce: {  	s0 =	sor.u32 s14, s3  }
0xcf: {  	v5 =	vld.idx.msk [tilespmem:v6+s0+$0x2800 ss:$0x1], $0xffff  }
0xd0: {  	v7 =	vld.idx.msk [tilespmem:v6+s0+$0x2810 ss:$0x1], $0xffff  }
0xd1: {  	v8 =	vld.idx.msk [tilespmem:v6+s0+$0x2820 ss:$0x1], $0xffff  }
0xd2: {  	v9 =	vld.idx.msk [tilespmem:v6+s0+$0x2830 ss:$0x1], $0xffff;
	_ =	sdelay $0x2  }
0xd3: {  	v10 =	vor.u32 v5, v7  }
0xd4: {  	v10 =	vor.u32 v8, v10  }
0xd5: {  	v10 =	vor.u32 v9, v10  }
0xd6: {  	vm1 =	vne.s32 v10, $0x0  }
0xd7: {  	v10 =	vmpcnt.ones.xlane vm1;
	_ =	sdelay $0x1  }
0xd8: {  	(v2sf) =	vpush v10, $0x0;
	_ =	sdelay $0xe  }
0xd9: {  	s15 =	spop (v2sf)  }
0xda: {  	p0 =	slt.s32 s15, $0x1  }
0xdb: {  	vm4 =	vne.s32 @!p0 v5, $0x0  }
0xdc: {  	v5 =	vmpcnt.ones.xlane @!p0 vm4;
	_ =	sdelay $0x1  }
0xdd: {  	(v2sf) =	vpush @!p0 v5, $0x0  }
0xde: {  	vm3 =	vne.s32 @!p0 v7, $0x0  }
0xdf: {  	v5 =	vmpcnt.ones.xlane @!p0 vm3;
	_ =	sdelay $0x1  }
0xe0: {  	(v2sf) =	vpush @!p0 v5, $0x0  }
0xe1: {  	vm2 =	vne.s32 @!p0 v8, $0x0  }
0xe2: {  	v5 =	vmpcnt.ones.xlane @!p0 vm2;
	_ =	sdelay $0x1  }
0xe3: {  	(v2sf) =	vpush @!p0 v5, $0x0  }
0xe4: {  	vm1 =	vne.s32 @!p0 v9, $0x0  }
0xe5: {  	v5 =	vmpcnt.ones.xlane @!p0 vm1;
	_ =	sdelay $0x1  }
0xe6: {  	(v2sf) =	vpush @!p0 v5, $0x0;
	_ =	sdelay $0x2  }
0xe7: {  	s0 =	spop @!p0 (v2sf)  }
0xe8: {  	s0 =	sadd.s32 @!p0 s16, s0  }
0xe9: {  	p1 =	slt.s32 @!p0 s0, $0x37F0  }
0xea: {  	p1 =	por !p1, p0  }
0xeb: {  	s3 =	sadd.s32 @!p0 $0x0, s10;
	s4 =	spop @!p0 (v2sf);
	s0 =	simm.s32 @p1 $0x37F0  }
0xec: {  	v7 =	vlaneseq.u32 @!p0;
	s13 =	sadd.s32 @!p0 $0x500, s3;
	s4 =	sadd.s32 @!p0 s0, s4  }
0xed: {  	s14 =	sor.u32 s1, s12;
	v8 =	vor.u32 @!p0 s13, v7;
	p1 =	slt.s32 @!p0 s4, $0x37F0  }
0xee: {  	s13 =	sadd.s32 @!p0 $0x510, s3;
	[tilespmem:s16+$0x5000] =	vst.msk @!p0 vm4, v8;
	v5 =	vmov s14;
	p1 =	por !p1, p0  }
0xef: {  	v8 =	vor.u32 @!p0 s13, v7;
	[tilespmem:s16+$0x8800] =	vst.msk @!p0 vm4, v5;
	s13 =	spop @!p0 (v2sf);
	s4 =	simm.s32 @p1 $0x37F0  }
0xf0: {  	s14 =	sadd.s32 @!p0 $0x520, s3;
	[tilespmem:s0+$0x5000] =	vst.msk @!p0 vm3, v8;
	s24 =	sadd.s32 @!p0 s4, s13  }
0xf1: {  	v8 =	vor.u32 @!p0 s14, v7;
	[tilespmem:s0+$0x8800] =	vst.msk @!p0 vm3, v5;
	p1 =	slt.s32 @!p0 s24, $0x37F0  }
0xf2: {  	s14 =	simm.s32 $0x200;
	s0 =	sadd.s32 @!p0 $0x530, s3;
	[tilespmem:s4+$0x5000] =	vst.msk @!p0 vm2, v8;
	p1 =	por !p1, p0  }
0xf3: {  	v7 =	vor.u32 @!p0 s0, v7;
	s0 =	spop @!p0 (v2sf);
	s13 =	simm.s32 $0x40;
	[tilespmem:s4+$0x8800] =	vst.msk @!p0 vm2, v5;
	s24 =	simm.s32 @p1 $0x37F0  }
0xf4: {  	s19 =	sand.u32 $0x3C00, s14;
	s18 =	sand.u32 $0x40, s13;
	[tilespmem:s24+$0x5000] =	vst.msk @!p0 vm1, v7;
	s28 =	sadd.s32 @!p0 s24, s0  }
0xf5: {  	s15 =	simm.s32 $0x80;
	s4 =	sor.u32 s18, s19;
	[tilespmem:s24+$0x8800] =	vst.msk @!p0 vm1, v5;
	p2 =	slt.s32 @!p0 s28, $0x37F0  }
.LBB2_10:
0xf6: {  	s0 =	smov.u32 s16;
	p2 =	por !p2, p0  }
0xf7: {  	s3 =	smov.u32 s15;
	s15 =	sadd.s32 $0x40, s15;
	v7 =	vld.idx.msk [tilespmem:v6+s4+$0x2820 ss:$0x1], $0xffff;
	s28 =	simm.s32 @p2 $0x37F0  }
0xf8: {  	p1 =	sne.s32 s15, $0x500;
	v8 =	vld.idx.msk [tilespmem:v6+s4+$0x2800 ss:$0x1], $0xffff;
	s16 =	smov.u32 s28  }
0xf9: {  	v9 =	vld.idx.msk [tilespmem:v6+s4+$0x2810 ss:$0x1], $0xffff;
	s16 =	smov.u32 @p0 s0  }
0xfa: {  	v10 =	vld.idx.msk [tilespmem:v6+s4+$0x2830 ss:$0x1], $0xffff;
	_ =	sdelay $0x4  }
0xfb: {  	v11 =	vor.u32 v8, v9  }
0xfc: {  	v11 =	vor.u32 v7, v11  }
0xfd: {  	v11 =	vor.u32 v10, v11  }
0xfe: {  	vm1 =	vne.s32 v11, $0x0  }
0xff: {  	v11 =	vmpcnt.ones.xlane vm1;
	_ =	sdelay $0x1  }
0x100: {  	(v2sf) =	vpush v11, $0x0;
	_ =	sdelay $0xe  }
0x101: {  	s0 =	spop (v2sf)  }
0x102: {  	p0 =	slt.s32 s0, $0x1  }
0x103: {  	vm2 =	vne.s32 @!p0 v8, $0x0;
	s0 =	sadd.s32 @!p0 s13, s10;
	vm1 =	vne.s32 @!p0 v9, $0x0;
	s13 =	smov.u32 s3  }
0x104: {  	v8 =	vlaneseq.u32 @!p0;
	s3 =	sadd.s32 @!p0 $0x500, s0;
	v9 =	vmpcnt.ones.xlane @!p0 vm2;
	s4 =	sadd.s32 @!p0 $0x510, s0;
	v11 =	vmpcnt.ones.xlane @!p0 vm1;
	s24 =	sadd.s32 @!p0 $0x520, s0  }
0x105: {  	s0 =	sadd.s32 @!p0 $0x530, s0;
	v12 =	vor.u32 @!p0 s3, v8;
	v13 =	vor.u32 @!p0 s4, v8;
	v14 =	vor.u32 @!p0 s24, v8  }
0x106: {  	v8 =	vor.u32 @!p0 s0, v8;
	[tilespmem:s16+$0x5000] =	vst.msk @!p0 vm2, v12;
	(v2sf) =	vpush @!p0 v9, $0x0  }
0x107: {  	[tilespmem:s16+$0x8800] =	vst.msk @!p0 vm2, v5;
	(v2sf) =	vpush @!p0 v11, $0x0;
	_ =	sdelay $0x2  }
0x108: {  	vm3 =	vne.s32 @!p0 v7, $0x0  }
0x109: {  	v7 =	vmpcnt.ones.xlane @!p0 vm3;
	_ =	sdelay $0x1  }
0x10a: {  	(v2sf) =	vpush @!p0 v7, $0x0  }
0x10b: {  	vm2 =	vne.s32 @!p0 v10, $0x0  }
0x10c: {  	v7 =	vmpcnt.ones.xlane @!p0 vm2;
	_ =	sdelay $0x1  }
0x10d: {  	(v2sf) =	vpush @!p0 v7, $0x0;
	_ =	sdelay $0x3  }
0x10e: {  	s0 =	spop @!p0 (v2sf)  }
0x10f: {  	s0 =	sadd.s32 @!p0 s16, s0;
	s3 =	spop @!p0 (v2sf)  }
0x110: {  	p2 =	slt.s32 @!p0 s0, $0x37F0  }
0x111: {  	p2 =	por !p2, p0  }
0x112: {  	s0 =	simm.s32 @p2 $0x37F0  }
0x113: {  	[tilespmem:s0+$0x5000] =	vst.msk @!p0 vm1, v13;
	s3 =	sadd.s32 @!p0 s0, s3  }
0x114: {  	[tilespmem:s0+$0x8800] =	vst.msk @!p0 vm1, v5;
	p2 =	slt.s32 @!p0 s3, $0x37F0  }
0x115: {  	p2 =	por !p2, p0;
	s0 =	spop @!p0 (v2sf)  }
0x116: {  	s3 =	simm.s32 @p2 $0x37F0  }
0x117: {  	[tilespmem:s3+$0x5000] =	vst.msk @!p0 vm3, v14;
	s0 =	sadd.s32 @!p0 s3, s0  }
.Ltmp3:
0x118: {  	[tilespmem:s3+$0x8800] =	vst.msk @!p0 vm3, v5;
	p2 =	slt.s32 @!p0 s0, $0x37F0;
	(pc) =	sbr.rel @p1 .LBB2_10-.Ltmp3, $4  }
0x119: {  	p2 =	por !p2, p0;
	s3 =	spop @!p0 (v2sf)  }
0x11a: {  	s14 =	sadd.s32 $0x200, s14;
	s0 =	simm.s32 @p2 $0x37F0  }
0x11b: {  	s4 =	sand.u32 $0x40, s13;
	s24 =	sand.u32 $0x3C00, s14;
	[tilespmem:s0+$0x5000] =	vst.msk @!p0 vm2, v8;
	s28 =	sadd.s32 @!p0 s0, s3  }
0x11c: {  	s4 =	sor.u32 s4, s24;
	[tilespmem:s0+$0x8800] =	vst.msk @!p0 vm2, v5;
	p2 =	slt.s32 @!p0 s28, $0x37F0  }
0x11d: {  	_ =	sdelay $0x3  }
0x11e: {  	v7 =	vld.idx.msk [tilespmem:v6+s4+$0x2800 ss:$0x1], $0xffff  }
0x11f: {  	v8 =	vld.idx.msk [tilespmem:v6+s4+$0x2810 ss:$0x1], $0xffff  }
0x120: {  	v9 =	vld.idx.msk [tilespmem:v6+s4+$0x2820 ss:$0x1], $0xffff  }
0x121: {  	v6 =	vld.idx.msk [tilespmem:v6+s4+$0x2830 ss:$0x1], $0xffff;
	_ =	sdelay $0x2  }
0x122: {  	v10 =	vor.u32 v7, v8  }
0x123: {  	v10 =	vor.u32 v9, v10  }
0x124: {  	v10 =	vor.u32 v6, v10  }
0x125: {  	vm1 =	vne.s32 v10, $0x0  }
0x126: {  	v10 =	vmpcnt.ones.xlane vm1;
	_ =	sdelay $0x1  }
0x127: {  	(v2sf) =	vpush v10, $0x0;
	_ =	sdelay $0xe  }
0x128: {  	s0 =	spop (v2sf)  }
0x129: {  	p1 =	slt.s32 s0, $0x1  }
0x12a: {  	vm4 =	vne.s32 @!p1 v7, $0x0  }
0x12b: {  	v7 =	vmpcnt.ones.xlane @!p1 vm4;
	_ =	sdelay $0x1  }
0x12c: {  	(v2sf) =	vpush @!p1 v7, $0x0  }
0x12d: {  	vm3 =	vne.s32 @!p1 v8, $0x0  }
0x12e: {  	v7 =	vmpcnt.ones.xlane @!p1 vm3;
	_ =	sdelay $0x1  }
0x12f: {  	(v2sf) =	vpush @!p1 v7, $0x0  }
0x130: {  	vm2 =	vne.s32 @!p1 v9, $0x0  }
0x131: {  	v7 =	vmpcnt.ones.xlane @!p1 vm2;
	_ =	sdelay $0x1  }
0x132: {  	(v2sf) =	vpush @!p1 v7, $0x0  }
0x133: {  	vm1 =	vne.s32 @!p1 v6, $0x0  }
0x134: {  	v6 =	vmpcnt.ones.xlane @!p1 vm1;
	_ =	sdelay $0x1  }
0x135: {  	(v2sf) =	vpush @!p1 v6, $0x0  }
0x136: {  	p2 =	por !p2, p0  }
0x137: {  	s28 =	simm.s32 @p2 $0x37F0  }
0x138: {  	s28 =	smov.u32 @p0 s16;
	s0 =	spop @!p1 (v2sf)  }
0x139: {  	s0 =	sadd.s32 @!p1 s28, s0  }
0x13a: {  	p0 =	slt.s32 @!p1 s0, $0x37F0  }
0x13b: {  	p0 =	por !p0, p1  }
0x13c: {  	s3 =	spop @!p1 (v2sf);
	s0 =	simm.s32 @p0 $0x37F0  }
0x13d: {  	s3 =	sadd.s32 @!p1 s0, s3  }
0x13e: {  	p0 =	slt.s32 @!p1 s3, $0x37F0  }
0x13f: {  	s4 =	sadd.s32 @!p1 s13, s10;
	p0 =	por !p0, p1  }
0x140: {  	s13 =	sadd.s32 @!p1 $0x500, s4;
	v6 =	vlaneseq.u32 @!p1;
	s14 =	spop @!p1 (v2sf);
	s3 =	simm.s32 @p0 $0x37F0  }
0x141: {  	v7 =	vor.u32 @!p1 s13, v6;
	s13 =	sadd.s32 @!p1 s3, s14  }
0x142: {  	p0 =	slt.s32 @!p1 s13, $0x37F0  }
0x143: {  	p0 =	por !p0, p1  }
0x144: {  	s15 =	spop @!p1 (v2sf);
	s13 =	simm.s32 @p0 $0x37F0  }
0x145: {  	s16 =	sadd.s32 @!p1 s13, s15  }
0x146: {  	[tilespmem:s28+$0x5000] =	vst.msk @!p1 vm4, v7;
	s14 =	sadd.s32 @!p1 $0x510, s4;
	p0 =	slt.s32 @!p1 s16, $0x37F0  }
0x147: {  	s12 =	sadd.s32 $0x1, s12;
	[tilespmem:s28+$0x8800] =	vst.msk @!p1 vm4, v5;
	v7 =	vor.u32 @!p1 s14, v6;
	p0 =	por !p0, p1  }
0x148: {  	s14 =	sadd.s32 @!p1 $0x520, s4;
	[tilespmem:s0+$0x5000] =	vst.msk @!p1 vm3, v7;
	s16 =	simm.s32 @p0 $0x37F0;
	p0 =	sne.s32 s12, $0x8  }
.Ltmp4:
0x149: {  	v7 =	vor.u32 @!p1 s14, v6;
	[tilespmem:s0+$0x8800] =	vst.msk @!p1 vm3, v5;
	(pc) =	sbr.rel @p0 .LBB2_9-.Ltmp4, $4  }
0x14a: {  	s0 =	sadd.s32 @!p1 $0x530, s4;
	[tilespmem:s3+$0x5000] =	vst.msk @!p1 vm2, v7  }
0x14b: {  	v6 =	vor.u32 @!p1 s0, v6;
	[tilespmem:s3+$0x8800] =	vst.msk @!p1 vm2, v5  }
0x14c: {  	[tilespmem:s13+$0x5000] =	vst.msk @!p1 vm1, v6  }
0x14d: {  	[tilespmem:s13+$0x8800] =	vst.msk @!p1 vm1, v5;
	s16 =	smov.u32 @p1 s28  }
0x14e: {  	s31 =	sadd.s32 $0x1, s31  }
0x14f: {  	p0 =	sne.s32 s31, $0x9F  }
.Ltmp5:
0x150: {  	_ = 	snop;
	(pc) =	sbr.rel @p0 .LBB2_4-.Ltmp5, $2  }
0x151: {  	_ =	sdelay $0x2  }
0x152: {  	s30 =	sadd.s32 $0x1, s30  }
0x153: {  	s1 =	simm.s32 $0x0;
	s0 =	rddreg [dreg:$0x6];
	s3 =	simm.s32 $0x2800  }
0x154: {  	[tilespmem:s3], [sflag:$0x6] =	stream.linear.gather [hbm4b:s0+s1], $0x2800, $0x38;
	[tilespmem:$0x18000] =	vst v63  }
0x155: {  	_ =	swait.ge [sflag:s9], $0x2800  }
0x156: {  	s10 =	simm.s32 $0x0;
	s18 =	simm.s32 $0xF800;
	[sflag:s9] =	ssyncset.done $0x0  }
0x157: {  	s19 =	simm.s32 $0x40;
	[sflag:s9] =	ssyncadd.s32 $0xFFFFD800;
	s9 =	simm.s32 $0xF000  }
.LBB2_14:
0x158: {  	s0 =	sshll.u32 s10, $0x7  }
0x159: {  	v6 =	vmov s0;
	_ =	sdelay $0x2  }
0x15a: {  	s28 =	sand.u32 $0x40, s1;
	s3 =	sand.u32 $0x3C00, s1  }
0x15b: {  	s0 =	sor.u32 s28, s3  }
0x15c: {  	v5 =	vld.idx.msk [tilespmem:v6+s0+$0x0 ss:$0x1], $0xffff  }
0x15d: {  	v7 =	vld.idx.msk [tilespmem:v6+s0+$0x10 ss:$0x1], $0xffff  }
0x15e: {  	v8 =	vld.idx.msk [tilespmem:v6+s0+$0x20 ss:$0x1], $0xffff  }
0x15f: {  	v9 =	vld.idx.msk [tilespmem:v6+s0+$0x30 ss:$0x1], $0xffff;
	_ =	sdelay $0x2  }
0x160: {  	v10 =	vor.u32 v5, v7  }
0x161: {  	v10 =	vor.u32 v8, v10  }
0x162: {  	v10 =	vor.u32 v9, v10  }
0x163: {  	vm1 =	vne.s32 v10, $0x0  }
0x164: {  	v10 =	vmpcnt.ones.xlane vm1;
	_ =	sdelay $0x1  }
0x165: {  	(v2sf) =	vpush v10, $0x0;
	_ =	sdelay $0xe  }
0x166: {  	s29 =	spop (v2sf)  }
0x167: {  	p0 =	slt.s32 s29, $0x1  }
0x168: {  	vm4 =	vne.s32 @!p0 v5, $0x0  }
0x169: {  	v5 =	vmpcnt.ones.xlane @!p0 vm4;
	_ =	sdelay $0x1  }
0x16a: {  	(v2sf) =	vpush @!p0 v5, $0x0  }
0x16b: {  	vm3 =	vne.s32 @!p0 v7, $0x0  }
0x16c: {  	v5 =	vmpcnt.ones.xlane @!p0 vm3;
	_ =	sdelay $0x1  }
0x16d: {  	(v2sf) =	vpush @!p0 v5, $0x0  }
0x16e: {  	vm2 =	vne.s32 @!p0 v8, $0x0  }
0x16f: {  	v5 =	vmpcnt.ones.xlane @!p0 vm2;
	_ =	sdelay $0x1  }
0x170: {  	(v2sf) =	vpush @!p0 v5, $0x0  }
0x171: {  	vm1 =	vne.s32 @!p0 v9, $0x0  }
0x172: {  	v5 =	vmpcnt.ones.xlane @!p0 vm1;
	_ =	sdelay $0x1  }
0x173: {  	(v2sf) =	vpush @!p0 v5, $0x0;
	_ =	sdelay $0x2  }
0x174: {  	s0 =	spop @!p0 (v2sf)  }
0x175: {  	s0 =	sadd.s32 @!p0 s16, s0  }
0x176: {  	p1 =	slt.s32 @!p0 s0, $0x37F0  }
0x177: {  	p1 =	por !p1, p0  }
0x178: {  	s3 =	spop @!p0 (v2sf);
	s0 =	simm.s32 @p1 $0x37F0  }
0x179: {  	s4 =	simm.s32 @!p0 $0x1E00;
	v7 =	vlaneseq.u32 @!p0;
	s3 =	sadd.s32 @!p0 s0, s3  }
0x17a: {  	s11 =	sor.u32 s5, s10;
	v8 =	vor.u32 @!p0 s4, v7;
	p1 =	slt.s32 @!p0 s3, $0x37F0  }
0x17b: {  	s4 =	simm.s32 @!p0 $0x1E10;
	[tilespmem:s16+$0x5000] =	vst.msk @!p0 vm4, v8;
	v5 =	vmov s11;
	p1 =	por !p1, p0  }
0x17c: {  	v8 =	vor.u32 @!p0 s4, v7;
	[tilespmem:s16+$0x8800] =	vst.msk @!p0 vm4, v5;
	s4 =	spop @!p0 (v2sf);
	s3 =	simm.s32 @p1 $0x37F0  }
0x17d: {  	s11 =	simm.s32 @!p0 $0x1E20;
	[tilespmem:s0+$0x5000] =	vst.msk @!p0 vm3, v8;
	s15 =	sadd.s32 @!p0 s3, s4  }
0x17e: {  	v8 =	vor.u32 @!p0 s11, v7;
	[tilespmem:s0+$0x8800] =	vst.msk @!p0 vm3, v5;
	p1 =	slt.s32 @!p0 s15, $0x37F0  }
0x17f: {  	s12 =	simm.s32 $0x200;
	s0 =	simm.s32 @!p0 $0x1E30;
	[tilespmem:s3+$0x5000] =	vst.msk @!p0 vm2, v8;
	p1 =	por !p1, p0  }
0x180: {  	s11 =	simm.s32 $0x40;
	v7 =	vor.u32 @!p0 s0, v7;
	s0 =	spop @!p0 (v2sf);
	[tilespmem:s3+$0x8800] =	vst.msk @!p0 vm2, v5;
	s15 =	simm.s32 @p1 $0x37F0  }
0x181: {  	s31 =	sand.u32 $0x3C00, s12;
	s30 =	sand.u32 $0x40, s11;
	[tilespmem:s15+$0x5000] =	vst.msk @!p0 vm1, v7;
	s14 =	sadd.s32 @!p0 s15, s0  }
0x182: {  	s13 =	simm.s32 $0x80;
	s4 =	sor.u32 s30, s31;
	[tilespmem:s15+$0x8800] =	vst.msk @!p0 vm1, v5;
	p2 =	slt.s32 @!p0 s14, $0x37F0  }
.LBB2_15:
0x183: {  	s0 =	smov.u32 s16;
	p2 =	por !p2, p0  }
0x184: {  	s3 =	smov.u32 s13;
	s13 =	sadd.s32 $0x40, s13;
	v7 =	vld.idx.msk [tilespmem:v6+s4+$0x20 ss:$0x1], $0xffff;
	s14 =	simm.s32 @p2 $0x37F0  }
0x185: {  	p1 =	sne.s32 s13, $0x500;
	v8 =	vld.idx.msk [tilespmem:v6+s4+$0x0 ss:$0x1], $0xffff;
	s16 =	smov.u32 s14  }
0x186: {  	v9 =	vld.idx.msk [tilespmem:v6+s4+$0x10 ss:$0x1], $0xffff;
	s16 =	smov.u32 @p0 s0  }
0x187: {  	v10 =	vld.idx.msk [tilespmem:v6+s4+$0x30 ss:$0x1], $0xffff;
	_ =	sdelay $0x4  }
0x188: {  	v11 =	vor.u32 v8, v9  }
0x189: {  	v11 =	vor.u32 v7, v11  }
0x18a: {  	v11 =	vor.u32 v10, v11  }
0x18b: {  	vm1 =	vne.s32 v11, $0x0  }
0x18c: {  	v11 =	vmpcnt.ones.xlane vm1;
	_ =	sdelay $0x1  }
0x18d: {  	(v2sf) =	vpush v11, $0x0;
	_ =	sdelay $0xe  }
0x18e: {  	s0 =	spop (v2sf)  }
0x18f: {  	p0 =	slt.s32 s0, $0x1  }
0x190: {  	vm1 =	vne.s32 @!p0 v8, $0x0;
	s0 =	sadd.s32 @!p0 $0x1E00, s11;
	v8 =	vlaneseq.u32 @!p0;
	s4 =	sadd.s32 @!p0 $0x1E10, s11;
	s14 =	sadd.s32 @!p0 $0x1E20, s11  }
0x191: {  	v11 =	vor.u32 @!p0 s0, v8;
	v12 =	vmpcnt.ones.xlane @!p0 vm1;
	v13 =	vor.u32 @!p0 s4, v8;
	s0 =	sadd.s32 @!p0 $0x1E30, s11;
	s11 =	smov.u32 s3  }
0x192: {  	[tilespmem:s16+$0x5000] =	vst.msk @!p0 vm1, v11;
	v11 =	vor.u32 @!p0 s14, v8;
	v8 =	vor.u32 @!p0 s0, v8  }
0x193: {  	vm3 =	vne.s32 @!p0 v9, $0x0;
	[tilespmem:s16+$0x8800] =	vst.msk @!p0 vm1, v5;
	(v2sf) =	vpush @!p0 v12, $0x0  }
0x194: {  	v9 =	vmpcnt.ones.xlane @!p0 vm3;
	_ =	sdelay $0x1  }
0x195: {  	(v2sf) =	vpush @!p0 v9, $0x0  }
0x196: {  	vm2 =	vne.s32 @!p0 v7, $0x0  }
0x197: {  	v7 =	vmpcnt.ones.xlane @!p0 vm2;
	_ =	sdelay $0x1  }
0x198: {  	(v2sf) =	vpush @!p0 v7, $0x0  }
0x199: {  	vm1 =	vne.s32 @!p0 v10, $0x0  }
0x19a: {  	v7 =	vmpcnt.ones.xlane @!p0 vm1;
	_ =	sdelay $0x1  }
0x19b: {  	(v2sf) =	vpush @!p0 v7, $0x0;
	_ =	sdelay $0x3  }
0x19c: {  	s0 =	spop @!p0 (v2sf)  }
0x19d: {  	s0 =	sadd.s32 @!p0 s16, s0  }
0x19e: {  	p2 =	slt.s32 @!p0 s0, $0x37F0  }
0x19f: {  	p2 =	por !p2, p0;
	s3 =	spop @!p0 (v2sf)  }
0x1a0: {  	s0 =	simm.s32 @p2 $0x37F0  }
0x1a1: {  	[tilespmem:s0+$0x5000] =	vst.msk @!p0 vm3, v13;
	s3 =	sadd.s32 @!p0 s0, s3  }
0x1a2: {  	[tilespmem:s0+$0x8800] =	vst.msk @!p0 vm3, v5;
	p2 =	slt.s32 @!p0 s3, $0x37F0  }
0x1a3: {  	p2 =	por !p2, p0;
	s0 =	spop @!p0 (v2sf)  }
0x1a4: {  	s3 =	simm.s32 @p2 $0x37F0  }
0x1a5: {  	[tilespmem:s3+$0x5000] =	vst.msk @!p0 vm2, v11;
	s0 =	sadd.s32 @!p0 s3, s0  }
.Ltmp6:
0x1a6: {  	[tilespmem:s3+$0x8800] =	vst.msk @!p0 vm2, v5;
	p2 =	slt.s32 @!p0 s0, $0x37F0;
	(pc) =	sbr.rel @p1 .LBB2_15-.Ltmp6, $4  }
0x1a7: {  	p2 =	por !p2, p0;
	s3 =	spop @!p0 (v2sf)  }
0x1a8: {  	s12 =	sadd.s32 $0x200, s12;
	s0 =	simm.s32 @p2 $0x37F0  }
0x1a9: {  	s15 =	sand.u32 $0x3C00, s12;
	s4 =	sand.u32 $0x40, s11;
	[tilespmem:s0+$0x5000] =	vst.msk @!p0 vm1, v8;
	s14 =	sadd.s32 @!p0 s0, s3  }
0x1aa: {  	s4 =	sor.u32 s4, s15;
	[tilespmem:s0+$0x8800] =	vst.msk @!p0 vm1, v5;
	p2 =	slt.s32 @!p0 s14, $0x37F0  }
0x1ab: {  	_ =	sdelay $0x3  }
0x1ac: {  	v7 =	vld.idx.msk [tilespmem:v6+s4+$0x0 ss:$0x1], $0xffff  }
0x1ad: {  	v8 =	vld.idx.msk [tilespmem:v6+s4+$0x10 ss:$0x1], $0xffff  }
0x1ae: {  	v9 =	vld.idx.msk [tilespmem:v6+s4+$0x20 ss:$0x1], $0xffff  }
0x1af: {  	v6 =	vld.idx.msk [tilespmem:v6+s4+$0x30 ss:$0x1], $0xffff;
	_ =	sdelay $0x2  }
0x1b0: {  	v10 =	vor.u32 v7, v8  }
0x1b1: {  	v10 =	vor.u32 v9, v10  }
0x1b2: {  	v10 =	vor.u32 v6, v10  }
0x1b3: {  	vm1 =	vne.s32 v10, $0x0  }
0x1b4: {  	v10 =	vmpcnt.ones.xlane vm1;
	_ =	sdelay $0x1  }
0x1b5: {  	(v2sf) =	vpush v10, $0x0;
	_ =	sdelay $0xe  }
0x1b6: {  	s0 =	spop (v2sf)  }
0x1b7: {  	p1 =	slt.s32 s0, $0x1  }
0x1b8: {  	vm4 =	vne.s32 @!p1 v7, $0x0  }
0x1b9: {  	v7 =	vmpcnt.ones.xlane @!p1 vm4;
	_ =	sdelay $0x1  }
0x1ba: {  	(v2sf) =	vpush @!p1 v7, $0x0  }
0x1bb: {  	vm3 =	vne.s32 @!p1 v8, $0x0  }
0x1bc: {  	v7 =	vmpcnt.ones.xlane @!p1 vm3;
	_ =	sdelay $0x1  }
0x1bd: {  	(v2sf) =	vpush @!p1 v7, $0x0  }
0x1be: {  	vm2 =	vne.s32 @!p1 v9, $0x0  }
0x1bf: {  	v7 =	vmpcnt.ones.xlane @!p1 vm2;
	_ =	sdelay $0x1  }
0x1c0: {  	(v2sf) =	vpush @!p1 v7, $0x0  }
0x1c1: {  	vm1 =	vne.s32 @!p1 v6, $0x0  }
0x1c2: {  	v6 =	vmpcnt.ones.xlane @!p1 vm1;
	_ =	sdelay $0x1  }
0x1c3: {  	(v2sf) =	vpush @!p1 v6, $0x0  }
0x1c4: {  	p2 =	por !p2, p0  }
0x1c5: {  	s14 =	simm.s32 @p2 $0x37F0  }
0x1c6: {  	s14 =	smov.u32 @p0 s16;
	s0 =	spop @!p1 (v2sf)  }
0x1c7: {  	s0 =	sadd.s32 @!p1 s14, s0  }
0x1c8: {  	p0 =	slt.s32 @!p1 s0, $0x37F0  }
0x1c9: {  	p0 =	por !p0, p1  }
0x1ca: {  	s3 =	spop @!p1 (v2sf);
	s0 =	simm.s32 @p0 $0x37F0  }
0x1cb: {  	s3 =	sadd.s32 @!p1 s0, s3  }
0x1cc: {  	p0 =	slt.s32 @!p1 s3, $0x37F0  }
0x1cd: {  	p0 =	por !p0, p1  }
0x1ce: {  	s4 =	sadd.s32 @!p1 $0x1E00, s11;
	v6 =	vlaneseq.u32 @!p1;
	s12 =	spop @!p1 (v2sf);
	s3 =	simm.s32 @p0 $0x37F0  }
0x1cf: {  	v7 =	vor.u32 @!p1 s4, v6;
	s4 =	sadd.s32 @!p1 s3, s12  }
0x1d0: {  	p0 =	slt.s32 @!p1 s4, $0x37F0  }
0x1d1: {  	p0 =	por !p0, p1  }
0x1d2: {  	s13 =	spop @!p1 (v2sf);
	s4 =	simm.s32 @p0 $0x37F0  }
0x1d3: {  	s16 =	sadd.s32 @!p1 s4, s13  }
0x1d4: {  	[tilespmem:s14+$0x5000] =	vst.msk @!p1 vm4, v7;
	s12 =	sadd.s32 @!p1 $0x1E10, s11;
	p0 =	slt.s32 @!p1 s16, $0x37F0  }
0x1d5: {  	s10 =	sadd.s32 $0x1, s10;
	[tilespmem:s14+$0x8800] =	vst.msk @!p1 vm4, v5;
	v7 =	vor.u32 @!p1 s12, v6;
	p0 =	por !p0, p1  }
0x1d6: {  	s12 =	sadd.s32 @!p1 $0x1E20, s11;
	[tilespmem:s0+$0x5000] =	vst.msk @!p1 vm3, v7;
	s16 =	simm.s32 @p0 $0x37F0;
	p0 =	sne.s32 s10, $0x8  }
.Ltmp7:
0x1d7: {  	v7 =	vor.u32 @!p1 s12, v6;
	[tilespmem:s0+$0x8800] =	vst.msk @!p1 vm3, v5;
	(pc) =	sbr.rel @p0 .LBB2_14-.Ltmp7, $4  }
0x1d8: {  	s0 =	sadd.s32 @!p1 $0x1E30, s11;
	[tilespmem:s3+$0x5000] =	vst.msk @!p1 vm2, v7  }
0x1d9: {  	v6 =	vor.u32 @!p1 s0, v6;
	[tilespmem:s3+$0x8800] =	vst.msk @!p1 vm2, v5  }
0x1da: {  	[tilespmem:s4+$0x5000] =	vst.msk @!p1 vm1, v6  }
0x1db: {  	[tilespmem:s4+$0x8800] =	vst.msk @!p1 vm1, v5;
	s16 =	smov.u32 @p1 s14  }
0x1dc: {  	_ =	swait.ge [sflag:s17], $0x2800  }
0x1dd: {  	[sflag:s17] =	ssyncset.done $0x0  }
0x1de: {  	s1 =	simm.s32 $0x0;
	s10 =	simm.s32 $0x0;
	[sflag:s17] =	ssyncadd.s32 $0xFFFFD800  }
.LBB2_18:
0x1df: {  	s0 =	sshll.u32 s10, $0x7  }
0x1e0: {  	v6 =	vmov s0;
	_ =	sdelay $0x2  }
0x1e1: {  	s28 =	sand.u32 $0x40, s1;
	s3 =	sand.u32 $0x3C00, s1  }
0x1e2: {  	s0 =	sor.u32 s28, s3  }
0x1e3: {  	v5 =	vld.idx.msk [tilespmem:v6+s0+$0x2800 ss:$0x1], $0xffff  }
0x1e4: {  	v7 =	vld.idx.msk [tilespmem:v6+s0+$0x2810 ss:$0x1], $0xffff  }
0x1e5: {  	v8 =	vld.idx.msk [tilespmem:v6+s0+$0x2820 ss:$0x1], $0xffff  }
0x1e6: {  	v9 =	vld.idx.msk [tilespmem:v6+s0+$0x2830 ss:$0x1], $0xffff;
	_ =	sdelay $0x2  }
0x1e7: {  	v10 =	vor.u32 v5, v7  }
0x1e8: {  	v10 =	vor.u32 v8, v10  }
0x1e9: {  	v10 =	vor.u32 v9, v10  }
0x1ea: {  	vm1 =	vne.s32 v10, $0x0  }
0x1eb: {  	v10 =	vmpcnt.ones.xlane vm1;
	_ =	sdelay $0x1  }
0x1ec: {  	(v2sf) =	vpush v10, $0x0;
	_ =	sdelay $0xe  }
0x1ed: {  	s29 =	spop (v2sf)  }
0x1ee: {  	p0 =	slt.s32 s29, $0x1  }
0x1ef: {  	vm4 =	vne.s32 @!p0 v5, $0x0  }
0x1f0: {  	v5 =	vmpcnt.ones.xlane @!p0 vm4;
	_ =	sdelay $0x1  }
0x1f1: {  	(v2sf) =	vpush @!p0 v5, $0x0  }
0x1f2: {  	vm3 =	vne.s32 @!p0 v7, $0x0  }
0x1f3: {  	v5 =	vmpcnt.ones.xlane @!p0 vm3;
	_ =	sdelay $0x1  }
0x1f4: {  	(v2sf) =	vpush @!p0 v5, $0x0  }
0x1f5: {  	vm2 =	vne.s32 @!p0 v8, $0x0  }
0x1f6: {  	v5 =	vmpcnt.ones.xlane @!p0 vm2;
	_ =	sdelay $0x1  }
0x1f7: {  	(v2sf) =	vpush @!p0 v5, $0x0  }
0x1f8: {  	vm1 =	vne.s32 @!p0 v9, $0x0  }
0x1f9: {  	v5 =	vmpcnt.ones.xlane @!p0 vm1;
	_ =	sdelay $0x1  }
0x1fa: {  	(v2sf) =	vpush @!p0 v5, $0x0;
	_ =	sdelay $0x2  }
0x1fb: {  	s0 =	spop @!p0 (v2sf)  }
0x1fc: {  	s0 =	sadd.s32 @!p0 s16, s0  }
0x1fd: {  	p1 =	slt.s32 @!p0 s0, $0x37F0  }
0x1fe: {  	p1 =	por !p1, p0  }
0x1ff: {  	s3 =	spop @!p0 (v2sf);
	s0 =	simm.s32 @p1 $0x37F0  }
0x200: {  	s4 =	simm.s32 @!p0 $0x2300;
	v7 =	vlaneseq.u32 @!p0;
	s3 =	sadd.s32 @!p0 s0, s3  }
0x201: {  	s11 =	sor.u32 s5, s10;
	v8 =	vor.u32 @!p0 s4, v7;
	p1 =	slt.s32 @!p0 s3, $0x37F0  }
0x202: {  	s4 =	simm.s32 @!p0 $0x2310;
	[tilespmem:s16+$0x5000] =	vst.msk @!p0 vm4, v8;
	v5 =	vmov s11;
	p1 =	por !p1, p0  }
0x203: {  	v8 =	vor.u32 @!p0 s4, v7;
	[tilespmem:s16+$0x8800] =	vst.msk @!p0 vm4, v5;
	s4 =	spop @!p0 (v2sf);
	s3 =	simm.s32 @p1 $0x37F0  }
0x204: {  	s11 =	simm.s32 @!p0 $0x2320;
	[tilespmem:s0+$0x5000] =	vst.msk @!p0 vm3, v8;
	s15 =	sadd.s32 @!p0 s3, s4  }
0x205: {  	v8 =	vor.u32 @!p0 s11, v7;
	[tilespmem:s0+$0x8800] =	vst.msk @!p0 vm3, v5;
	p1 =	slt.s32 @!p0 s15, $0x37F0  }
0x206: {  	s12 =	simm.s32 $0x200;
	s0 =	simm.s32 @!p0 $0x2330;
	[tilespmem:s3+$0x5000] =	vst.msk @!p0 vm2, v8;
	p1 =	por !p1, p0  }
0x207: {  	s11 =	simm.s32 $0x40;
	v7 =	vor.u32 @!p0 s0, v7;
	s0 =	spop @!p0 (v2sf);
	[tilespmem:s3+$0x8800] =	vst.msk @!p0 vm2, v5;
	s15 =	simm.s32 @p1 $0x37F0  }
0x208: {  	s31 =	sand.u32 $0x3C00, s12;
	s30 =	sand.u32 $0x40, s11;
	[tilespmem:s15+$0x5000] =	vst.msk @!p0 vm1, v7;
	s14 =	sadd.s32 @!p0 s15, s0  }
0x209: {  	s13 =	simm.s32 $0x80;
	s4 =	sor.u32 s30, s31;
	[tilespmem:s15+$0x8800] =	vst.msk @!p0 vm1, v5;
	p2 =	slt.s32 @!p0 s14, $0x37F0  }
.LBB2_19:
0x20a: {  	s0 =	smov.u32 s16;
	p2 =	por !p2, p0  }
0x20b: {  	s3 =	smov.u32 s13;
	s13 =	sadd.s32 $0x40, s13;
	v7 =	vld.idx.msk [tilespmem:v6+s4+$0x2820 ss:$0x1], $0xffff;
	s14 =	simm.s32 @p2 $0x37F0  }
0x20c: {  	p1 =	sne.s32 s13, $0x500;
	v8 =	vld.idx.msk [tilespmem:v6+s4+$0x2800 ss:$0x1], $0xffff;
	s16 =	smov.u32 s14  }
0x20d: {  	v9 =	vld.idx.msk [tilespmem:v6+s4+$0x2810 ss:$0x1], $0xffff;
	s16 =	smov.u32 @p0 s0  }
0x20e: {  	v10 =	vld.idx.msk [tilespmem:v6+s4+$0x2830 ss:$0x1], $0xffff;
	_ =	sdelay $0x4  }
0x20f: {  	v11 =	vor.u32 v8, v9  }
0x210: {  	v11 =	vor.u32 v7, v11  }
0x211: {  	v11 =	vor.u32 v10, v11  }
0x212: {  	vm1 =	vne.s32 v11, $0x0  }
0x213: {  	v11 =	vmpcnt.ones.xlane vm1;
	_ =	sdelay $0x1  }
0x214: {  	(v2sf) =	vpush v11, $0x0;
	_ =	sdelay $0xe  }
0x215: {  	s0 =	spop (v2sf)  }
0x216: {  	p0 =	slt.s32 s0, $0x1  }
0x217: {  	vm1 =	vne.s32 @!p0 v8, $0x0;
	s0 =	sadd.s32 @!p0 $0x2300, s11;
	v8 =	vlaneseq.u32 @!p0;
	s4 =	sadd.s32 @!p0 $0x2310, s11;
	s14 =	sadd.s32 @!p0 $0x2320, s11  }
0x218: {  	v11 =	vor.u32 @!p0 s0, v8;
	v12 =	vmpcnt.ones.xlane @!p0 vm1;
	v13 =	vor.u32 @!p0 s4, v8;
	s0 =	sadd.s32 @!p0 $0x2330, s11;
	s11 =	smov.u32 s3  }
0x219: {  	[tilespmem:s16+$0x5000] =	vst.msk @!p0 vm1, v11;
	v11 =	vor.u32 @!p0 s14, v8;
	v8 =	vor.u32 @!p0 s0, v8  }
0x21a: {  	vm3 =	vne.s32 @!p0 v9, $0x0;
	[tilespmem:s16+$0x8800] =	vst.msk @!p0 vm1, v5;
	(v2sf) =	vpush @!p0 v12, $0x0  }
0x21b: {  	v9 =	vmpcnt.ones.xlane @!p0 vm3;
	_ =	sdelay $0x1  }
0x21c: {  	(v2sf) =	vpush @!p0 v9, $0x0  }
0x21d: {  	vm2 =	vne.s32 @!p0 v7, $0x0  }
0x21e: {  	v7 =	vmpcnt.ones.xlane @!p0 vm2;
	_ =	sdelay $0x1  }
0x21f: {  	(v2sf) =	vpush @!p0 v7, $0x0  }
0x220: {  	vm1 =	vne.s32 @!p0 v10, $0x0  }
0x221: {  	v7 =	vmpcnt.ones.xlane @!p0 vm1;
	_ =	sdelay $0x1  }
0x222: {  	(v2sf) =	vpush @!p0 v7, $0x0;
	_ =	sdelay $0x3  }
0x223: {  	s0 =	spop @!p0 (v2sf)  }
0x224: {  	s0 =	sadd.s32 @!p0 s16, s0  }
0x225: {  	p2 =	slt.s32 @!p0 s0, $0x37F0  }
0x226: {  	p2 =	por !p2, p0;
	s3 =	spop @!p0 (v2sf)  }
0x227: {  	s0 =	simm.s32 @p2 $0x37F0  }
0x228: {  	[tilespmem:s0+$0x5000] =	vst.msk @!p0 vm3, v13;
	s3 =	sadd.s32 @!p0 s0, s3  }
0x229: {  	[tilespmem:s0+$0x8800] =	vst.msk @!p0 vm3, v5;
	p2 =	slt.s32 @!p0 s3, $0x37F0  }
0x22a: {  	p2 =	por !p2, p0;
	s0 =	spop @!p0 (v2sf)  }
0x22b: {  	s3 =	simm.s32 @p2 $0x37F0  }
0x22c: {  	[tilespmem:s3+$0x5000] =	vst.msk @!p0 vm2, v11;
	s0 =	sadd.s32 @!p0 s3, s0  }
.Ltmp8:
0x22d: {  	[tilespmem:s3+$0x8800] =	vst.msk @!p0 vm2, v5;
	p2 =	slt.s32 @!p0 s0, $0x37F0;
	(pc) =	sbr.rel @p1 .LBB2_19-.Ltmp8, $4  }
0x22e: {  	p2 =	por !p2, p0;
	s3 =	spop @!p0 (v2sf)  }
0x22f: {  	s12 =	sadd.s32 $0x200, s12;
	s0 =	simm.s32 @p2 $0x37F0  }
0x230: {  	s15 =	sand.u32 $0x3C00, s12;
	s4 =	sand.u32 $0x40, s11;
	[tilespmem:s0+$0x5000] =	vst.msk @!p0 vm1, v8;
	s14 =	sadd.s32 @!p0 s0, s3  }
0x231: {  	s4 =	sor.u32 s4, s15;
	[tilespmem:s0+$0x8800] =	vst.msk @!p0 vm1, v5;
	p2 =	slt.s32 @!p0 s14, $0x37F0  }
0x232: {  	_ =	sdelay $0x3  }
0x233: {  	v7 =	vld.idx.msk [tilespmem:v6+s4+$0x2800 ss:$0x1], $0xffff  }
0x234: {  	v8 =	vld.idx.msk [tilespmem:v6+s4+$0x2810 ss:$0x1], $0xffff  }
0x235: {  	v9 =	vld.idx.msk [tilespmem:v6+s4+$0x2820 ss:$0x1], $0xffff  }
0x236: {  	v6 =	vld.idx.msk [tilespmem:v6+s4+$0x2830 ss:$0x1], $0xffff;
	_ =	sdelay $0x2  }
0x237: {  	v10 =	vor.u32 v7, v8  }
0x238: {  	v10 =	vor.u32 v9, v10  }
0x239: {  	v10 =	vor.u32 v6, v10  }
0x23a: {  	vm1 =	vne.s32 v10, $0x0  }
0x23b: {  	v10 =	vmpcnt.ones.xlane vm1;
	_ =	sdelay $0x1  }
0x23c: {  	(v2sf) =	vpush v10, $0x0;
	_ =	sdelay $0xe  }
0x23d: {  	s0 =	spop (v2sf)  }
0x23e: {  	p1 =	slt.s32 s0, $0x1  }
0x23f: {  	vm4 =	vne.s32 @!p1 v7, $0x0  }
0x240: {  	v7 =	vmpcnt.ones.xlane @!p1 vm4;
	_ =	sdelay $0x1  }
0x241: {  	(v2sf) =	vpush @!p1 v7, $0x0  }
0x242: {  	vm3 =	vne.s32 @!p1 v8, $0x0  }
0x243: {  	v7 =	vmpcnt.ones.xlane @!p1 vm3;
	_ =	sdelay $0x1  }
0x244: {  	(v2sf) =	vpush @!p1 v7, $0x0  }
0x245: {  	vm2 =	vne.s32 @!p1 v9, $0x0  }
0x246: {  	v7 =	vmpcnt.ones.xlane @!p1 vm2;
	_ =	sdelay $0x1  }
0x247: {  	(v2sf) =	vpush @!p1 v7, $0x0  }
0x248: {  	vm1 =	vne.s32 @!p1 v6, $0x0  }
0x249: {  	v6 =	vmpcnt.ones.xlane @!p1 vm1;
	_ =	sdelay $0x1  }
0x24a: {  	(v2sf) =	vpush @!p1 v6, $0x0  }
0x24b: {  	p2 =	por !p2, p0  }
0x24c: {  	s14 =	simm.s32 @p2 $0x37F0  }
0x24d: {  	s14 =	smov.u32 @p0 s16;
	s0 =	spop @!p1 (v2sf)  }
0x24e: {  	s0 =	sadd.s32 @!p1 s14, s0  }
0x24f: {  	p0 =	slt.s32 @!p1 s0, $0x37F0  }
0x250: {  	p0 =	por !p0, p1  }
0x251: {  	s3 =	spop @!p1 (v2sf);
	s0 =	simm.s32 @p0 $0x37F0  }
0x252: {  	s3 =	sadd.s32 @!p1 s0, s3  }
0x253: {  	p0 =	slt.s32 @!p1 s3, $0x37F0  }
0x254: {  	p0 =	por !p0, p1  }
0x255: {  	s4 =	sadd.s32 @!p1 $0x2300, s11;
	v6 =	vlaneseq.u32 @!p1;
	s12 =	spop @!p1 (v2sf);
	s3 =	simm.s32 @p0 $0x37F0  }
0x256: {  	v7 =	vor.u32 @!p1 s4, v6;
	s4 =	sadd.s32 @!p1 s3, s12  }
0x257: {  	p0 =	slt.s32 @!p1 s4, $0x37F0  }
0x258: {  	p0 =	por !p0, p1  }
0x259: {  	s13 =	spop @!p1 (v2sf);
	s4 =	simm.s32 @p0 $0x37F0  }
0x25a: {  	s16 =	sadd.s32 @!p1 s4, s13  }
0x25b: {  	[tilespmem:s14+$0x5000] =	vst.msk @!p1 vm4, v7;
	s12 =	sadd.s32 @!p1 $0x2310, s11;
	p0 =	slt.s32 @!p1 s16, $0x37F0  }
0x25c: {  	s10 =	sadd.s32 $0x1, s10;
	[tilespmem:s14+$0x8800] =	vst.msk @!p1 vm4, v5;
	v7 =	vor.u32 @!p1 s12, v6;
	p0 =	por !p0, p1  }
0x25d: {  	s12 =	sadd.s32 @!p1 $0x2320, s11;
	[tilespmem:s0+$0x5000] =	vst.msk @!p1 vm3, v7;
	s16 =	simm.s32 @p0 $0x37F0;
	p0 =	sne.s32 s10, $0x8  }
.Ltmp9:
0x25e: {  	v7 =	vor.u32 @!p1 s12, v6;
	[tilespmem:s0+$0x8800] =	vst.msk @!p1 vm3, v5;
	(pc) =	sbr.rel @p0 .LBB2_18-.Ltmp9, $4  }
0x25f: {  	s0 =	sadd.s32 @!p1 $0x2330, s11;
	[tilespmem:s3+$0x5000] =	vst.msk @!p1 vm2, v7  }
0x260: {  	v6 =	vor.u32 @!p1 s0, v6;
	[tilespmem:s3+$0x8800] =	vst.msk @!p1 vm2, v5  }
0x261: {  	[tilespmem:s4+$0x5000] =	vst.msk @!p1 vm1, v6  }
0x262: {  	[tilespmem:s4+$0x8800] =	vst.msk @!p1 vm1, v5;
	s16 =	smov.u32 @p1 s14  }
0x263: {  	s1 =	simm.s32 $0x0;
	s0 =	rddreg [dreg:$0x7];
	s3 =	simm.s32 $0x8800  }
0x264: {  	[hbm4b:s0+s1] =	stream.linear.scatter [tilespmem:s3], [sflag:$0x7], $0x3800, $0x38;
	[tilespmem:$0x18000] =	vst v63  }
0x265: {  	_ =	swait.ge [sflag:s23], $0x3800  }
0x266: {  	[sflag:s23] =	ssyncset.done $0x0  }
0x267: {  	[sflag:s23] =	ssyncadd.s32 $0xFFFFC800  }
0x268: {  	v5 =	vld [tilespmem:$0x5000];
	_ =	sdelay $0x4  }
0x269: {  	v6 =	vshll.u32 v5, $0x1  }
0x26a: {  	v5 =	vand.u32 $0x7, v5;
	v6 =	vand.u32 $0xFFFFFFF0, v6  }
0x26b: {  	v5 =	vor.u32 v5, v6  }
0x26c: {  	v6 =	vperm.xlane v5, v2;
	_ =	sdelay $0x1  }
0x26d: {  	v5 =	vperm.xlane v5, v4;
	v6 =	vadd.s32 v3, v6;
	_ =	sdelay $0x1  }
0x26e: {  	v5 =	vadd.s32 v3, v5;
	_ =	sdelay $0x1  }
0x26f: {  	s3 =	simm.s32 $0xC000  }
0x270: {  	[tilespmem:s3], [sflag:$0x1] =	stream.indirect_vreg.gather [hbm4b:s7+s1], $0x80, v6, vm0, $0xb8;
	[tilespmem:$0x18000] =	vst v63  }
0x271: {  	s4 =	simm.s32 $0xC800  }
0x272: {  	[tilespmem:s4], [sflag:$0x1] =	stream.indirect_vreg.gather [hbm4b:s7+s1], $0x80, v5, vm0, $0xb8;
	[tilespmem:$0x18000] =	vst v63  }
0x273: {  	v5 =	vld [tilespmem:$0x5010];
	_ =	sdelay $0x4  }
0x274: {  	v6 =	vshll.u32 v5, $0x1  }
0x275: {  	v5 =	vand.u32 $0x7, v5;
	v6 =	vand.u32 $0xFFFFFFF0, v6  }
0x276: {  	v5 =	vor.u32 v5, v6  }
0x277: {  	v6 =	vperm.xlane v5, v2;
	_ =	sdelay $0x1  }
0x278: {  	v5 =	vperm.xlane v5, v4;
	v6 =	vadd.s32 v3, v6;
	_ =	sdelay $0x1  }
0x279: {  	v5 =	vadd.s32 v3, v5;
	_ =	sdelay $0x1  }
0x27a: {  	s13 =	simm.s32 $0xD000  }
0x27b: {  	[tilespmem:s13], [sflag:$0x1] =	stream.indirect_vreg.gather [hbm4b:s7+s1], $0x80, v6, vm0, $0xb8;
	[tilespmem:$0x18000] =	vst v63  }
0x27c: {  	s14 =	simm.s32 $0xD800  }
0x27d: {  	[tilespmem:s14], [sflag:$0x1] =	stream.indirect_vreg.gather [hbm4b:s7+s1], $0x80, v5, vm0, $0xb8;
	[tilespmem:$0x18000] =	vst v63  }
0x27e: {  	v5 =	vld [tilespmem:$0x5020];
	_ =	sdelay $0x4  }
0x27f: {  	v6 =	vshll.u32 v5, $0x1  }
0x280: {  	v5 =	vand.u32 $0x7, v5;
	v6 =	vand.u32 $0xFFFFFFF0, v6  }
0x281: {  	v5 =	vor.u32 v5, v6  }
0x282: {  	v6 =	vperm.xlane v5, v2;
	_ =	sdelay $0x1  }
0x283: {  	v5 =	vperm.xlane v5, v4;
	v6 =	vadd.s32 v3, v6;
	_ =	sdelay $0x1  }
0x284: {  	v5 =	vadd.s32 v3, v5;
	_ =	sdelay $0x1  }
0x285: {  	s15 =	simm.s32 $0xE000  }
0x286: {  	[tilespmem:s15], [sflag:$0x1] =	stream.indirect_vreg.gather [hbm4b:s7+s1], $0x80, v6, vm0, $0xb8;
	[tilespmem:$0x18000] =	vst v63  }
0x287: {  	s16 =	simm.s32 $0xE800  }
0x288: {  	[tilespmem:s16], [sflag:$0x1] =	stream.indirect_vreg.gather [hbm4b:s7+s1], $0x80, v5, vm0, $0xb8;
	[tilespmem:$0x18000] =	vst v63  }
0x289: {  	v5 =	vld [tilespmem:$0x5030];
	_ =	sdelay $0x4  }
0x28a: {  	v6 =	vshll.u32 v5, $0x1  }
0x28b: {  	v5 =	vand.u32 $0x7, v5;
	v6 =	vand.u32 $0xFFFFFFF0, v6  }
0x28c: {  	v5 =	vor.u32 v5, v6  }
0x28d: {  	v6 =	vperm.xlane v5, v2;
	_ =	sdelay $0x1  }
0x28e: {  	v5 =	vperm.xlane v5, v4;
	v6 =	vadd.s32 v3, v6;
	_ =	sdelay $0x1  }
0x28f: {  	v5 =	vadd.s32 v3, v5  }
0x290: {  	s24 =	simm.s32 $0x5000;
	s31 =	simm.s32 $0x13800;
	s29 =	simm.s32 $0xF800  }
0x291: {  	s6 =	simm.s32 $0xF000;
	s30 =	simm.s32 $0x12000;
	s17 =	simm.s32 $0x14800  }
0x292: {  	[tilespmem:s9], [sflag:$0x1] =	stream.indirect_vreg.gather [hbm4b:s7+s1], $0x80, v6, vm0, $0xb8;
	[tilespmem:$0x18000] =	vst v63  }
0x293: {  	s28 =	simm.s32 $0x40;
	s5 =	simm.s32 $0x4;
	s10 =	rddreg [dreg:$0xe]  }
0x294: {  	[tilespmem:s18], [sflag:$0x1] =	stream.indirect_vreg.gather [hbm4b:s7+s1], $0x80, v5, vm0, $0xb8;
	[tilespmem:$0x18000] =	vst v63  }
0x295: {  	s11 =	rddreg [dreg:$0xd];
	s9 =	simm.s32 $0x10000;
	s18 =	simm.s32 $0x12800  }
0x296: {  	[tilespmem:s22], [sflag:$0x2] =	stream.indirect.gather [hbm4b:s8+s19], $0x80, s24, s19, $0xb8;
	[tilespmem:$0x18000] =	vst v63  }
0x297: {  	s22 =	simm.s32 $0x14000;
	s24 =	simm.s32 $0x15000;
	s19 =	simm.s32 $0x1  }
.LBB2_22:
0x298: {  	s12 =	sshra.s32 s1, $0x2  }
0x299: {  	v5 =	vld [tilespmem:s12+$0x5040];
	_ =	sdelay $0x4  }
0x29a: {  	v6 =	vshll.u32 v5, $0x1  }
0x29b: {  	v5 =	vand.u32 $0x7, v5;
	v6 =	vand.u32 $0xFFFFFFF0, v6  }
0x29c: {  	v5 =	vor.u32 v5, v6  }
0x29d: {  	v6 =	vperm.xlane v5, v2;
	_ =	sdelay $0x1  }
0x29e: {  	v5 =	vperm.xlane v5, v4;
	v6 =	vadd.s32 v3, v6;
	_ =	sdelay $0x1  }
0x29f: {  	v5 =	vadd.s32 v3, v5;
	_ =	sdelay $0x2  }
0x2a0: {  	[tilespmem:s30], [sflag:$0x3] =	stream.indirect_vreg.gather [hbm4b:s7+s2], $0x80, v6, vm0, $0xb8;
	[tilespmem:$0x18000] =	vst v63  }
0x2a1: {  	_ = 	snop  }
0x2a2: {  	[tilespmem:s18], [sflag:$0x3] =	stream.indirect_vreg.gather [hbm4b:s7+s2], $0x80, v5, vm0, $0xb8;
	[tilespmem:$0x18000] =	vst v63  }
0x2a3: {  	v5 =	vld [tilespmem:s12+$0x5050];
	_ =	sdelay $0x4  }
0x2a4: {  	v6 =	vshll.u32 v5, $0x1  }
0x2a5: {  	v5 =	vand.u32 $0x7, v5;
	v6 =	vand.u32 $0xFFFFFFF0, v6  }
0x2a6: {  	v5 =	vor.u32 v5, v6  }
0x2a7: {  	v6 =	vperm.xlane v5, v2;
	_ =	sdelay $0x1  }
0x2a8: {  	v5 =	vperm.xlane v5, v4;
	v6 =	vadd.s32 v3, v6;
	_ =	sdelay $0x1  }
0x2a9: {  	v5 =	vadd.s32 v3, v5;
	_ =	sdelay $0x2  }
0x2aa: {  	[tilespmem:s21], [sflag:$0x3] =	stream.indirect_vreg.gather [hbm4b:s7+s2], $0x80, v6, vm0, $0xb8;
	[tilespmem:$0x18000] =	vst v63  }
0x2ab: {  	_ = 	snop  }
0x2ac: {  	[tilespmem:s31], [sflag:$0x3] =	stream.indirect_vreg.gather [hbm4b:s7+s2], $0x80, v5, vm0, $0xb8;
	[tilespmem:$0x18000] =	vst v63  }
0x2ad: {  	v5 =	vld [tilespmem:s12+$0x5060];
	_ =	sdelay $0x4  }
0x2ae: {  	v6 =	vshll.u32 v5, $0x1  }
0x2af: {  	v5 =	vand.u32 $0x7, v5;
	v6 =	vand.u32 $0xFFFFFFF0, v6  }
0x2b0: {  	v5 =	vor.u32 v5, v6  }
0x2b1: {  	v6 =	vperm.xlane v5, v2;
	_ =	sdelay $0x1  }
0x2b2: {  	v5 =	vperm.xlane v5, v4;
	v6 =	vadd.s32 v3, v6;
	_ =	sdelay $0x1  }
0x2b3: {  	v5 =	vadd.s32 v3, v5;
	_ =	sdelay $0x2  }
0x2b4: {  	[tilespmem:s22], [sflag:$0x3] =	stream.indirect_vreg.gather [hbm4b:s7+s2], $0x80, v6, vm0, $0xb8;
	[tilespmem:$0x18000] =	vst v63  }
0x2b5: {  	_ = 	snop  }
0x2b6: {  	[tilespmem:s17], [sflag:$0x3] =	stream.indirect_vreg.gather [hbm4b:s7+s2], $0x80, v5, vm0, $0xb8;
	[tilespmem:$0x18000] =	vst v63  }
0x2b7: {  	v5 =	vld [tilespmem:s12+$0x5070];
	_ =	sdelay $0x4  }
0x2b8: {  	v6 =	vshll.u32 v5, $0x1  }
0x2b9: {  	v5 =	vand.u32 $0x7, v5;
	v6 =	vand.u32 $0xFFFFFFF0, v6  }
0x2ba: {  	v5 =	vor.u32 v5, v6  }
0x2bb: {  	v6 =	vperm.xlane v5, v2;
	_ =	sdelay $0x1  }
0x2bc: {  	v5 =	vperm.xlane v5, v4;
	v6 =	vadd.s32 v3, v6;
	_ =	sdelay $0x1  }
0x2bd: {  	v5 =	vadd.s32 v3, v5;
	_ =	sdelay $0x2  }
0x2be: {  	[tilespmem:s24], [sflag:$0x3] =	stream.indirect_vreg.gather [hbm4b:s7+s2], $0x80, v6, vm0, $0xb8;
	[tilespmem:$0x18000] =	vst v63  }
0x2bf: {  	s0 =	simm.s32 $0x15800  }
0x2c0: {  	[tilespmem:s0], [sflag:$0x3] =	stream.indirect_vreg.gather [hbm4b:s7+s2], $0x80, v5, vm0, $0xb8;
	[tilespmem:$0x18000] =	vst v63  }
0x2c1: {  	s0 =	sadd.s32 $0x5040, s12  }
0x2c2: {  	[tilespmem:s20], [sflag:$0x4] =	stream.indirect.gather [hbm4b:s8+s28], $0x80, s0, s28, $0xb8;
	[tilespmem:$0x18000] =	vst v63  }
0x2c3: {  	_ =	swait.ge [sflag:s19], $0x4000  }
0x2c4: {  	[sflag:s19] =	ssyncset.done $0x0  }
0x2c5: {  	[sflag:s19] =	ssyncadd.s32 $0xFFFFC000  }
0x2c6: {  	_ =	swait.ge [sflag:s25], $0x2000  }
0x2c7: {  	[sflag:s25] =	ssyncset.done $0x0  }
0x2c8: {  	s0 =	sadd.s32 $0xFFFFF800, s11;
	[sflag:s25] =	ssyncadd.s32 $0xFFFFE000  }
0x2c9: {  	[hbm4b:s0+s2] =	stream.linear.scatter [tilespmem:s3], [sflag:$0x7], $0x4000, $0x38;
	[tilespmem:$0x18000] =	vst v63  }
0x2ca: {  	_ =	swait.ge [sflag:s23], $0x4000  }
0x2cb: {  	[sflag:s23] =	ssyncset.done $0x0  }
0x2cc: {  	s0 =	sadd.s32 $0xFFFFFC00, s10;
	[sflag:s23] =	ssyncadd.s32 $0xFFFFC000  }
0x2cd: {  	[hbm4b:s0+s2] =	stream.linear.scatter [tilespmem:s9], [sflag:$0x7], $0x2000, $0x38;
	[tilespmem:$0x18000] =	vst v63  }
0x2ce: {  	_ =	swait.ge [sflag:s23], $0x2000  }
0x2cf: {  	[sflag:s23] =	ssyncset.done $0x0  }
0x2d0: {  	[sflag:s23] =	ssyncadd.s32 $0xFFFFE000  }
0x2d1: {  	v5 =	vld [tilespmem:s12+$0x5080];
	_ =	sdelay $0x4  }
0x2d2: {  	v6 =	vshll.u32 v5, $0x1  }
0x2d3: {  	v5 =	vand.u32 $0x7, v5;
	v6 =	vand.u32 $0xFFFFFFF0, v6  }
0x2d4: {  	v5 =	vor.u32 v5, v6  }
0x2d5: {  	v6 =	vperm.xlane v5, v2;
	_ =	sdelay $0x1  }
0x2d6: {  	v5 =	vperm.xlane v5, v4;
	v6 =	vadd.s32 v3, v6;
	_ =	sdelay $0x1  }
0x2d7: {  	v5 =	vadd.s32 v3, v5;
	_ =	sdelay $0x2  }
0x2d8: {  	[tilespmem:s3], [sflag:$0x1] =	stream.indirect_vreg.gather [hbm4b:s7+s2], $0x80, v6, vm0, $0xb8;
	[tilespmem:$0x18000] =	vst v63  }
0x2d9: {  	_ = 	snop  }
0x2da: {  	[tilespmem:s4], [sflag:$0x1] =	stream.indirect_vreg.gather [hbm4b:s7+s2], $0x80, v5, vm0, $0xb8;
	[tilespmem:$0x18000] =	vst v63  }
0x2db: {  	v5 =	vld [tilespmem:s12+$0x5090];
	_ =	sdelay $0x4  }
0x2dc: {  	v6 =	vshll.u32 v5, $0x1  }
0x2dd: {  	v5 =	vand.u32 $0x7, v5;
	v6 =	vand.u32 $0xFFFFFFF0, v6  }
0x2de: {  	v5 =	vor.u32 v5, v6  }
0x2df: {  	v6 =	vperm.xlane v5, v2;
	_ =	sdelay $0x1  }
0x2e0: {  	v5 =	vperm.xlane v5, v4;
	v6 =	vadd.s32 v3, v6;
	_ =	sdelay $0x1  }
0x2e1: {  	v5 =	vadd.s32 v3, v5;
	_ =	sdelay $0x2  }
0x2e2: {  	[tilespmem:s13], [sflag:$0x1] =	stream.indirect_vreg.gather [hbm4b:s7+s2], $0x80, v6, vm0, $0xb8;
	[tilespmem:$0x18000] =	vst v63  }
0x2e3: {  	_ = 	snop  }
0x2e4: {  	[tilespmem:s14], [sflag:$0x1] =	stream.indirect_vreg.gather [hbm4b:s7+s2], $0x80, v5, vm0, $0xb8;
	[tilespmem:$0x18000] =	vst v63  }
0x2e5: {  	v5 =	vld [tilespmem:s12+$0x50A0];
	_ =	sdelay $0x4  }
0x2e6: {  	v6 =	vshll.u32 v5, $0x1  }
0x2e7: {  	v5 =	vand.u32 $0x7, v5;
	v6 =	vand.u32 $0xFFFFFFF0, v6  }
0x2e8: {  	v5 =	vor.u32 v5, v6  }
0x2e9: {  	v6 =	vperm.xlane v5, v2;
	_ =	sdelay $0x1  }
0x2ea: {  	v5 =	vperm.xlane v5, v4;
	v6 =	vadd.s32 v3, v6;
	_ =	sdelay $0x1  }
0x2eb: {  	v5 =	vadd.s32 v3, v5;
	_ =	sdelay $0x2  }
0x2ec: {  	[tilespmem:s15], [sflag:$0x1] =	stream.indirect_vreg.gather [hbm4b:s7+s2], $0x80, v6, vm0, $0xb8;
	[tilespmem:$0x18000] =	vst v63  }
0x2ed: {  	_ = 	snop  }
0x2ee: {  	[tilespmem:s16], [sflag:$0x1] =	stream.indirect_vreg.gather [hbm4b:s7+s2], $0x80, v5, vm0, $0xb8;
	[tilespmem:$0x18000] =	vst v63  }
0x2ef: {  	v5 =	vld [tilespmem:s12+$0x50B0];
	_ =	sdelay $0x4  }
0x2f0: {  	v6 =	vshll.u32 v5, $0x1  }
0x2f1: {  	v5 =	vand.u32 $0x7, v5;
	v6 =	vand.u32 $0xFFFFFFF0, v6  }
0x2f2: {  	v5 =	vor.u32 v5, v6  }
0x2f3: {  	v6 =	vperm.xlane v5, v2;
	_ =	sdelay $0x1  }
0x2f4: {  	v5 =	vperm.xlane v5, v4;
	v6 =	vadd.s32 v3, v6;
	_ =	sdelay $0x1  }
0x2f5: {  	v5 =	vadd.s32 v3, v5;
	_ =	sdelay $0x2  }
0x2f6: {  	[tilespmem:s6], [sflag:$0x1] =	stream.indirect_vreg.gather [hbm4b:s7+s2], $0x80, v6, vm0, $0xb8;
	[tilespmem:$0x18000] =	vst v63  }
0x2f7: {  	_ = 	snop  }
0x2f8: {  	[tilespmem:s29], [sflag:$0x1] =	stream.indirect_vreg.gather [hbm4b:s7+s2], $0x80, v5, vm0, $0xb8;
	[tilespmem:$0x18000] =	vst v63  }
0x2f9: {  	s12 =	sadd.s32 $0x5080, s12  }
0x2fa: {  	[tilespmem:s9], [sflag:$0x2] =	stream.indirect.gather [hbm4b:s8+s28], $0x80, s12, s28, $0xb8;
	[tilespmem:$0x18000] =	vst v63  }
0x2fb: {  	_ =	swait.ge [sflag:s26], $0x4000  }
0x2fc: {  	[sflag:s26] =	ssyncset.done $0x0  }
0x2fd: {  	[sflag:s26] =	ssyncadd.s32 $0xFFFFC000  }
0x2fe: {  	_ =	swait.ge [sflag:s5], $0x2000  }
0x2ff: {  	[sflag:s5] =	ssyncset.done $0x0  }
0x300: {  	[sflag:s5] =	ssyncadd.s32 $0xFFFFE000  }
0x301: {  	[hbm4b:s11+s2] =	stream.linear.scatter [tilespmem:s30], [sflag:$0x7], $0x4000, $0x38;
	[tilespmem:$0x18000] =	vst v63  }
0x302: {  	_ =	swait.ge [sflag:s23], $0x4000  }
0x303: {  	p0 =	sne.s32 s1, $0xDC00;
	[sflag:s23] =	ssyncset.done $0x0  }
.Ltmp10:
0x304: {  	[sflag:s23] =	ssyncadd.s32 $0xFFFFC000;
	(pc) =	sbr.rel @p0 .LBB2_22-.Ltmp10, $4  }
0x305: {  	[hbm4b:s10+s2] =	stream.linear.scatter [tilespmem:s20], [sflag:$0x7], $0x2000, $0x38;
	[tilespmem:$0x18000] =	vst v63  }
0x306: {  	_ =	swait.ge [sflag:s23], $0x2000  }
0x307: {  	s1 =	sadd.s32 $0x200, s1;
	[sflag:s23] =	ssyncset.done $0x0  }
0x308: {  	s11 =	sadd.s32 $0x1000, s11;
	s10 =	sadd.s32 $0x800, s10;
	[sflag:s23] =	ssyncadd.s32 $0xFFFFE000  }
0x309: {  	v5 =	vld [tilespmem:$0x87C0];
	_ =	sdelay $0x4  }
0x30a: {  	v6 =	vshll.u32 v5, $0x1  }
0x30b: {  	v5 =	vand.u32 $0x7, v5;
	v6 =	vand.u32 $0xFFFFFFF0, v6  }
0x30c: {  	v5 =	vor.u32 v5, v6  }
0x30d: {  	v6 =	vperm.xlane v5, v2;
	_ =	sdelay $0x1  }
0x30e: {  	v5 =	vperm.xlane v5, v4;
	v6 =	vadd.s32 v3, v6;
	_ =	sdelay $0x1  }
0x30f: {  	v5 =	vadd.s32 v3, v5;
	_ =	sdelay $0x2  }
0x310: {  	[tilespmem:s30], [sflag:$0x3] =	stream.indirect_vreg.gather [hbm4b:s7+s2], $0x80, v6, vm0, $0xb8;
	[tilespmem:$0x18000] =	vst v63  }
0x311: {  	_ = 	snop  }
0x312: {  	[tilespmem:s18], [sflag:$0x3] =	stream.indirect_vreg.gather [hbm4b:s7+s2], $0x80, v5, vm0, $0xb8;
	[tilespmem:$0x18000] =	vst v63  }
0x313: {  	v5 =	vld [tilespmem:$0x87D0];
	_ =	sdelay $0x4  }
0x314: {  	v6 =	vshll.u32 v5, $0x1  }
0x315: {  	v5 =	vand.u32 $0x7, v5;
	v6 =	vand.u32 $0xFFFFFFF0, v6  }
0x316: {  	v5 =	vor.u32 v5, v6  }
0x317: {  	v6 =	vperm.xlane v5, v2;
	_ =	sdelay $0x1  }
0x318: {  	v5 =	vperm.xlane v5, v4;
	v6 =	vadd.s32 v3, v6;
	_ =	sdelay $0x1  }
0x319: {  	v5 =	vadd.s32 v3, v5;
	_ =	sdelay $0x2  }
0x31a: {  	[tilespmem:s21], [sflag:$0x3] =	stream.indirect_vreg.gather [hbm4b:s7+s2], $0x80, v6, vm0, $0xb8;
	[tilespmem:$0x18000] =	vst v63  }
0x31b: {  	_ = 	snop  }
0x31c: {  	[tilespmem:s31], [sflag:$0x3] =	stream.indirect_vreg.gather [hbm4b:s7+s2], $0x80, v5, vm0, $0xb8;
	[tilespmem:$0x18000] =	vst v63  }
0x31d: {  	v5 =	vld [tilespmem:$0x87E0];
	_ =	sdelay $0x4  }
0x31e: {  	v6 =	vshll.u32 v5, $0x1  }
0x31f: {  	v5 =	vand.u32 $0x7, v5;
	v6 =	vand.u32 $0xFFFFFFF0, v6  }
0x320: {  	v5 =	vor.u32 v5, v6  }
0x321: {  	v6 =	vperm.xlane v5, v2;
	_ =	sdelay $0x1  }
0x322: {  	v5 =	vperm.xlane v5, v4;
	v6 =	vadd.s32 v3, v6;
	_ =	sdelay $0x1  }
0x323: {  	v5 =	vadd.s32 v3, v5;
	_ =	sdelay $0x2  }
0x324: {  	[tilespmem:s22], [sflag:$0x3] =	stream.indirect_vreg.gather [hbm4b:s7+s2], $0x80, v6, vm0, $0xb8;
	[tilespmem:$0x18000] =	vst v63  }
0x325: {  	_ = 	snop  }
0x326: {  	[tilespmem:s17], [sflag:$0x3] =	stream.indirect_vreg.gather [hbm4b:s7+s2], $0x80, v5, vm0, $0xb8;
	[tilespmem:$0x18000] =	vst v63  }
0x327: {  	v5 =	vld [tilespmem:$0x87F0];
	_ =	sdelay $0x4  }
0x328: {  	v6 =	vshll.u32 v5, $0x1  }
0x329: {  	v5 =	vand.u32 $0x7, v5;
	v6 =	vand.u32 $0xFFFFFFF0, v6  }
0x32a: {  	v5 =	vor.u32 v5, v6  }
0x32b: {  	v6 =	vperm.xlane v5, v2;
	_ =	sdelay $0x1  }
0x32c: {  	v5 =	vperm.xlane v5, v4;
	v6 =	vadd.s32 v3, v6;
	_ =	sdelay $0x1  }
0x32d: {  	v5 =	vadd.s32 v3, v5;
	_ =	sdelay $0x2  }
0x32e: {  	[tilespmem:s24], [sflag:$0x3] =	stream.indirect_vreg.gather [hbm4b:s7+s2], $0x80, v6, vm0, $0xb8;
	[tilespmem:$0x18000] =	vst v63  }
0x32f: {  	s0 =	simm.s32 $0x15800  }
0x330: {  	[tilespmem:s0], [sflag:$0x3] =	stream.indirect_vreg.gather [hbm4b:s7+s2], $0x80, v5, vm0, $0xb8;
	[tilespmem:$0x18000] =	vst v63  }
0x331: {  	s22 =	simm.s32 $0x87C0  }
0x332: {  	[tilespmem:s20], [sflag:$0x4] =	stream.indirect.gather [hbm4b:s8+s28], $0x80, s22, s28, $0xb8;
	[tilespmem:$0x18000] =	vst v63  }
0x333: {  	_ =	swait.ge [sflag:s19], $0x4000  }
0x334: {  	[sflag:s19] =	ssyncset.done $0x0  }
0x335: {  	[sflag:s19] =	ssyncadd.s32 $0xFFFFC000  }
0x336: {  	_ =	swait.ge [sflag:s25], $0x2000  }
0x337: {  	[sflag:s25] =	ssyncset.done $0x0  }
0x338: {  	s24 =	rddreg [dreg:$0x8];
	[sflag:s25] =	ssyncadd.s32 $0xFFFFE000  }
0x339: {  	[hbm4b:s24+s2] =	stream.linear.scatter [tilespmem:s3], [sflag:$0x7], $0x4000, $0x38;
	[tilespmem:$0x18000] =	vst v63  }
0x33a: {  	_ =	swait.ge [sflag:s23], $0x4000  }
0x33b: {  	[sflag:s23] =	ssyncset.done $0x0  }
0x33c: {  	s28 =	rddreg [dreg:$0x9];
	[sflag:s23] =	ssyncadd.s32 $0xFFFFC000  }
0x33d: {  	[hbm4b:s28+s2] =	stream.linear.scatter [tilespmem:s9], [sflag:$0x7], $0x2000, $0x38;
	[tilespmem:$0x18000] =	vst v63  }
0x33e: {  	_ =	swait.ge [sflag:s23], $0x2000  }
0x33f: {  	[sflag:s23] =	ssyncset.done $0x0  }
0x340: {  	[sflag:s23] =	ssyncadd.s32 $0xFFFFE000  }
0x341: {  	_ =	swait.ge [sflag:s26], $0x4000  }
0x342: {  	[sflag:s26] =	ssyncset.done $0x0  }
0x343: {  	[sflag:s26] =	ssyncadd.s32 $0xFFFFC000  }
0x344: {  	_ =	swait.ge [sflag:s5], $0x2000  }
0x345: {  	[sflag:s5] =	ssyncset.done $0x0  }
0x346: {  	s29 =	rddreg [dreg:$0xa];
	[sflag:s5] =	ssyncadd.s32 $0xFFFFE000  }
0x347: {  	[hbm4b:s29+s2] =	stream.linear.scatter [tilespmem:s30], [sflag:$0x7], $0x4000, $0x38;
	[tilespmem:$0x18000] =	vst v63  }
0x348: {  	_ =	swait.ge [sflag:s23], $0x4000  }
0x349: {  	[sflag:s23] =	ssyncset.done $0x0  }
0x34a: {  	s30 =	rddreg [dreg:$0xb];
	[sflag:s23] =	ssyncadd.s32 $0xFFFFC000  }
0x34b: {  	[hbm4b:s30+s2] =	stream.linear.scatter [tilespmem:s20], [sflag:$0x7], $0x2000, $0x38;
	[tilespmem:$0x18000] =	vst v63  }
0x34c: {  	_ =	swait.ge [sflag:s23], $0x2000  }
0x34d: {  	s1 =	rddreg [dreg:$0xf]  }
0x34e: {  	s31 =	rddreg [dreg:$0xc];
	s1 =	sadd.s32 $0x1, s1  }
0x34f: {  	p0 =	sne.s32 s1, s31  }
.Ltmp11:
0x350: {  	_ = 	snop;
	(pc) =	sbr.rel @p0 .LBB2_1-.Ltmp11, $4  }
0x351: {  	_ = 	snop  }
0x352: {  	s17 =	simm.s32 $0x6  }
0x353: {  	s22 =	simm.s32 $0x10000;
	[sflag:s23] =	ssyncset.done $0x0;
	s5 =	rddreg [dreg:$0x10]  }
0x354: {  	s9 =	simm.s32 $0x5;
	s6 =	rddreg [dreg:$0x11];
	[sflag:s23] =	ssyncadd.s32 $0xFFFFE000  }
0x355: {  	_ =	sfence.sel $0x180000  }
0x356: {  	[bflag:$0x0] =	sbarrier.arrive $0xFFFF  }
0x357: {  	_ =	strace $0x90000047  }
0x358: {  	s0 =	stileid.u32;
	[bflag:$0x2] =	sbarrier.arrive $0xFFFF  }
0x359: {  	p0 =	sne.s32 s0, $0x0;
	s0 =	rddreg [dreg:$0x2]  }
0x35a: {  	s0 =	sadd.s32 @!p0 $0x100000, s0  }
0x35b: {  	[sflag:s0] =	ssyncadd.tile.s32 @!p0 $0x1;
	_ =	shalt  }
.Lfunc_end2:
_tile_overlayer_lowered:
.L_overlay_start_2:
0x35c: {  	(tag) =	ssettag $0x2  }
0x35d: {  	s0 =	rddreg [dreg:$0x0];
	s2 =	stileid.u32  }
0x35e: {  	s1 =	rddreg [dreg:$0x1];
	p0 =	sne.s32 s2, $0x0  }
0x35f: {  	s3 =	rddreg [dreg:$0x2];
	[bflag:$0x3] =	sbarrier.arrive $0xFFFF;
	s2 =	simm.s32 @!p0 $0x1C07  }
0x360: {  	[timem:s3], [sflag:s2] =	dma.local @!p0 [hbm:s0], s1  }
0x361: {  	s0 =	simm.s32 @!p0 $0x7  }
0x362: {  	_ =	swait.ge @!p0 [sflag:s0], s1  }
0x363: {  	s1 =	ssub.s32 @!p0 $0x0, s1;
	[sflag:s0] =	ssyncset.done @!p0 $0x0  }
0x364: {  	[sflag:s0] =	ssyncadd.s32 @!p0 s1  }
0x365: {  	[bflag:$0x3] =	sbarrier.arrive $0xFFFF  }
0x366: {  	_ =	shalt  }

</sc_bundles>
